<compile_context>
chip_gen: v7x
topology: tpu7x:2x2x1
jax: 0.10.2.dev20260603
libtpu: 0.0.44.dev20260713+nightly
codegen_flags: <defaults>
</compile_context>

<pallas_src>
import functools

import jax
import jax.numpy as jnp
from jax import lax
from jax.experimental import pallas as pl
from jax.experimental.pallas import tpu as pltpu
from jax.experimental.pallas import tpu_sc as plsc

N = 10000
K = 16
E = N * K
NW = 32
CHUNK = 128
E_PAD = 163840
CH_PER_W = E_PAD // (NW * CHUNK)
T = 400
NT = N // T
RT = 2000
NRT = N // RT
QT = 256
NPAD = 10240
NB = NPAD // 128
DEPTH = 6

f32 = jnp.float32
i32 = jnp.int32


def _lrelu(h):
    return jnp.where(h > 0, h, 0.2 * h)




def _knn_body(pp_ref, qt_ref, out_ref, d3_ref, cd_ref, ci_ref):
    pp = pp_ref[...]
    qt = qt_ref[...]
    pn = jnp.sum(pp * pp, axis=1, keepdims=True)
    qn = jnp.sum(qt * qt, axis=0, keepdims=True)
    mm = jnp.dot(pp, qt, preferred_element_type=f32)
    d3_ref[...] = (pn + qn - 2.0 * mm).reshape(NB, 128, QT)

    rowio = lax.broadcasted_iota(i32, (NB, 128, QT), 1)
    blkio = lax.broadcasted_iota(i32, (NB, 1, QT), 0)

    def level(l, carry):
        d3 = d3_ref[...]
        m = jnp.min(d3, axis=1, keepdims=True)
        r = jnp.min(jnp.where(d3 == m, rowio, i32(128)),
                    axis=1, keepdims=True)
        d3_ref[...] = jnp.where(rowio == r, f32(3e38), d3)
        cd_ref[pl.ds(l * NB, NB), :] = m.reshape(NB, QT)
        ci_ref[pl.ds(l * NB, NB), :] = (r + blkio * 128).reshape(NB, QT)
        return carry

    lax.fori_loop(0, DEPTH, level, 0)

    cio = lax.broadcasted_iota(i32, (DEPTH * NB, QT), 0)
    k16 = lax.broadcasted_iota(i32, (K, QT), 0)

    def merge(k, acc):
        cd = cd_ref[...]
        ci = ci_ref[...]
        m = jnp.min(cd, axis=0, keepdims=True)
        eq = cd == m
        idx = jnp.min(jnp.where(eq, ci, i32(NPAD)), axis=0, keepdims=True)
        p = jnp.min(jnp.where(eq & (ci == idx), cio, i32(DEPTH * NB)),
                    axis=0, keepdims=True)
        cd_ref[...] = jnp.where(cio == p, f32(3e38), cd)
        return jnp.where(k16 == k, idx, acc)

    out_ref[...] = lax.fori_loop(0, K, merge, jnp.zeros((K, QT), i32))


def _knn(pos_pad, q8T):
    return pl.pallas_call(
        _knn_body,
        grid=(NPAD // QT,),
        in_specs=[
            pl.BlockSpec((NPAD, 8), lambda i: (0, 0)),
            pl.BlockSpec((8, QT), lambda i: (0, i)),
        ],
        out_specs=pl.BlockSpec((K, QT), lambda i: (0, i)),
        out_shape=jax.ShapeDtypeStruct((K, NPAD), i32),
        scratch_shapes=[pltpu.VMEM((NB, 128, QT), f32),
                        pltpu.VMEM((DEPTH * NB, QT), f32),
                        pltpu.VMEM((DEPTH * NB, QT), i32)],
    )(pos_pad, q8T)




def _linstat(heads):
    in_specs, args, douts = [], [], []
    for (x, sc, sh, w, b) in heads:
        din, dout = w.shape
        douts.append(dout)
        in_specs.append(pl.BlockSpec((RT, din), lambda i: (i, 0)))
        args.append(x)
        if sc is not None:
            in_specs.append(pl.BlockSpec((1, din), lambda i: (0, 0)))
            args.append(sc)
            in_specs.append(pl.BlockSpec((1, din), lambda i: (0, 0)))
            args.append(sh)
        in_specs.append(pl.BlockSpec((din, dout), lambda i: (0, 0)))
        args.append(w)
        in_specs.append(pl.BlockSpec((1, dout), lambda i: (0, 0)))
        args.append(b)

    out_specs, out_shapes = [], []
    for dout in douts:
        out_specs += [
            pl.BlockSpec((RT, dout), lambda i: (i, 0)),
            pl.BlockSpec((1, dout), lambda i: (0, 0)),
            pl.BlockSpec((1, dout), lambda i: (0, 0)),
        ]
        out_shapes += [
            jax.ShapeDtypeStruct((N, dout), f32),
            jax.ShapeDtypeStruct((1, dout), f32),
            jax.ShapeDtypeStruct((1, dout), f32),
        ]

    has_pre = [h[1] is not None for h in heads]

    def body(*refs):
        i = pl.program_id(0)
        pos = 0
        ins = []
        for hp in has_pre:
            n_in = 5 if hp else 3
            ins.append(refs[pos:pos + n_in])
            pos += n_in
        outs = refs[pos:]
        for hi, hrefs in enumerate(ins):
            if has_pre[hi]:
                x_ref, sc_ref, sh_ref, w_ref, b_ref = hrefs
                x = _lrelu(x_ref[...] * sc_ref[...] + sh_ref[...])
            else:
                x_ref, w_ref, b_ref = hrefs
                x = x_ref[...]
            t = jnp.dot(x, w_ref[...], preferred_element_type=f32) + b_ref[...]
            t_ref, s_ref, q_ref = outs[3 * hi:3 * hi + 3]
            t_ref[...] = t

            @pl.when(i == 0)
            def _():
                s_ref[...] = jnp.zeros_like(s_ref)
                q_ref[...] = jnp.zeros_like(q_ref)

            s_ref[...] += jnp.sum(t, axis=0, keepdims=True)
            q_ref[...] += jnp.sum(t * t, axis=0, keepdims=True)

    flat = pl.pallas_call(
        body,
        grid=(NRT,),
        in_specs=in_specs,
        out_specs=out_specs,
        out_shape=out_shapes,
    )(*args)
    return [tuple(flat[3 * i:3 * i + 3]) for i in range(len(heads))]


def _bn_fold(s, q, n, g, be):
    m = s / n
    v = q / n - m * m
    scale = g[None, :] / jnp.sqrt(v + 1e-6)
    shift = be[None, :] - m * scale
    return scale, shift




def _s2b_body(tsc_ref, t1_ref, p8_ref, scs_ref, sch_ref, h1s_ref, h1h_ref,
              adg_ref, cdg_ref, bdg_ref, aen_ref, cen_ref, ben_ref,
              sc_out, ae1_out, u1_out, tab_out):
    sc_out[...] = tsc_ref[...] * scs_ref[...] + sch_ref[...]
    h1 = _lrelu(t1_ref[...] * h1s_ref[...] + h1h_ref[...])
    p8 = p8_ref[...]
    ae1_out[...] = jnp.dot(p8, aen_ref[...], preferred_element_type=f32) + ben_ref[...]
    u1_out[...] = jnp.dot(h1, adg_ref[...], preferred_element_type=f32) + bdg_ref[...]
    ce1 = jnp.dot(p8, cen_ref[...], preferred_element_type=f32)
    w1 = jnp.dot(h1, cdg_ref[...], preferred_element_type=f32)
    tab_out[...] = jnp.concatenate(
        [h1, ce1, w1, p8[:, 0:3], jnp.zeros((RT, 61), f32)], axis=1)


def _s2b(t_sc, t1, pos8, consts):
    vec = lambda c: pl.BlockSpec((1, c), lambda i: (0, 0))
    mat = lambda a, b: pl.BlockSpec((a, b), lambda i: (0, 0))
    return pl.pallas_call(
        _s2b_body,
        grid=(NRT,),
        in_specs=[
            pl.BlockSpec((RT, 128), lambda i: (i, 0)),
            pl.BlockSpec((RT, 16), lambda i: (i, 0)),
            pl.BlockSpec((RT, 8), lambda i: (i, 0)),
            vec(128), vec(128), vec(16), vec(16),
            mat(16, 32), mat(16, 32), vec(32),
            mat(8, 16), mat(8, 16), vec(16),
        ],
        out_specs=[
            pl.BlockSpec((RT, 128), lambda i: (i, 0)),
            pl.BlockSpec((RT, 16), lambda i: (i, 0)),
            pl.BlockSpec((RT, 32), lambda i: (i, 0)),
            pl.BlockSpec((RT, 128), lambda i: (i, 0)),
        ],
        out_shape=[
            jax.ShapeDtypeStruct((N, 128), f32),
            jax.ShapeDtypeStruct((N, 16), f32),
            jax.ShapeDtypeStruct((N, 32), f32),
            jax.ShapeDtypeStruct((N, 128), f32),
        ],
    )(t_sc, t1, pos8, *consts)




def _sc_gather_rows(table, idx3, rowlen):
    mesh = plsc.VectorSubcoreMesh(core_axis_name="c", subcore_axis_name="s")

    def body(idx_hbm, tab_hbm, out_hbm, idx0, idx1, rows0, rows1, sem0, sem1):
        wid = lax.axis_index("s") * 2 + lax.axis_index("c")
        base = wid * CH_PER_W

        def start(iv, rv, sem, c):
            pltpu.sync_copy(idx_hbm.at[wid, c], iv)
            pltpu.async_copy(tab_hbm.at[iv], rv, sem)

        def finish(iv, rv, sem, c):
            pltpu.make_async_copy(tab_hbm.at[iv], rv, sem).wait()
            pltpu.sync_copy(rv, out_hbm.at[pl.ds((base + c) * CHUNK, CHUNK)])

        start(idx0, rows0, sem0, 0)

        def pair(i, carry):
            c = 2 * i
            start(idx1, rows1, sem1, c + 1)
            finish(idx0, rows0, sem0, c)

            @pl.when(c + 2 < CH_PER_W)
            def _():
                start(idx0, rows0, sem0, c + 2)

            finish(idx1, rows1, sem1, c + 1)
            return carry

        lax.fori_loop(0, CH_PER_W // 2, pair, 0)

    return pl.kernel(
        body,
        out_type=jax.ShapeDtypeStruct((E_PAD, rowlen), f32),
        mesh=mesh,
        scratch_types=[
            pltpu.VMEM((CHUNK,), i32),
            pltpu.VMEM((CHUNK,), i32),
            pltpu.VMEM((CHUNK, rowlen), f32),
            pltpu.VMEM((CHUNK, rowlen), f32),
            pltpu.SemaphoreType.DMA,
            pltpu.SemaphoreType.DMA,
        ],
    )(idx3, table)




def _edge_pre(g3, ae_ref, u_ref, wd_ref, c, dist3):
    henc3 = (ae_ref[...][:, None, :] + g3[:, :, c:2 * c]
             + dist3 * wd_ref[...].reshape(1, 1, c))
    hdg3 = u_ref[...][:, None, :] + g3[:, :, 2 * c:4 * c]
    return henc3, hdg3


def _edge_stats(gath, ae, u, dist_or_pos, wd, c, rl, first):
    def body(g_ref, ae_ref, u_ref, dp_ref, wd_ref, se, qe, sd, qd, *dout):
        i = pl.program_id(0)
        g3 = g_ref[...].reshape(T, K, rl)
        if first:
            pd3 = g3[:, :, 4 * c:4 * c + 3] - dp_ref[...][:, None, 0:3]
            dist3 = jnp.sqrt(jnp.maximum(
                jnp.sum(pd3 * pd3, axis=2, keepdims=True), 1e-12))
            dout[0][...] = jnp.broadcast_to(dist3, (T, K, 8))
        else:
            dist3 = dp_ref[...][:, :, 0:1]
        henc3, hdg3 = _edge_pre(g3, ae_ref, u_ref, wd_ref, c, dist3)

        @pl.when(i == 0)
        def _():
            se[...] = jnp.zeros_like(se)
            qe[...] = jnp.zeros_like(qe)
            sd[...] = jnp.zeros_like(sd)
            qd[...] = jnp.zeros_like(qd)

        se[...] += jnp.sum(jnp.sum(henc3, axis=1), axis=0, keepdims=True)
        qe[...] += jnp.sum(jnp.sum(henc3 * henc3, axis=1), axis=0, keepdims=True)
        sd[...] += jnp.sum(jnp.sum(hdg3, axis=1), axis=0, keepdims=True)
        qd[...] += jnp.sum(jnp.sum(hdg3 * hdg3, axis=1), axis=0, keepdims=True)

    dp_spec = (pl.BlockSpec((T, 8), lambda i: (i, 0)) if first
               else pl.BlockSpec((T, K, 8), lambda i: (i, 0, 0)))
    out_specs = [pl.BlockSpec((1, c), lambda i: (0, 0)),
                 pl.BlockSpec((1, c), lambda i: (0, 0)),
                 pl.BlockSpec((1, 2 * c), lambda i: (0, 0)),
                 pl.BlockSpec((1, 2 * c), lambda i: (0, 0))]
    out_shape = [jax.ShapeDtypeStruct((1, c), f32),
                 jax.ShapeDtypeStruct((1, c), f32),
                 jax.ShapeDtypeStruct((1, 2 * c), f32),
                 jax.ShapeDtypeStruct((1, 2 * c), f32)]
    if first:
        out_specs.append(pl.BlockSpec((T, K, 8), lambda i: (i, 0, 0)))
        out_shape.append(jax.ShapeDtypeStruct((N, K, 8), f32))

    return pl.pallas_call(
        body,
        grid=(NT,),
        in_specs=[
            pl.BlockSpec((K * T, rl), lambda i: (i, 0)),
            pl.BlockSpec((T, c), lambda i: (i, 0)),
            pl.BlockSpec((T, 2 * c), lambda i: (i, 0)),
            dp_spec,
            pl.BlockSpec((1, c), lambda i: (0, 0)),
        ],
        out_specs=out_specs,
        out_shape=out_shape,
    )(gath, ae, u, dist_or_pos, wd)


def _edge_aggr(gath, ae, u, dist3d, wd, enc_sc, enc_sh, dg_sc, dg_sh, watt,
               c, rl, with_raw):
    def body(g_ref, ae_ref, u_ref, d_ref, wd_ref, es_ref, eh_ref, ds_ref,
             dh_ref, w_ref, att_out, *maybe_raw):
        g3 = g_ref[...].reshape(T, K, rl)
        xj3 = g3[:, :, 0:c]
        dist3 = d_ref[...][:, :, 0:1]
        henc3, hdg3 = _edge_pre(g3, ae_ref, u_ref, wd_ref, c, dist3)
        lse3 = _lrelu(henc3 * es_ref[...].reshape(1, 1, c)
                      + eh_ref[...].reshape(1, 1, c))
        dg3 = _lrelu(hdg3 * ds_ref[...].reshape(1, 1, 2 * c)
                     + dh_ref[...].reshape(1, 1, 2 * c))
        local3 = jnp.concatenate([dg3, xj3, lse3], axis=2)
        att2 = jnp.dot(local3.reshape(T * K, 4 * c), w_ref[...],
                       preferred_element_type=f32)
        att3 = att2.reshape(T, K, 4 * c)
        m3 = jnp.max(att3, axis=1, keepdims=True)
        e3 = jnp.exp(att3 - m3)
        ssum3 = jnp.sum(e3, axis=1, keepdims=True)
        scores3 = e3 / (ssum3 + 1e-16)
        att_out[...] = jnp.sum(scores3 * local3, axis=1)
        if with_raw:
            maybe_raw[0][...] = jnp.sum(local3, axis=1)

    out_specs = [pl.BlockSpec((T, 4 * c), lambda i: (i, 0))]
    out_shape = [jax.ShapeDtypeStruct((N, 4 * c), f32)]
    if with_raw:
        out_specs.append(pl.BlockSpec((T, 4 * c), lambda i: (i, 0)))
        out_shape.append(jax.ShapeDtypeStruct((N, 4 * c), f32))

    return pl.pallas_call(
        body,
        grid=(NT,),
        in_specs=[
            pl.BlockSpec((K * T, rl), lambda i: (i, 0)),
            pl.BlockSpec((T, c), lambda i: (i, 0)),
            pl.BlockSpec((T, 2 * c), lambda i: (i, 0)),
            pl.BlockSpec((T, K, 8), lambda i: (i, 0, 0)),
            pl.BlockSpec((1, c), lambda i: (0, 0)),
            pl.BlockSpec((1, c), lambda i: (0, 0)),
            pl.BlockSpec((1, c), lambda i: (0, 0)),
            pl.BlockSpec((1, 2 * c), lambda i: (0, 0)),
            pl.BlockSpec((1, 2 * c), lambda i: (0, 0)),
            pl.BlockSpec((4 * c, 4 * c), lambda i: (0, 0)),
        ],
        out_specs=out_specs,
        out_shape=out_shape,
    )(gath, ae, u, dist3d, wd, enc_sc, enc_sh, dg_sc, dg_sh, watt)




def _s6b_body(tp_ref, tr_ref, p8_ref, ps_ref, ph_ref, rs_ref, rh_ref,
              adg_ref, cdg_ref, bdg_ref, aen_ref, cen_ref, ben_ref,
              rec_out, ae2_out, u2_out, tab_out):
    h2 = _lrelu(tp_ref[...] * ps_ref[...] + ph_ref[...])
    rec_out[...] = _lrelu(tr_ref[...] * rs_ref[...] + rh_ref[...])
    p8 = p8_ref[...]
    ae2_out[...] = jnp.dot(p8, aen_ref[...], preferred_element_type=f32) + ben_ref[...]
    u2_out[...] = jnp.dot(h2, adg_ref[...], preferred_element_type=f32) + bdg_ref[...]
    ce2 = jnp.dot(p8, cen_ref[...], preferred_element_type=f32)
    w2 = jnp.dot(h2, cdg_ref[...], preferred_element_type=f32)
    tab_out[...] = jnp.concatenate([h2, ce2, w2], axis=1)


def _s6b(t_post, t_raw, pos8, consts):
    vec = lambda c: pl.BlockSpec((1, c), lambda i: (0, 0))
    mat = lambda a, b: pl.BlockSpec((a, b), lambda i: (0, 0))
    return pl.pallas_call(
        _s6b_body,
        grid=(NRT,),
        in_specs=[
            pl.BlockSpec((RT, 32), lambda i: (i, 0)),
            pl.BlockSpec((RT, 128), lambda i: (i, 0)),
            pl.BlockSpec((RT, 8), lambda i: (i, 0)),
            vec(32), vec(32), vec(128), vec(128),
            mat(32, 64), mat(32, 64), vec(64),
            mat(8, 32), mat(8, 32), vec(32),
        ],
        out_specs=[
            pl.BlockSpec((RT, 128), lambda i: (i, 0)),
            pl.BlockSpec((RT, 32), lambda i: (i, 0)),
            pl.BlockSpec((RT, 64), lambda i: (i, 0)),
            pl.BlockSpec((RT, 128), lambda i: (i, 0)),
        ],
        out_shape=[
            jax.ShapeDtypeStruct((N, 128), f32),
            jax.ShapeDtypeStruct((N, 32), f32),
            jax.ShapeDtypeStruct((N, 64), f32),
            jax.ShapeDtypeStruct((N, 128), f32),
        ],
    )(t_post, t_raw, pos8, *consts)




def _s10c_body(tm_ref, sc_ref, s_ref, h_ref, out_ref):
    out_ref[...] = _lrelu(tm_ref[...] * s_ref[...] + h_ref[...] + sc_ref[...])


def _s10c(t_m, sc, scale, shift):
    return pl.pallas_call(
        _s10c_body,
        grid=(NRT,),
        in_specs=[
            pl.BlockSpec((RT, 128), lambda i: (i, 0)),
            pl.BlockSpec((RT, 128), lambda i: (i, 0)),
            pl.BlockSpec((1, 128), lambda i: (0, 0)),
            pl.BlockSpec((1, 128), lambda i: (0, 0)),
        ],
        out_specs=pl.BlockSpec((RT, 128), lambda i: (i, 0)),
        out_shape=jax.ShapeDtypeStruct((N, 128), f32),
    )(t_m, sc, scale, shift)




def _split3(w, c):
    a = w[0:c] - w[2 * c:3 * c]
    cc = w[c:2 * c] + w[2 * c:3 * c]
    return a, cc


def _split_enc(w):
    a = w[0:3] - w[6:9]
    cc = w[3:6] + w[6:9]
    pad = lambda m: jnp.concatenate([m, jnp.zeros((5, m.shape[1]), f32)], axis=0)
    return pad(a), pad(cc), w[9:10]


def kernel(pos, x, params):
    B = pos.shape[0]
    p = params
    pos2d = pos.reshape(N, 3)
    x2d = x.reshape(N, 128)
    pos8 = jnp.concatenate([pos2d, jnp.zeros((N, 5), f32)], axis=1)
    pos_pad = jnp.concatenate(
        [pos8, jnp.full((NPAD - N, 8), 1e3, f32)], axis=0)
    q8T = jnp.concatenate(
        [pos2d.T, jnp.full((3, NPAD - N), 1e3, f32)], axis=1)
    q8T = jnp.concatenate([q8T, jnp.zeros((5, NPAD), f32)], axis=0)

    nbrT = _knn(pos_pad, q8T)
    idx_flat = nbrT[:, :N].T.reshape(E)
    idx3 = jnp.concatenate(
        [idx_flat, jnp.zeros((E_PAD - E,), i32)]).reshape(NW, CH_PER_W, CHUNK)

    row = lambda v: v[None, :]

    (t_sc, s_sc, q_sc), (t1, s1, q1) = _linstat([
        (x2d, None, None, p["sc"]["W"], row(p["sc"]["b"])),
        (x2d, None, None, p["mlp1"]["W"], row(p["mlp1"]["b"])),
    ])
    sc_scale, sc_shift = _bn_fold(s_sc, q_sc, N, p["sc"]["g"], p["sc"]["be"])
    h1_scale, h1_shift = _bn_fold(s1, q1, N, p["mlp1"]["g"], p["mlp1"]["be"])

    l1, l2 = p["l1"], p["l2"]
    a_dg1, c_dg1 = _split3(l1["dg"]["W"], 16)
    a_en1, c_en1, wd1 = _split_enc(l1["enc"]["W"])
    sc_arr, ae1, u1, tab1 = _s2b(
        t_sc, t1, pos8,
        [sc_scale, sc_shift, h1_scale, h1_shift,
         a_dg1, c_dg1, row(l1["dg"]["b"]),
         a_en1, c_en1, row(l1["enc"]["b"])])

    gath1 = _sc_gather_rows(tab1, idx3, 128)
    se1, qe1, sd1, qd1, dist3d = _edge_stats(
        gath1, ae1, u1, pos8, wd1, 16, 128, True)
    enc1_sc, enc1_sh = _bn_fold(se1, qe1, E, l1["enc"]["g"], l1["enc"]["be"])
    dg1_sc, dg1_sh = _bn_fold(sd1, qd1, E, l1["dg"]["g"], l1["dg"]["be"])
    att1, raw1 = _edge_aggr(gath1, ae1, u1, dist3d, wd1, enc1_sc, enc1_sh,
                            dg1_sc, dg1_sh, l1["att"]["W"], 16, 128, True)

    (t_p1, s_p1, q_p1), (t_r1, s_r1, q_r1) = _linstat([
        (att1, None, None, l1["post"]["W"], row(l1["post"]["b"])),
        (raw1, None, None, l1["raw"]["W"], row(l1["raw"]["b"])),
    ])
    p1_scale, p1_shift = _bn_fold(s_p1, q_p1, N, l1["post"]["g"], l1["post"]["be"])
    r1_scale, r1_shift = _bn_fold(s_r1, q_r1, N, l1["raw"]["g"], l1["raw"]["be"])

    a_dg2, c_dg2 = _split3(l2["dg"]["W"], 32)
    a_en2, c_en2, wd2 = _split_enc(l2["enc"]["W"])
    rec, ae2, u2, tab2 = _s6b(
        t_p1, t_r1, pos8,
        [p1_scale, p1_shift, r1_scale, r1_shift,
         a_dg2, c_dg2, row(l2["dg"]["b"]),
         a_en2, c_en2, row(l2["enc"]["b"])])

    gath2 = _sc_gather_rows(tab2, idx3, 128)
    se2, qe2, sd2, qd2 = _edge_stats(
        gath2, ae2, u2, dist3d, wd2, 32, 128, False)
    enc2_sc, enc2_sh = _bn_fold(se2, qe2, E, l2["enc"]["g"], l2["enc"]["be"])
    dg2_sc, dg2_sh = _bn_fold(sd2, qd2, E, l2["dg"]["g"], l2["dg"]["be"])
    att2 = _edge_aggr(gath2, ae2, u2, dist3d, wd2, enc2_sc, enc2_sh,
                      dg2_sc, dg2_sh, l2["att"]["W"], 32, 128, False)[0]

    [(t_p2, s_p2, q_p2)] = _linstat([
        (att2, None, None, l2["post"]["W"], row(l2["post"]["b"])),
    ])
    p2_scale, p2_shift = _bn_fold(s_p2, q_p2, N, l2["post"]["g"], l2["post"]["be"])

    [(t_m, s_m, q_m)] = _linstat([
        (t_p2, p2_scale, p2_shift, p["mlp2"]["W"], row(p["mlp2"]["b"])),
    ])
    m_scale, m_shift = _bn_fold(s_m, q_m, N, p["mlp2"]["g"], p["mlp2"]["be"])

    out = _s10c(t_m, sc_arr, m_scale, m_shift)

    return (out.reshape(B, N, 128), pos2d.reshape(B, N, 3),
            rec.reshape(B, N, 128))

# --- scband reference (transcript-rebuilt; emitter-appended) ---
"""Pipeline reference for scband-dilated-residual-block-ran-la-39986145526182 (READ-ONLY COPY).

The authoritative reference and input builder live on the scoring server;
editing this copy changes nothing except your own understanding.
"""

import jax, jax.numpy as jnp
import numpy as np

D_IN = 128
D_OUT = 128
K = 16


def _mlp_p(key, din, dout):
    return {"W": jax.random.normal(key, (din, dout), jnp.float32) * 0.05,
            "b": jnp.zeros((dout,), jnp.float32),
            "g": jnp.ones((dout,), jnp.float32),
            "be": jnp.zeros((dout,), jnp.float32)}


def setup_inputs(seed: int = 0):
    key = jax.random.key(seed)
    ks = jax.random.split(key, 16)
    pos = jax.random.uniform(ks[0], (1, 10000, 3), jnp.float32)
    x = jax.random.normal(ks[1], (1, 10000, D_IN), jnp.float32)
    params = {
        "mlp1": _mlp_p(ks[2], D_IN, D_OUT // 8),
        "sc": _mlp_p(ks[3], D_IN, D_OUT),
        "mlp2": _mlp_p(ks[4], D_OUT // 2, D_OUT),
        "l1": {"enc": _mlp_p(ks[5], 10, 16),
               "dg": _mlp_p(ks[6], 48, 32),
               "att": {"W": jax.random.normal(ks[7], (64, 64), jnp.float32) * 0.05},
               "post": _mlp_p(ks[8], 64, 32),
               "raw": _mlp_p(ks[9], 64, 128)},
        "l2": {"enc": _mlp_p(ks[10], 10, 32),
               "dg": _mlp_p(ks[11], 96, 64),
               "att": {"W": jax.random.normal(ks[12], (128, 128), jnp.float32) * 0.05},
               "post": _mlp_p(ks[13], 128, 64)},
    }
    return {"pos": pos, "x": x, "params": params}


def _shared_mlp(h, p, act=True):
    # Linear -> BatchNorm1d (train mode, eps=1e-6) -> LeakyReLU(0.2)
    h = h @ p["W"] + p["b"]
    m = jnp.mean(h, axis=0)
    v = jnp.mean((h - m) ** 2, axis=0)
    h = (h - m) / jnp.sqrt(v + 1e-6) * p["g"] + p["be"]
    if act:
        h = jnp.where(h > 0, h, 0.2 * h)
    return h


def _knn_edges(pos2d, B, N, k):
    # knn_graph(pos, k, batch, loop=True): for each center node, k nearest
    # neighbors (including self); edges point neighbor(src) -> center(dst).
    srcs, dsts = [], []
    for b in range(B):
        p = pos2d[b * N:(b + 1) * N]
        pn = (p * p).sum(1)
        idxs = []
        chunk = 1024
        for s in range(0, N, chunk):
            q = p[s:s + chunk]
            d = (q * q).sum(1)[:, None] + pn[None, :] - 2.0 * (q @ p.T)
            _, idx = jax.lax.top_k(-d, k)
            idxs.append(idx)
        nbr = jnp.concatenate(idxs, axis=0)  # [N, k]
        srcs.append(nbr.reshape(-1) + b * N)
        dsts.append(jnp.repeat(jnp.arange(N), k) + b * N)
    return jnp.concatenate(srcs), jnp.concatenate(dsts)


def _lfa(x, pos, src, dst, N, p, return_both):
    x_j = x[src]
    x_i = x[dst]
    pos_j = pos[src]
    pos_i = pos[dst]
    pd = pos_j - pos_i
    dist = jnp.sqrt(jnp.maximum((pd * pd).sum(1, keepdims=True), 1e-12))
    rel = jnp.concatenate([pos_i, pos_j, pd, dist], axis=1)  # [E, 10]
    lse = _shared_mlp(rel, p["enc"])
    local = jnp.concatenate([x_j, lse], axis=1)
    ef = jnp.concatenate([x_i, x_j, x_j - x_i], axis=1)
    dg = _shared_mlp(ef, p["dg"])
    local = jnp.concatenate([dg, local], axis=1)  # [E, 2*channels]
    # attentive pooling: scatter-softmax over edges grouped by dst
    att = local @ p["att"]["W"]
    mx = jax.ops.segment_max(att, dst, num_segments=N)
    e = jnp.exp(att - mx[dst])
    sm = jax.ops.segment_sum(e, dst, num_segments=N)
    scores = e / (sm[dst] + 1e-16)
    att_out = jax.ops.segment_sum(scores * local, dst, num_segments=N)
    att_out = _shared_mlp(att_out, p["post"])
    if return_both:
        raw = jax.ops.segment_sum(local, dst, num_segments=N)
        raw = _shared_mlp(raw, p["raw"])
        return att_out, raw
    return att_out


def _forward(pos, x, params, src, dst):
    B, N, _ = x.shape
    xf = x.reshape(B * N, -1)
    pf = pos.reshape(B * N, -1)
    sc = _shared_mlp(xf, params["sc"], act=False)
    h = _shared_mlp(xf, params["mlp1"])
    h, rec = _lfa(h, pf, src, dst, B * N, params["l1"], True)
    h = _lfa(h, pf, src, dst, B * N, params["l2"], False)
    h = _shared_mlp(h, params["mlp2"], act=False)
    h = h + sc
    h = jnp.where(h > 0, h, 0.2 * h)
    return h.reshape(B, N, -1), pf.reshape(B, N, -1), rec.reshape(B, N, -1)


def reference(pos, x, params):
    B, N, _ = x.shape
    src, dst = _knn_edges(pos.reshape(B * N, -1), B, N, K)
    return _forward(pos, x, params, src, dst)

if __name__ == "__main__":
    import jax
    _d = setup_inputs()
    print(jax.jit(kernel)(*tuple(_d.values())))

</pallas_src>

<mosaic_0001>
#map = affine_map<(d0, d1) -> (0, 0, 0)>
#map1 = affine_map<(d0, d1) -> (0, 0)>
module attributes {stable_mosaic.version = 14 : i64} {
  func.func @body(%arg0: i32, %arg1: i32, %arg2: memref<32x40x128xi32, #tpu.memory_space<hbm>>, %arg3: memref<10000x128xf32, #tpu.memory_space<hbm>>, %arg4: memref<163840x128xf32, #tpu.memory_space<hbm>>, %arg5: memref<128xi32, #tpu.memory_space<vmem>>, %arg6: memref<128xi32, #tpu.memory_space<vmem>>, %arg7: memref<128x128xf32, #tpu.memory_space<vmem>>, %arg8: memref<128x128xf32, #tpu.memory_space<vmem>>, %arg9: memref<!tpu.dma_semaphore, #tpu.memory_space<semaphore_mem>>, %arg10: memref<!tpu.dma_semaphore, #tpu.memory_space<semaphore_mem>>) attributes {dimension_semantics = [#tpu.dimension_semantics<core_parallel>, #tpu.dimension_semantics<subcore_parallel>], iteration_bounds = array<i64: 2, 16>, scalar_prefetch = 0 : i64, scratch_operands = 6 : i64, tpu.core_type = #tpu.core_type<sc_vector_subcore>, window_params = [{transform_indices = #map}, {transform_indices = #map1}, {transform_indices = #map1}]} {
    %mul3A = arith.constant 2 : i32
    %mul3A_0 = arith.muli %arg1, %mul3A : i32
    %add3A = arith.addi %mul3A_0, %arg0 : i32
    %mul3A_1 = arith.constant 40 : i32
    %mul3A_2 = arith.muli %add3A, %mul3A_1 : i32
    %run_scoped3A = arith.constant 0 : i32
    "tpu.region"() ({
      %run_scoped3A_10 = tpu.sem_alloc : memref<!tpu.dma_semaphore, #tpu.memory_space<semaphore_mem>>
      %dma_start3A_11 = arith.constant 0 : i32
      %dma_start3A_12 = tpu.memref_slice %arg2[%add3A, %run_scoped3A, %dma_start3A_11] : memref<32x40x128xi32, #tpu.memory_space<hbm>> -> memref<1x1x128xi32, #tpu.memory_space<hbm>>
      %dma_start3A_13 = tpu.memref_squeeze %dma_start3A_12 : memref<1x1x128xi32, #tpu.memory_space<hbm>> -> memref<128xi32, #tpu.memory_space<hbm>>
      %dma_start3A_14 = arith.constant 0 : i32
      %dma_start3A_15 = tpu.memref_slice %arg2[%add3A, %run_scoped3A, %dma_start3A_14] : memref<32x40x128xi32, #tpu.memory_space<hbm>> -> memref<1x1x128xi32, #tpu.memory_space<hbm>>
      %dma_start3A_16 = tpu.memref_squeeze %dma_start3A_15 : memref<1x1x128xi32, #tpu.memory_space<hbm>> -> memref<128xi32, #tpu.memory_space<hbm>>
      tpu.enqueue_dma source(%dma_start3A_16 : memref<128xi32, #tpu.memory_space<hbm>>) target(%arg5 : memref<128xi32, #tpu.memory_space<vmem>>) target_semaphore(%run_scoped3A_10 : memref<!tpu.dma_semaphore, #tpu.memory_space<semaphore_mem>>)
      %dma_wait3A = arith.constant 0 : i32
      %dma_wait3A_17 = tpu.memref_slice %arg2[%add3A, %run_scoped3A, %dma_wait3A] : memref<32x40x128xi32, #tpu.memory_space<hbm>> -> memref<1x1x128xi32, #tpu.memory_space<hbm>>
      %dma_wait3A_18 = tpu.memref_squeeze %dma_wait3A_17 : memref<1x1x128xi32, #tpu.memory_space<hbm>> -> memref<128xi32, #tpu.memory_space<hbm>>
      %dma_wait3A_19 = arith.constant 0 : i32
      %dma_wait3A_20 = tpu.memref_slice %arg2[%add3A, %run_scoped3A, %dma_wait3A_19] : memref<32x40x128xi32, #tpu.memory_space<hbm>> -> memref<1x1x128xi32, #tpu.memory_space<hbm>>
      %dma_wait3A_21 = tpu.memref_squeeze %dma_wait3A_20 : memref<1x1x128xi32, #tpu.memory_space<hbm>> -> memref<128xi32, #tpu.memory_space<hbm>>
      tpu.wait_dma2 semaphore(%run_scoped3A_10 : memref<!tpu.dma_semaphore, #tpu.memory_space<semaphore_mem>>) src(%dma_wait3A_21 : memref<128xi32, #tpu.memory_space<hbm>>) dst(%arg5 : memref<128xi32, #tpu.memory_space<vmem>>)
      tpu.yield
    }) : () -> ()
    %dma_start3A = arith.constant 0 : i32
    %dma_start3A_3 = arith.constant 0 : i32
    %dma_start3A_4 = tpu.memref_slice %arg3[%dma_start3A, %dma_start3A_3] : memref<10000x128xf32, #tpu.memory_space<hbm>> -> memref<10000x128xf32, #tpu.memory_space<hbm>>
    tpu.enqueue_indirect_dma source(%dma_start3A_4 : memref<10000x128xf32, #tpu.memory_space<hbm>>) target(%arg7 : memref<128x128xf32, #tpu.memory_space<vmem>>) offsets(%arg5 : memref<128xi32, #tpu.memory_space<vmem>>) semaphore(%arg9 : memref<!tpu.dma_semaphore, #tpu.memory_space<semaphore_mem>>)
    %scan3A = arith.constant 0 : i32
    %scan3A_5 = arith.constant 0 : i32
    %scan3A_6 = arith.constant 20 : i32
    %scan3A_7 = arith.addi %scan3A_5, %scan3A_6 : i32
    %scan3A_8 = arith.constant 1 : i32
    scf.for %scan3A_10 = %scan3A_5 to %scan3A_7 step %scan3A_8  : i32 {
      %mul3A_11 = arith.constant 2 : i32
      %mul3A_12 = arith.muli %mul3A_11, %scan3A_10 : i32
      %add3A_13 = arith.constant 1 : i32
      %add3A_14 = arith.addi %mul3A_12, %add3A_13 : i32
      "tpu.region"() ({
        %run_scoped3A_35 = tpu.sem_alloc : memref<!tpu.dma_semaphore, #tpu.memory_space<semaphore_mem>>
        %dma_start3A_36 = arith.constant 0 : i32
        %dma_start3A_37 = tpu.memref_slice %arg2[%add3A, %add3A_14, %dma_start3A_36] : memref<32x40x128xi32, #tpu.memory_space<hbm>> -> memref<1x1x128xi32, #tpu.memory_space<hbm>>
        %dma_start3A_38 = tpu.memref_squeeze %dma_start3A_37 : memref<1x1x128xi32, #tpu.memory_space<hbm>> -> memref<128xi32, #tpu.memory_space<hbm>>
        %dma_start3A_39 = arith.constant 0 : i32
        %dma_start3A_40 = tpu.memref_slice %arg2[%add3A, %add3A_14, %dma_start3A_39] : memref<32x40x128xi32, #tpu.memory_space<hbm>> -> memref<1x1x128xi32, #tpu.memory_space<hbm>>
        %dma_start3A_41 = tpu.memref_squeeze %dma_start3A_40 : memref<1x1x128xi32, #tpu.memory_space<hbm>> -> memref<128xi32, #tpu.memory_space<hbm>>
        tpu.enqueue_dma source(%dma_start3A_41 : memref<128xi32, #tpu.memory_space<hbm>>) target(%arg6 : memref<128xi32, #tpu.memory_space<vmem>>) target_semaphore(%run_scoped3A_35 : memref<!tpu.dma_semaphore, #tpu.memory_space<semaphore_mem>>)
        %dma_wait3A_42 = arith.constant 0 : i32
        %dma_wait3A_43 = tpu.memref_slice %arg2[%add3A, %add3A_14, %dma_wait3A_42] : memref<32x40x128xi32, #tpu.memory_space<hbm>> -> memref<1x1x128xi32, #tpu.memory_space<hbm>>
        %dma_wait3A_44 = tpu.memref_squeeze %dma_wait3A_43 : memref<1x1x128xi32, #tpu.memory_space<hbm>> -> memref<128xi32, #tpu.memory_space<hbm>>
        %dma_wait3A_45 = arith.constant 0 : i32
        %dma_wait3A_46 = tpu.memref_slice %arg2[%add3A, %add3A_14, %dma_wait3A_45] : memref<32x40x128xi32, #tpu.memory_space<hbm>> -> memref<1x1x128xi32, #tpu.memory_space<hbm>>
        %dma_wait3A_47 = tpu.memref_squeeze %dma_wait3A_46 : memref<1x1x128xi32, #tpu.memory_space<hbm>> -> memref<128xi32, #tpu.memory_space<hbm>>
        tpu.wait_dma2 semaphore(%run_scoped3A_35 : memref<!tpu.dma_semaphore, #tpu.memory_space<semaphore_mem>>) src(%dma_wait3A_47 : memref<128xi32, #tpu.memory_space<hbm>>) dst(%arg6 : memref<128xi32, #tpu.memory_space<vmem>>)
        tpu.yield
      }) : () -> ()
      %dma_start3A_15 = arith.constant 0 : i32
      %dma_start3A_16 = arith.constant 0 : i32
      %dma_start3A_17 = tpu.memref_slice %arg3[%dma_start3A_15, %dma_start3A_16] : memref<10000x128xf32, #tpu.memory_space<hbm>> -> memref<10000x128xf32, #tpu.memory_space<hbm>>
      tpu.enqueue_indirect_dma source(%dma_start3A_17 : memref<10000x128xf32, #tpu.memory_space<hbm>>) target(%arg8 : memref<128x128xf32, #tpu.memory_space<vmem>>) offsets(%arg6 : memref<128xi32, #tpu.memory_space<vmem>>) semaphore(%arg10 : memref<!tpu.dma_semaphore, #tpu.memory_space<semaphore_mem>>)
      %dma_wait3A = arith.constant 0 : i32
      %dma_wait3A_18 = arith.constant 0 : i32
      %dma_wait3A_19 = tpu.memref_slice %arg3[%dma_wait3A, %dma_wait3A_18] : memref<10000x128xf32, #tpu.memory_space<hbm>> -> memref<10000x128xf32, #tpu.memory_space<hbm>>
      tpu.wait_indirect_dma semaphore(%arg9 : memref<!tpu.dma_semaphore, #tpu.memory_space<semaphore_mem>>) src(%dma_wait3A_19 : memref<10000x128xf32, #tpu.memory_space<hbm>>) dst(%arg7 : memref<128x128xf32, #tpu.memory_space<vmem>>)
      %add3A_20 = arith.addi %mul3A_2, %mul3A_12 : i32
      %mul3A_21 = arith.constant 128 : i32
      %mul3A_22 = arith.muli %add3A_20, %mul3A_21 : i32
      "tpu.region"() ({
        %run_scoped3A_35 = tpu.sem_alloc : memref<!tpu.dma_semaphore, #tpu.memory_space<semaphore_mem>>
        %dma_start3A_36 = arith.constant 0 : i32
        %dma_start3A_37 = tpu.memref_slice %arg4[%mul3A_22, %dma_start3A_36] : memref<163840x128xf32, #tpu.memory_space<hbm>> -> memref<128x128xf32, #tpu.memory_space<hbm>>
        %dma_start3A_38 = arith.constant 0 : i32
        %dma_start3A_39 = tpu.memref_slice %arg4[%mul3A_22, %dma_start3A_38] : memref<163840x128xf32, #tpu.memory_space<hbm>> -> memref<128x128xf32, #tpu.memory_space<hbm>>
        tpu.enqueue_dma source(%arg7 : memref<128x128xf32, #tpu.memory_space<vmem>>) target(%dma_start3A_39 : memref<128x128xf32, #tpu.memory_space<hbm>>) target_semaphore(%run_scoped3A_35 : memref<!tpu.dma_semaphore, #tpu.memory_space<semaphore_mem>>)
        %dma_wait3A_40 = arith.constant 0 : i32
        %dma_wait3A_41 = tpu.memref_slice %arg4[%mul3A_22, %dma_wait3A_40] : memref<163840x128xf32, #tpu.memory_space<hbm>> -> memref<128x128xf32, #tpu.memory_space<hbm>>
        %dma_wait3A_42 = arith.constant 0 : i32
        %dma_wait3A_43 = tpu.memref_slice %arg4[%mul3A_22, %dma_wait3A_42] : memref<163840x128xf32, #tpu.memory_space<hbm>> -> memref<128x128xf32, #tpu.memory_space<hbm>>
        tpu.wait_dma2 semaphore(%run_scoped3A_35 : memref<!tpu.dma_semaphore, #tpu.memory_space<semaphore_mem>>) src(%arg7 : memref<128x128xf32, #tpu.memory_space<vmem>>) dst(%dma_wait3A_43 : memref<128x128xf32, #tpu.memory_space<hbm>>)
        tpu.yield
      }) : () -> ()
      %add3A_23 = arith.constant 2 : i32
      %add3A_24 = arith.addi %mul3A_12, %add3A_23 : i32
      %lt3A = arith.constant 40 : i32
      %lt3A_25 = arith.cmpi slt, %add3A_24, %lt3A : i32
      %convert_element_type3A = arith.extui %lt3A_25 : i1 to i32
      %cond3A = arith.constant 0 : i32
      %cond3A_26 = arith.cmpi ne, %convert_element_type3A, %cond3A : i32
      scf.if %cond3A_26 {
        %add3A_35 = arith.constant 2 : i32
        %add3A_36 = arith.addi %mul3A_12, %add3A_35 : i32
        "tpu.region"() ({
          %run_scoped3A_40 = tpu.sem_alloc : memref<!tpu.dma_semaphore, #tpu.memory_space<semaphore_mem>>
          %dma_start3A_41 = arith.constant 0 : i32
          %dma_start3A_42 = tpu.memref_slice %arg2[%add3A, %add3A_36, %dma_start3A_41] : memref<32x40x128xi32, #tpu.memory_space<hbm>> -> memref<1x1x128xi32, #tpu.memory_space<hbm>>
          %dma_start3A_43 = tpu.memref_squeeze %dma_start3A_42 : memref<1x1x128xi32, #tpu.memory_space<hbm>> -> memref<128xi32, #tpu.memory_space<hbm>>
          %dma_start3A_44 = arith.constant 0 : i32
          %dma_start3A_45 = tpu.memref_slice %arg2[%add3A, %add3A_36, %dma_start3A_44] : memref<32x40x128xi32, #tpu.memory_space<hbm>> -> memref<1x1x128xi32, #tpu.memory_space<hbm>>
          %dma_start3A_46 = tpu.memref_squeeze %dma_start3A_45 : memref<1x1x128xi32, #tpu.memory_space<hbm>> -> memref<128xi32, #tpu.memory_space<hbm>>
          tpu.enqueue_dma source(%dma_start3A_46 : memref<128xi32, #tpu.memory_space<hbm>>) target(%arg5 : memref<128xi32, #tpu.memory_space<vmem>>) target_semaphore(%run_scoped3A_40 : memref<!tpu.dma_semaphore, #tpu.memory_space<semaphore_mem>>)
          %dma_wait3A_47 = arith.constant 0 : i32
          %dma_wait3A_48 = tpu.memref_slice %arg2[%add3A, %add3A_36, %dma_wait3A_47] : memref<32x40x128xi32, #tpu.memory_space<hbm>> -> memref<1x1x128xi32, #tpu.memory_space<hbm>>
          %dma_wait3A_49 = tpu.memref_squeeze %dma_wait3A_48 : memref<1x1x128xi32, #tpu.memory_space<hbm>> -> memref<128xi32, #tpu.memory_space<hbm>>
          %dma_wait3A_50 = arith.constant 0 : i32
          %dma_wait3A_51 = tpu.memref_slice %arg2[%add3A, %add3A_36, %dma_wait3A_50] : memref<32x40x128xi32, #tpu.memory_space<hbm>> -> memref<1x1x128xi32, #tpu.memory_space<hbm>>
          %dma_wait3A_52 = tpu.memref_squeeze %dma_wait3A_51 : memref<1x1x128xi32, #tpu.memory_space<hbm>> -> memref<128xi32, #tpu.memory_space<hbm>>
          tpu.wait_dma2 semaphore(%run_scoped3A_40 : memref<!tpu.dma_semaphore, #tpu.memory_space<semaphore_mem>>) src(%dma_wait3A_52 : memref<128xi32, #tpu.memory_space<hbm>>) dst(%arg5 : memref<128xi32, #tpu.memory_space<vmem>>)
          tpu.yield
        }) : () -> ()
        %dma_start3A_37 = arith.constant 0 : i32
        %dma_start3A_38 = arith.constant 0 : i32
        %dma_start3A_39 = tpu.memref_slice %arg3[%dma_start3A_37, %dma_start3A_38] : memref<10000x128xf32, #tpu.memory_space<hbm>> -> memref<10000x128xf32, #tpu.memory_space<hbm>>
        tpu.enqueue_indirect_dma source(%dma_start3A_39 : memref<10000x128xf32, #tpu.memory_space<hbm>>) target(%arg7 : memref<128x128xf32, #tpu.memory_space<vmem>>) offsets(%arg5 : memref<128xi32, #tpu.memory_space<vmem>>) semaphore(%arg9 : memref<!tpu.dma_semaphore, #tpu.memory_space<semaphore_mem>>)
      } else {
      }
      %add3A_27 = arith.constant 1 : i32
      %add3A_28 = arith.addi %mul3A_12, %add3A_27 : i32
      %dma_wait3A_29 = arith.constant 0 : i32
      %dma_wait3A_30 = arith.constant 0 : i32
      %dma_wait3A_31 = tpu.memref_slice %arg3[%dma_wait3A_29, %dma_wait3A_30] : memref<10000x128xf32, #tpu.memory_space<hbm>> -> memref<10000x128xf32, #tpu.memory_space<hbm>>
      tpu.wait_indirect_dma semaphore(%arg10 : memref<!tpu.dma_semaphore, #tpu.memory_space<semaphore_mem>>) src(%dma_wait3A_31 : memref<10000x128xf32, #tpu.memory_space<hbm>>) dst(%arg8 : memref<128x128xf32, #tpu.memory_space<vmem>>)
      %add3A_32 = arith.addi %mul3A_2, %add3A_28 : i32
      %mul3A_33 = arith.constant 128 : i32
      %mul3A_34 = arith.muli %add3A_32, %mul3A_33 : i32
      "tpu.region"() ({
        %run_scoped3A_35 = tpu.sem_alloc : memref<!tpu.dma_semaphore, #tpu.memory_space<semaphore_mem>>
        %dma_start3A_36 = arith.constant 0 : i32
        %dma_start3A_37 = tpu.memref_slice %arg4[%mul3A_34, %dma_start3A_36] : memref<163840x128xf32, #tpu.memory_space<hbm>> -> memref<128x128xf32, #tpu.memory_space<hbm>>
        %dma_start3A_38 = arith.constant 0 : i32
        %dma_start3A_39 = tpu.memref_slice %arg4[%mul3A_34, %dma_start3A_38] : memref<163840x128xf32, #tpu.memory_space<hbm>> -> memref<128x128xf32, #tpu.memory_space<hbm>>
        tpu.enqueue_dma source(%arg8 : memref<128x128xf32, #tpu.memory_space<vmem>>) target(%dma_start3A_39 : memref<128x128xf32, #tpu.memory_space<hbm>>) target_semaphore(%run_scoped3A_35 : memref<!tpu.dma_semaphore, #tpu.memory_space<semaphore_mem>>)
        %dma_wait3A_40 = arith.constant 0 : i32
        %dma_wait3A_41 = tpu.memref_slice %arg4[%mul3A_34, %dma_wait3A_40] : memref<163840x128xf32, #tpu.memory_space<hbm>> -> memref<128x128xf32, #tpu.memory_space<hbm>>
        %dma_wait3A_42 = arith.constant 0 : i32
        %dma_wait3A_43 = tpu.memref_slice %arg4[%mul3A_34, %dma_wait3A_42] : memref<163840x128xf32, #tpu.memory_space<hbm>> -> memref<128x128xf32, #tpu.memory_space<hbm>>
        tpu.wait_dma2 semaphore(%run_scoped3A_35 : memref<!tpu.dma_semaphore, #tpu.memory_space<semaphore_mem>>) src(%arg8 : memref<128x128xf32, #tpu.memory_space<vmem>>) dst(%dma_wait3A_43 : memref<128x128xf32, #tpu.memory_space<hbm>>)
        tpu.yield
      }) : () -> ()
    }
    %scan3A_9 = arith.constant 20 : i32
    return
  }
}

#map = affine_map<(d0, d1) -> (0, 0, 0)>
#map1 = affine_map<(d0, d1) -> (0, 0)>
module attributes {stable_mosaic.version = 14 : i64} {
  func.func @body(%arg0: i32, %arg1: i32, %arg2: memref<32x40x128xi32, #tpu.memory_space<hbm>>, %arg3: memref<10000x128xf32, #tpu.memory_space<hbm>>, %arg4: memref<163840x128xf32, #tpu.memory_space<hbm>>, %arg5: memref<128xi32, #tpu.memory_space<vmem>>, %arg6: memref<128xi32, #tpu.memory_space<vmem>>, %arg7: memref<128x128xf32, #tpu.memory_space<vmem>>, %arg8: memref<128x128xf32, #tpu.memory_space<vmem>>, %arg9: memref<!tpu.dma_semaphore, #tpu.memory_space<semaphore_mem>>, %arg10: memref<!tpu.dma_semaphore, #tpu.memory_space<semaphore_mem>>) attributes {dimension_semantics = [#tpu.dimension_semantics<core_parallel>, #tpu.dimension_semantics<subcore_parallel>], iteration_bounds = array<i64: 2, 16>, scalar_prefetch = 0 : i64, scratch_operands = 6 : i64, tpu.core_type = #tpu.core_type<sc_vector_subcore>, window_params = [{transform_indices = #map}, {transform_indices = #map1}, {transform_indices = #map1}]} {
    %mul3A = arith.constant 2 : i32
    %mul3A_0 = arith.muli %arg1, %mul3A : i32
    %add3A = arith.addi %mul3A_0, %arg0 : i32
    %mul3A_1 = arith.constant 40 : i32
    %mul3A_2 = arith.muli %add3A, %mul3A_1 : i32
    %run_scoped3A = arith.constant 0 : i32
    "tpu.region"() ({
      %run_scoped3A_10 = tpu.sem_alloc : memref<!tpu.dma_semaphore, #tpu.memory_space<semaphore_mem>>
      %dma_start3A_11 = arith.constant 0 : i32
      %dma_start3A_12 = tpu.memref_slice %arg2[%add3A, %run_scoped3A, %dma_start3A_11] : memref<32x40x128xi32, #tpu.memory_space<hbm>> -> memref<1x1x128xi32, #tpu.memory_space<hbm>>
      %dma_start3A_13 = tpu.memref_squeeze %dma_start3A_12 : memref<1x1x128xi32, #tpu.memory_space<hbm>> -> memref<128xi32, #tpu.memory_space<hbm>>
      %dma_start3A_14 = arith.constant 0 : i32
      %dma_start3A_15 = tpu.memref_slice %arg2[%add3A, %run_scoped3A, %dma_start3A_14] : memref<32x40x128xi32, #tpu.memory_space<hbm>> -> memref<1x1x128xi32, #tpu.memory_space<hbm>>
      %dma_start3A_16 = tpu.memref_squeeze %dma_start3A_15 : memref<1x1x128xi32, #tpu.memory_space<hbm>> -> memref<128xi32, #tpu.memory_space<hbm>>
      tpu.enqueue_dma source(%dma_start3A_16 : memref<128xi32, #tpu.memory_space<hbm>>) target(%arg5 : memref<128xi32, #tpu.memory_space<vmem>>) target_semaphore(%run_scoped3A_10 : memref<!tpu.dma_semaphore, #tpu.memory_space<semaphore_mem>>)
      %dma_wait3A = arith.constant 0 : i32
      %dma_wait3A_17 = tpu.memref_slice %arg2[%add3A, %run_scoped3A, %dma_wait3A] : memref<32x40x128xi32, #tpu.memory_space<hbm>> -> memref<1x1x128xi32, #tpu.memory_space<hbm>>
      %dma_wait3A_18 = tpu.memref_squeeze %dma_wait3A_17 : memref<1x1x128xi32, #tpu.memory_space<hbm>> -> memref<128xi32, #tpu.memory_space<hbm>>
      %dma_wait3A_19 = arith.constant 0 : i32
      %dma_wait3A_20 = tpu.memref_slice %arg2[%add3A, %run_scoped3A, %dma_wait3A_19] : memref<32x40x128xi32, #tpu.memory_space<hbm>> -> memref<1x1x128xi32, #tpu.memory_space<hbm>>
      %dma_wait3A_21 = tpu.memref_squeeze %dma_wait3A_20 : memref<1x1x128xi32, #tpu.memory_space<hbm>> -> memref<128xi32, #tpu.memory_space<hbm>>
      tpu.wait_dma2 semaphore(%run_scoped3A_10 : memref<!tpu.dma_semaphore, #tpu.memory_space<semaphore_mem>>) src(%dma_wait3A_21 : memref<128xi32, #tpu.memory_space<hbm>>) dst(%arg5 : memref<128xi32, #tpu.memory_space<vmem>>)
      tpu.yield
    }) : () -> ()
    %dma_start3A = arith.constant 0 : i32
    %dma_start3A_3 = arith.constant 0 : i32
    %dma_start3A_4 = tpu.memref_slice %arg3[%dma_start3A, %dma_start3A_3] : memref<10000x128xf32, #tpu.memory_space<hbm>> -> memref<10000x128xf32, #tpu.memory_space<hbm>>
    tpu.enqueue_indirect_dma source(%dma_start3A_4 : memref<10000x128xf32, #tpu.memory_space<hbm>>) target(%arg7 : memref<128x128xf32, #tpu.memory_space<vmem>>) offsets(%arg5 : memref<128xi32, #tpu.memory_space<vmem>>) semaphore(%arg9 : memref<!tpu.dma_semaphore, #tpu.memory_space<semaphore_mem>>)
    %scan3A = arith.constant 0 : i32
    %scan3A_5 = arith.constant 0 : i32
    %scan3A_6 = arith.constant 20 : i32
    %scan3A_7 = arith.addi %scan3A_5, %scan3A_6 : i32
    %scan3A_8 = arith.constant 1 : i32
    scf.for %scan3A_10 = %scan3A_5 to %scan3A_7 step %scan3A_8  : i32 {
      %mul3A_11 = arith.constant 2 : i32
      %mul3A_12 = arith.muli %mul3A_11, %scan3A_10 : i32
      %add3A_13 = arith.constant 1 : i32
      %add3A_14 = arith.addi %mul3A_12, %add3A_13 : i32
      "tpu.region"() ({
        %run_scoped3A_35 = tpu.sem_alloc : memref<!tpu.dma_semaphore, #tpu.memory_space<semaphore_mem>>
        %dma_start3A_36 = arith.constant 0 : i32
        %dma_start3A_37 = tpu.memref_slice %arg2[%add3A, %add3A_14, %dma_start3A_36] : memref<32x40x128xi32, #tpu.memory_space<hbm>> -> memref<1x1x128xi32, #tpu.memory_space<hbm>>
        %dma_start3A_38 = tpu.memref_squeeze %dma_start3A_37 : memref<1x1x128xi32, #tpu.memory_space<hbm>> -> memref<128xi32, #tpu.memory_space<hbm>>
        %dma_start3A_39 = arith.constant 0 : i32
        %dma_start3A_40 = tpu.memref_slice %arg2[%add3A, %add3A_14, %dma_start3A_39] : memref<32x40x128xi32, #tpu.memory_space<hbm>> -> memref<1x1x128xi32, #tpu.memory_space<hbm>>
        %dma_start3A_41 = tpu.memref_squeeze %dma_start3A_40 : memref<1x1x128xi32, #tpu.memory_space<hbm>> -> memref<128xi32, #tpu.memory_space<hbm>>
        tpu.enqueue_dma source(%dma_start3A_41 : memref<128xi32, #tpu.memory_space<hbm>>) target(%arg6 : memref<128xi32, #tpu.memory_space<vmem>>) target_semaphore(%run_scoped3A_35 : memref<!tpu.dma_semaphore, #tpu.memory_space<semaphore_mem>>)
        %dma_wait3A_42 = arith.constant 0 : i32
        %dma_wait3A_43 = tpu.memref_slice %arg2[%add3A, %add3A_14, %dma_wait3A_42] : memref<32x40x128xi32, #tpu.memory_space<hbm>> -> memref<1x1x128xi32, #tpu.memory_space<hbm>>
        %dma_wait3A_44 = tpu.memref_squeeze %dma_wait3A_43 : memref<1x1x128xi32, #tpu.memory_space<hbm>> -> memref<128xi32, #tpu.memory_space<hbm>>
        %dma_wait3A_45 = arith.constant 0 : i32
        %dma_wait3A_46 = tpu.memref_slice %arg2[%add3A, %add3A_14, %dma_wait3A_45] : memref<32x40x128xi32, #tpu.memory_space<hbm>> -> memref<1x1x128xi32, #tpu.memory_space<hbm>>
        %dma_wait3A_47 = tpu.memref_squeeze %dma_wait3A_46 : memref<1x1x128xi32, #tpu.memory_space<hbm>> -> memref<128xi32, #tpu.memory_space<hbm>>
        tpu.wait_dma2 semaphore(%run_scoped3A_35 : memref<!tpu.dma_semaphore, #tpu.memory_space<semaphore_mem>>) src(%dma_wait3A_47 : memref<128xi32, #tpu.memory_space<hbm>>) dst(%arg6 : memref<128xi32, #tpu.memory_space<vmem>>)
        tpu.yield
      }) : () -> ()
      %dma_start3A_15 = arith.constant 0 : i32
      %dma_start3A_16 = arith.constant 0 : i32
      %dma_start3A_17 = tpu.memref_slice %arg3[%dma_start3A_15, %dma_start3A_16] : memref<10000x128xf32, #tpu.memory_space<hbm>> -> memref<10000x128xf32, #tpu.memory_space<hbm>>
      tpu.enqueue_indirect_dma source(%dma_start3A_17 : memref<10000x128xf32, #tpu.memory_space<hbm>>) target(%arg8 : memref<128x128xf32, #tpu.memory_space<vmem>>) offsets(%arg6 : memref<128xi32, #tpu.memory_space<vmem>>) semaphore(%arg10 : memref<!tpu.dma_semaphore, #tpu.memory_space<semaphore_mem>>)
      %dma_wait3A = arith.constant 0 : i32
      %dma_wait3A_18 = arith.constant 0 : i32
      %dma_wait3A_19 = tpu.memref_slice %arg3[%dma_wait3A, %dma_wait3A_18] : memref<10000x128xf32, #tpu.memory_space<hbm>> -> memref<10000x128xf32, #tpu.memory_space<hbm>>
      tpu.wait_indirect_dma semaphore(%arg9 : memref<!tpu.dma_semaphore, #tpu.memory_space<semaphore_mem>>) src(%dma_wait3A_19 : memref<10000x128xf32, #tpu.memory_space<hbm>>) dst(%arg7 : memref<128x128xf32, #tpu.memory_space<vmem>>)
      %add3A_20 = arith.addi %mul3A_2, %mul3A_12 : i32
      %mul3A_21 = arith.constant 128 : i32
      %mul3A_22 = arith.muli %add3A_20, %mul3A_21 : i32
      "tpu.region"() ({
        %run_scoped3A_35 = tpu.sem_alloc : memref<!tpu.dma_semaphore, #tpu.memory_space<semaphore_mem>>
        %dma_start3A_36 = arith.constant 0 : i32
        %dma_start3A_37 = tpu.memref_slice %arg4[%mul3A_22, %dma_start3A_36] : memref<163840x128xf32, #tpu.memory_space<hbm>> -> memref<128x128xf32, #tpu.memory_space<hbm>>
        %dma_start3A_38 = arith.constant 0 : i32
        %dma_start3A_39 = tpu.memref_slice %arg4[%mul3A_22, %dma_start3A_38] : memref<163840x128xf32, #tpu.memory_space<hbm>> -> memref<128x128xf32, #tpu.memory_space<hbm>>
        tpu.enqueue_dma source(%arg7 : memref<128x128xf32, #tpu.memory_space<vmem>>) target(%dma_start3A_39 : memref<128x128xf32, #tpu.memory_space<hbm>>) target_semaphore(%run_scoped3A_35 : memref<!tpu.dma_semaphore, #tpu.memory_space<semaphore_mem>>)
        %dma_wait3A_40 = arith.constant 0 : i32
        %dma_wait3A_41 = tpu.memref_slice %arg4[%mul3A_22, %dma_wait3A_40] : memref<163840x128xf32, #tpu.memory_space<hbm>> -> memref<128x128xf32, #tpu.memory_space<hbm>>
        %dma_wait3A_42 = arith.constant 0 : i32
        %dma_wait3A_43 = tpu.memref_slice %arg4[%mul3A_22, %dma_wait3A_42] : memref<163840x128xf32, #tpu.memory_space<hbm>> -> memref<128x128xf32, #tpu.memory_space<hbm>>
        tpu.wait_dma2 semaphore(%run_scoped3A_35 : memref<!tpu.dma_semaphore, #tpu.memory_space<semaphore_mem>>) src(%arg7 : memref<128x128xf32, #tpu.memory_space<vmem>>) dst(%dma_wait3A_43 : memref<128x128xf32, #tpu.memory_space<hbm>>)
        tpu.yield
      }) : () -> ()
      %add3A_23 = arith.constant 2 : i32
      %add3A_24 = arith.addi %mul3A_12, %add3A_23 : i32
      %lt3A = arith.constant 40 : i32
      %lt3A_25 = arith.cmpi slt, %add3A_24, %lt3A : i32
      %convert_element_type3A = arith.extui %lt3A_25 : i1 to i32
      %cond3A = arith.constant 0 : i32
      %cond3A_26 = arith.cmpi ne, %convert_element_type3A, %cond3A : i32
      scf.if %cond3A_26 {
        %add3A_35 = arith.constant 2 : i32
        %add3A_36 = arith.addi %mul3A_12, %add3A_35 : i32
        "tpu.region"() ({
          %run_scoped3A_40 = tpu.sem_alloc : memref<!tpu.dma_semaphore, #tpu.memory_space<semaphore_mem>>
          %dma_start3A_41 = arith.constant 0 : i32
          %dma_start3A_42 = tpu.memref_slice %arg2[%add3A, %add3A_36, %dma_start3A_41] : memref<32x40x128xi32, #tpu.memory_space<hbm>> -> memref<1x1x128xi32, #tpu.memory_space<hbm>>
          %dma_start3A_43 = tpu.memref_squeeze %dma_start3A_42 : memref<1x1x128xi32, #tpu.memory_space<hbm>> -> memref<128xi32, #tpu.memory_space<hbm>>
          %dma_start3A_44 = arith.constant 0 : i32
          %dma_start3A_45 = tpu.memref_slice %arg2[%add3A, %add3A_36, %dma_start3A_44] : memref<32x40x128xi32, #tpu.memory_space<hbm>> -> memref<1x1x128xi32, #tpu.memory_space<hbm>>
          %dma_start3A_46 = tpu.memref_squeeze %dma_start3A_45 : memref<1x1x128xi32, #tpu.memory_space<hbm>> -> memref<128xi32, #tpu.memory_space<hbm>>
          tpu.enqueue_dma source(%dma_start3A_46 : memref<128xi32, #tpu.memory_space<hbm>>) target(%arg5 : memref<128xi32, #tpu.memory_space<vmem>>) target_semaphore(%run_scoped3A_40 : memref<!tpu.dma_semaphore, #tpu.memory_space<semaphore_mem>>)
          %dma_wait3A_47 = arith.constant 0 : i32
          %dma_wait3A_48 = tpu.memref_slice %arg2[%add3A, %add3A_36, %dma_wait3A_47] : memref<32x40x128xi32, #tpu.memory_space<hbm>> -> memref<1x1x128xi32, #tpu.memory_space<hbm>>
          %dma_wait3A_49 = tpu.memref_squeeze %dma_wait3A_48 : memref<1x1x128xi32, #tpu.memory_space<hbm>> -> memref<128xi32, #tpu.memory_space<hbm>>
          %dma_wait3A_50 = arith.constant 0 : i32
          %dma_wait3A_51 = tpu.memref_slice %arg2[%add3A, %add3A_36, %dma_wait3A_50] : memref<32x40x128xi32, #tpu.memory_space<hbm>> -> memref<1x1x128xi32, #tpu.memory_space<hbm>>
          %dma_wait3A_52 = tpu.memref_squeeze %dma_wait3A_51 : memref<1x1x128xi32, #tpu.memory_space<hbm>> -> memref<128xi32, #tpu.memory_space<hbm>>
          tpu.wait_dma2 semaphore(%run_scoped3A_40 : memref<!tpu.dma_semaphore, #tpu.memory_space<semaphore_mem>>) src(%dma_wait3A_52 : memref<128xi32, #tpu.memory_space<hbm>>) dst(%arg5 : memref<128xi32, #tpu.memory_space<vmem>>)
          tpu.yield
        }) : () -> ()
        %dma_start3A_37 = arith.constant 0 : i32
        %dma_start3A_38 = arith.constant 0 : i32
        %dma_start3A_39 = tpu.memref_slice %arg3[%dma_start3A_37, %dma_start3A_38] : memref<10000x128xf32, #tpu.memory_space<hbm>> -> memref<10000x128xf32, #tpu.memory_space<hbm>>
        tpu.enqueue_indirect_dma source(%dma_start3A_39 : memref<10000x128xf32, #tpu.memory_space<hbm>>) target(%arg7 : memref<128x128xf32, #tpu.memory_space<vmem>>) offsets(%arg5 : memref<128xi32, #tpu.memory_space<vmem>>) semaphore(%arg9 : memref<!tpu.dma_semaphore, #tpu.memory_space<semaphore_mem>>)
      } else {
      }
      %add3A_27 = arith.constant 1 : i32
      %add3A_28 = arith.addi %mul3A_12, %add3A_27 : i32
      %dma_wait3A_29 = arith.constant 0 : i32
      %dma_wait3A_30 = arith.constant 0 : i32
      %dma_wait3A_31 = tpu.memref_slice %arg3[%dma_wait3A_29, %dma_wait3A_30] : memref<10000x128xf32, #tpu.memory_space<hbm>> -> memref<10000x128xf32, #tpu.memory_space<hbm>>
      tpu.wait_indirect_dma semaphore(%arg10 : memref<!tpu.dma_semaphore, #tpu.memory_space<semaphore_mem>>) src(%dma_wait3A_31 : memref<10000x128xf32, #tpu.memory_space<hbm>>) dst(%arg8 : memref<128x128xf32, #tpu.memory_space<vmem>>)
      %add3A_32 = arith.addi %mul3A_2, %add3A_28 : i32
      %mul3A_33 = arith.constant 128 : i32
      %mul3A_34 = arith.muli %add3A_32, %mul3A_33 : i32
      "tpu.region"() ({
        %run_scoped3A_35 = tpu.sem_alloc : memref<!tpu.dma_semaphore, #tpu.memory_space<semaphore_mem>>
        %dma_start3A_36 = arith.constant 0 : i32
        %dma_start3A_37 = tpu.memref_slice %arg4[%mul3A_34, %dma_start3A_36] : memref<163840x128xf32, #tpu.memory_space<hbm>> -> memref<128x128xf32, #tpu.memory_space<hbm>>
        %dma_start3A_38 = arith.constant 0 : i32
        %dma_start3A_39 = tpu.memref_slice %arg4[%mul3A_34, %dma_start3A_38] : memref<163840x128xf32, #tpu.memory_space<hbm>> -> memref<128x128xf32, #tpu.memory_space<hbm>>
        tpu.enqueue_dma source(%arg8 : memref<128x128xf32, #tpu.memory_space<vmem>>) target(%dma_start3A_39 : memref<128x128xf32, #tpu.memory_space<hbm>>) target_semaphore(%run_scoped3A_35 : memref<!tpu.dma_semaphore, #tpu.memory_space<semaphore_mem>>)
        %dma_wait3A_40 = arith.constant 0 : i32
        %dma_wait3A_41 = tpu.memref_slice %arg4[%mul3A_34, %dma_wait3A_40] : memref<163840x128xf32, #tpu.memory_space<hbm>> -> memref<128x128xf32, #tpu.memory_space<hbm>>
        %dma_wait3A_42 = arith.constant 0 : i32
        %dma_wait3A_43 = tpu.memref_slice %arg4[%mul3A_34, %dma_wait3A_42] : memref<163840x128xf32, #tpu.memory_space<hbm>> -> memref<128x128xf32, #tpu.memory_space<hbm>>
        tpu.wait_dma2 semaphore(%run_scoped3A_35 : memref<!tpu.dma_semaphore, #tpu.memory_space<semaphore_mem>>) src(%arg8 : memref<128x128xf32, #tpu.memory_space<vmem>>) dst(%dma_wait3A_43 : memref<128x128xf32, #tpu.memory_space<hbm>>)
        tpu.yield
      }) : () -> ()
    }
    %scan3A_9 = arith.constant 20 : i32
    return
  }
}

module attributes {stable_mosaic.version = 14 : i64} {
  func.func @_knn_body(%arg0: i32, %arg1: memref<10240x8xf32, #tpu.memory_space<vmem>>, %arg2: memref<8x256xf32, #tpu.memory_space<vmem>>, %arg3: memref<16x256xi32, #tpu.memory_space<vmem>>, %arg4: memref<80x128x256xf32, #tpu.memory_space<vmem>>, %arg5: memref<480x256xf32, #tpu.memory_space<vmem>>, %arg6: memref<480x256xi32, #tpu.memory_space<vmem>>) attributes {dimension_semantics = [#tpu.dimension_semantics<arbitrary>], iteration_bounds = array<i64: 40>, scalar_prefetch = 0 : i64, scratch_operands = 3 : i64, tpu.core_type = #tpu.core_type<tc>, window_params = [{pipeline_mode = #tpu.pipeline_mode<synchronous>, transform_indices = @transform_0, window_bounds = array<i64: 10240, 8>}, {transform_indices = @transform_1, window_bounds = array<i64: 8, 256>}, {transform_indices = @transform_2, window_bounds = array<i64: 16, 256>}]} {
    %get3A = arith.constant 0 : index
    %get3A_0 = arith.constant 0 : index
    %get3A_1 = vector.load %arg1[%get3A, %get3A_0] : memref<10240x8xf32, #tpu.memory_space<vmem>>, vector<10240x8xf32>
    %get3A_2 = arith.constant 0 : index
    %get3A_3 = arith.constant 0 : index
    %get3A_4 = vector.load %arg2[%get3A_2, %get3A_3] : memref<8x256xf32, #tpu.memory_space<vmem>>, vector<8x256xf32>
    %mul3A = arith.mulf %get3A_1, %get3A_1 : vector<10240x8xf32>
    %reduce_sum3A = arith.constant dense<0.000000e+00> : vector<10240xf32>
    %reduce_sum3A_5 = vector.multi_reduction <add>, %mul3A, %reduce_sum3A [1] : vector<10240x8xf32> to vector<10240xf32>
    %broadcast_in_dim3A = vector.shape_cast %reduce_sum3A_5 : vector<10240xf32> to vector<10240x1xf32>
    %mul3A_6 = arith.mulf %get3A_4, %get3A_4 : vector<8x256xf32>
    %reduce_sum3A_7 = arith.constant dense<0.000000e+00> : vector<256xf32>
    %reduce_sum3A_8 = vector.multi_reduction <add>, %mul3A_6, %reduce_sum3A_7 [0] : vector<8x256xf32> to vector<256xf32>
    %broadcast_in_dim3A_9 = vector.shape_cast %reduce_sum3A_8 : vector<256xf32> to vector<1x256xf32>
    %dot_general3A = arith.constant dense<0.000000e+00> : vector<10240x256xf32>
    %dot_general3A_10 = tpu.matmul %get3A_1, %get3A_4, %dot_general3A {dimension_numbers = #tpu.dot_dimension_numbers<[1], [0], [0], [1], [0, 0, 1, 1], [], []>, transpose_lhs_hint = false} : vector<10240x8xf32>, vector<8x256xf32>, vector<10240x256xf32> -> vector<10240x256xf32>
    %add3A = vector.broadcast %broadcast_in_dim3A : vector<10240x1xf32> to vector<10240x256xf32>
    %add3A_11 = vector.broadcast %broadcast_in_dim3A_9 : vector<1x256xf32> to vector<10240x256xf32>
    %add3A_12 = arith.addf %add3A, %add3A_11 : vector<10240x256xf32>
    %mul3A_13 = arith.constant 2.000000e+00 : f32
    %mul3A_14 = vector.broadcast %mul3A_13 : f32 to vector<10240x256xf32>
    %mul3A_15 = arith.mulf %mul3A_14, %dot_general3A_10 : vector<10240x256xf32>
    %sub3A = arith.subf %add3A_12, %mul3A_15 : vector<10240x256xf32>
    %reshape3A = vector.shape_cast %sub3A : vector<10240x256xf32> to vector<80x128x256xf32>
    %swap3A = arith.constant 0 : index
    %swap3A_16 = arith.constant 0 : index
    %swap3A_17 = arith.constant 0 : index
    %swap3A_18 = vector.load %arg4[%swap3A, %swap3A_16, %swap3A_17] : memref<80x128x256xf32, #tpu.memory_space<vmem>>, vector<80x128x256xf32>
    tpu.vector_store %arg4[%swap3A, %swap3A_16, %swap3A_17], %reshape3A {strides = array<i32>} : memref<80x128x256xf32, #tpu.memory_space<vmem>>, vector<80x128x256xf32>,
    %iota3A = tpu.iota {dimensions = array<i32: 1>} : vector<80x128x256xi32>
    %iota3A_19 = tpu.iota {dimensions = array<i32: 0>} : vector<80x1x256xi32>
    %scan3A = arith.constant 0 : i32
    %scan3A_20 = arith.constant 6 : i32
    %scan3A_21 = arith.addi %scan3A, %scan3A_20 : i32
    %scan3A_22 = arith.constant 1 : i32
    scf.for %scan3A_37 = %scan3A to %scan3A_21 step %scan3A_22  : i32 {
      %get3A_38 = arith.constant 0 : index
      %get3A_39 = arith.constant 0 : index
      %get3A_40 = arith.constant 0 : index
      %get3A_41 = vector.load %arg4[%get3A_38, %get3A_39, %get3A_40] : memref<80x128x256xf32, #tpu.memory_space<vmem>>, vector<80x128x256xf32>
      %reduce_min3A = arith.constant dense<0x7F800000> : vector<80x256xf32>
      %reduce_min3A_42 = vector.multi_reduction <minimumf>, %get3A_41, %reduce_min3A [1] : vector<80x128x256xf32> to vector<80x256xf32>
      %broadcast_in_dim3A_43 = vector.shape_cast %reduce_min3A_42 : vector<80x256xf32> to vector<80x1x256xf32>
      %eq3A = vector.broadcast %broadcast_in_dim3A_43 : vector<80x1x256xf32> to vector<80x128x256xf32>
      %eq3A_44 = arith.cmpf oeq, %get3A_41, %eq3A : vector<80x128x256xf32>
      %jit3A = arith.constant 128 : i32
      %broadcast_in_dim3A_45 = vector.broadcast %jit3A : i32 to vector<80x128x256xi32>
      %select_n3A = arith.select %eq3A_44, %iota3A, %broadcast_in_dim3A_45 : vector<80x128x256xi1>, vector<80x128x256xi32>
      %reduce_min3A_46 = arith.constant dense<2147483647> : vector<80x256xi32>
      %reduce_min3A_47 = vector.multi_reduction <minsi>, %select_n3A, %reduce_min3A_46 [1] : vector<80x128x256xi32> to vector<80x256xi32>
      %broadcast_in_dim3A_48 = vector.shape_cast %reduce_min3A_47 : vector<80x256xi32> to vector<80x1x256xi32>
      %eq3A_49 = vector.broadcast %broadcast_in_dim3A_48 : vector<80x1x256xi32> to vector<80x128x256xi32>
      %eq3A_50 = arith.cmpi eq, %iota3A, %eq3A_49 : vector<80x128x256xi32>
      %jit3A_51 = arith.constant 3.000000e+38 : f32
      %broadcast_in_dim3A_52 = vector.broadcast %jit3A_51 : f32 to vector<80x128x256xf32>
      %select_n3A_53 = arith.select %eq3A_50, %broadcast_in_dim3A_52, %get3A_41 : vector<80x128x256xi1>, vector<80x128x256xf32>
      %swap3A_54 = arith.constant 0 : index
      %swap3A_55 = arith.constant 0 : index
      %swap3A_56 = arith.constant 0 : index
      %swap3A_57 = vector.load %arg4[%swap3A_54, %swap3A_55, %swap3A_56] : memref<80x128x256xf32, #tpu.memory_space<vmem>>, vector<80x128x256xf32>
      tpu.vector_store %arg4[%swap3A_54, %swap3A_55, %swap3A_56], %select_n3A_53 {strides = array<i32>} : memref<80x128x256xf32, #tpu.memory_space<vmem>>, vector<80x128x256xf32>,
      %reshape3A_58 = vector.shape_cast %broadcast_in_dim3A_43 : vector<80x1x256xf32> to vector<80x256xf32>
      %mul3A_59 = arith.constant 80 : i32
      %mul3A_60 = arith.muli %scan3A_37, %mul3A_59 : i32
      %swap3A_61 = arith.index_cast %mul3A_60 : i32 to index
      %swap3A_62 = arith.constant 0 : index
      %swap3A_63 = vector.load %arg5[%swap3A_61, %swap3A_62] : memref<480x256xf32, #tpu.memory_space<vmem>>, vector<80x256xf32>
      tpu.vector_store %arg5[%swap3A_61, %swap3A_62], %reshape3A_58 {strides = array<i32>} : memref<480x256xf32, #tpu.memory_space<vmem>>, vector<80x256xf32>,
      %mul3A_64 = arith.constant 128 : i32
      %mul3A_65 = vector.broadcast %mul3A_64 : i32 to vector<80x1x256xi32>
      %mul3A_66 = arith.muli %iota3A_19, %mul3A_65 : vector<80x1x256xi32>
      %add3A_67 = arith.addi %broadcast_in_dim3A_48, %mul3A_66 : vector<80x1x256xi32>
      %reshape3A_68 = vector.shape_cast %add3A_67 : vector<80x1x256xi32> to vector<80x256xi32>
      %mul3A_69 = arith.constant 80 : i32
      %mul3A_70 = arith.muli %scan3A_37, %mul3A_69 : i32
      %swap3A_71 = arith.index_cast %mul3A_70 : i32 to index
      %swap3A_72 = arith.constant 0 : index
      %swap3A_73 = vector.load %arg6[%swap3A_71, %swap3A_72] : memref<480x256xi32, #tpu.memory_space<vmem>>, vector<80x256xi32>
      tpu.vector_store %arg6[%swap3A_71, %swap3A_72], %reshape3A_68 {strides = array<i32>} : memref<480x256xi32, #tpu.memory_space<vmem>>, vector<80x256xi32>,
    }
    %scan3A_23 = arith.constant 6 : i32
    %iota3A_24 = tpu.iota {dimensions = array<i32: 0>} : vector<480x256xi32>
    %iota3A_25 = tpu.iota {dimensions = array<i32: 0>} : vector<16x256xi32>
    %broadcast_in_dim3A_26 = arith.constant 0 : i32
    %broadcast_in_dim3A_27 = vector.broadcast %broadcast_in_dim3A_26 : i32 to vector<16x256xi32>
    %scan3A_28 = arith.constant 0 : i32
    %scan3A_29 = arith.constant 16 : i32
    %scan3A_30 = arith.addi %scan3A_28, %scan3A_29 : i32
    %scan3A_31 = arith.constant 1 : i32
    %scan3A_32 = scf.for %scan3A_37 = %scan3A_28 to %scan3A_30 step %scan3A_31 iter_args(%scan3A_38 = %broadcast_in_dim3A_27) -> (vector<16x256xi32>)  : i32 {
      %get3A_39 = arith.constant 0 : index
      %get3A_40 = arith.constant 0 : index
      %get3A_41 = vector.load %arg5[%get3A_39, %get3A_40] : memref<480x256xf32, #tpu.memory_space<vmem>>, vector<480x256xf32>
      %get3A_42 = arith.constant 0 : index
      %get3A_43 = arith.constant 0 : index
      %get3A_44 = vector.load %arg6[%get3A_42, %get3A_43] : memref<480x256xi32, #tpu.memory_space<vmem>>, vector<480x256xi32>
      %reduce_min3A = arith.constant dense<0x7F800000> : vector<256xf32>
      %reduce_min3A_45 = vector.multi_reduction <minimumf>, %get3A_41, %reduce_min3A [0] : vector<480x256xf32> to vector<256xf32>
      %broadcast_in_dim3A_46 = vector.shape_cast %reduce_min3A_45 : vector<256xf32> to vector<1x256xf32>
      %eq3A = vector.broadcast %broadcast_in_dim3A_46 : vector<1x256xf32> to vector<480x256xf32>
      %eq3A_47 = arith.cmpf oeq, %get3A_41, %eq3A : vector<480x256xf32>
      %jit3A = arith.constant 10240 : i32
      %broadcast_in_dim3A_48 = vector.broadcast %jit3A : i32 to vector<480x256xi32>
      %select_n3A = arith.select %eq3A_47, %get3A_44, %broadcast_in_dim3A_48 : vector<480x256xi1>, vector<480x256xi32>
      %reduce_min3A_49 = arith.constant dense<2147483647> : vector<256xi32>
      %reduce_min3A_50 = vector.multi_reduction <minsi>, %select_n3A, %reduce_min3A_49 [0] : vector<480x256xi32> to vector<256xi32>
      %broadcast_in_dim3A_51 = vector.shape_cast %reduce_min3A_50 : vector<256xi32> to vector<1x256xi32>
      %eq3A_52 = vector.broadcast %broadcast_in_dim3A_51 : vector<1x256xi32> to vector<480x256xi32>
      %eq3A_53 = arith.cmpi eq, %get3A_44, %eq3A_52 : vector<480x256xi32>
      %and3A = arith.andi %eq3A_47, %eq3A_53 : vector<480x256xi1>
      %jit3A_54 = arith.constant 480 : i32
      %broadcast_in_dim3A_55 = vector.broadcast %jit3A_54 : i32 to vector<480x256xi32>
      %select_n3A_56 = arith.select %and3A, %iota3A_24, %broadcast_in_dim3A_55 : vector<480x256xi1>, vector<480x256xi32>
      %reduce_min3A_57 = arith.constant dense<2147483647> : vector<256xi32>
      %reduce_min3A_58 = vector.multi_reduction <minsi>, %select_n3A_56, %reduce_min3A_57 [0] : vector<480x256xi32> to vector<256xi32>
      %broadcast_in_dim3A_59 = vector.shape_cast %reduce_min3A_58 : vector<256xi32> to vector<1x256xi32>
      %eq3A_60 = vector.broadcast %broadcast_in_dim3A_59 : vector<1x256xi32> to vector<480x256xi32>
      %eq3A_61 = arith.cmpi eq, %iota3A_24, %eq3A_60 : vector<480x256xi32>
      %jit3A_62 = arith.constant 3.000000e+38 : f32
      %broadcast_in_dim3A_63 = vector.broadcast %jit3A_62 : f32 to vector<480x256xf32>
      %select_n3A_64 = arith.select %eq3A_61, %broadcast_in_dim3A_63, %get3A_41 : vector<480x256xi1>, vector<480x256xf32>
      %swap3A_65 = arith.constant 0 : index
      %swap3A_66 = arith.constant 0 : index
      %swap3A_67 = vector.load %arg5[%swap3A_65, %swap3A_66] : memref<480x256xf32, #tpu.memory_space<vmem>>, vector<480x256xf32>
      tpu.vector_store %arg5[%swap3A_65, %swap3A_66], %select_n3A_64 {strides = array<i32>} : memref<480x256xf32, #tpu.memory_space<vmem>>, vector<480x256xf32>,
      %eq3A_68 = vector.broadcast %scan3A_37 : i32 to vector<16x256xi32>
      %eq3A_69 = arith.cmpi eq, %iota3A_25, %eq3A_68 : vector<16x256xi32>
      %broadcast_in_dim3A_70 = vector.shape_cast %broadcast_in_dim3A_51 : vector<1x256xi32> to vector<1x256xi32>
      %broadcast_in_dim3A_71 = vector.broadcast %broadcast_in_dim3A_70 : vector<1x256xi32> to vector<16x256xi32>
      %select_n3A_72 = arith.select %eq3A_69, %broadcast_in_dim3A_71, %scan3A_38 : vector<16x256xi1>, vector<16x256xi32>
      scf.yield %select_n3A_72 : vector<16x256xi32>
    }
    %scan3A_33 = arith.constant 16 : i32
    %swap3A_34 = arith.constant 0 : index
    %swap3A_35 = arith.constant 0 : index
    %swap3A_36 = vector.load %arg3[%swap3A_34, %swap3A_35] : memref<16x256xi32, #tpu.memory_space<vmem>>, vector<16x256xi32>
    tpu.vector_store %arg3[%swap3A_34, %swap3A_35], %scan3A_32 {strides = array<i32>} : memref<16x256xi32, #tpu.memory_space<vmem>>, vector<16x256xi32>,
    return
  }
  func.func @transform_0(%arg0: i32) -> (i32, i32) {
    %c0_i32 = arith.constant 0 : i32
    %c0_i32_0 = arith.constant 0 : i32
    %c0_i32_1 = arith.constant 0 : i32
    return %c0_i32, %c0_i32_0 : i32, i32
  }
  func.func @transform_1(%arg0: i32) -> (i32, i32) {
    %c0_i32 = arith.constant 0 : i32
    %c0_i32_0 = arith.constant 0 : i32
    return %c0_i32, %arg0 : i32, i32
  }
  func.func @transform_2(%arg0: i32) -> (i32, i32) {
    %c0_i32 = arith.constant 0 : i32
    %c0_i32_0 = arith.constant 0 : i32
    return %c0_i32, %arg0 : i32, i32
  }
}

module attributes {stable_mosaic.version = 14 : i64} {
  func.func @body(%arg0: i32, %arg1: memref<2000x128xf32, #tpu.memory_space<vmem>>, %arg2: memref<128x128xf32, #tpu.memory_space<vmem>>, %arg3: memref<1x128xf32, #tpu.memory_space<vmem>>, %arg4: memref<2000x128xf32, #tpu.memory_space<vmem>>, %arg5: memref<128x16xf32, #tpu.memory_space<vmem>>, %arg6: memref<1x16xf32, #tpu.memory_space<vmem>>, %arg7: memref<2000x128xf32, #tpu.memory_space<vmem>>, %arg8: memref<1x128xf32, #tpu.memory_space<vmem>>, %arg9: memref<1x128xf32, #tpu.memory_space<vmem>>, %arg10: memref<2000x16xf32, #tpu.memory_space<vmem>>, %arg11: memref<1x16xf32, #tpu.memory_space<vmem>>, %arg12: memref<1x16xf32, #tpu.memory_space<vmem>>) attributes {dimension_semantics = [#tpu.dimension_semantics<arbitrary>], iteration_bounds = array<i64: 5>, scalar_prefetch = 0 : i64, scratch_operands = 0 : i64, tpu.core_type = #tpu.core_type<tc>, window_params = [{transform_indices = @transform_0, window_bounds = array<i64: 2000, 128>}, {pipeline_mode = #tpu.pipeline_mode<synchronous>, transform_indices = @transform_1, window_bounds = array<i64: 128, 128>}, {pipeline_mode = #tpu.pipeline_mode<synchronous>, transform_indices = @transform_2, window_bounds = array<i64: 1, 128>}, {transform_indices = @transform_3, window_bounds = array<i64: 2000, 128>}, {pipeline_mode = #tpu.pipeline_mode<synchronous>, transform_indices = @transform_4, window_bounds = array<i64: 128, 16>}, {pipeline_mode = #tpu.pipeline_mode<synchronous>, transform_indices = @transform_5, window_bounds = array<i64: 1, 16>}, {transform_indices = @transform_6, window_bounds = array<i64: 2000, 128>}, {pipeline_mode = #tpu.pipeline_mode<synchronous>, transform_indices = @transform_7, window_bounds = array<i64: 1, 128>}, {pipeline_mode = #tpu.pipeline_mode<synchronous>, transform_indices = @transform_8, window_bounds = array<i64: 1, 128>}, {transform_indices = @transform_9, window_bounds = array<i64: 2000, 16>}, {pipeline_mode = #tpu.pipeline_mode<synchronous>, transform_indices = @transform_10, window_bounds = array<i64: 1, 16>}, {pipeline_mode = #tpu.pipeline_mode<synchronous>, transform_indices = @transform_11, window_bounds = array<i64: 1, 16>}]} {
    %get3A = arith.constant 0 : index
    %get3A_0 = arith.constant 0 : index
    %get3A_1 = vector.load %arg1[%get3A, %get3A_0] : memref<2000x128xf32, #tpu.memory_space<vmem>>, vector<2000x128xf32>
    %get3A_2 = arith.constant 0 : index
    %get3A_3 = arith.constant 0 : index
    %get3A_4 = vector.load %arg2[%get3A_2, %get3A_3] : memref<128x128xf32, #tpu.memory_space<vmem>>, vector<128x128xf32>
    %dot_general3A = arith.constant dense<0.000000e+00> : vector<2000x128xf32>
    %dot_general3A_5 = tpu.matmul %get3A_1, %get3A_4, %dot_general3A {dimension_numbers = #tpu.dot_dimension_numbers<[1], [0], [0], [1], [0, 0, 1, 1], [], []>, transpose_lhs_hint = false} : vector<2000x128xf32>, vector<128x128xf32>, vector<2000x128xf32> -> vector<2000x128xf32>
    %get3A_6 = arith.constant 0 : index
    %get3A_7 = arith.constant 0 : index
    %get3A_8 = vector.load %arg3[%get3A_6, %get3A_7] : memref<1x128xf32, #tpu.memory_space<vmem>>, vector<1x128xf32>
    %add3A = vector.broadcast %get3A_8 : vector<1x128xf32> to vector<2000x128xf32>
    %add3A_9 = arith.addf %dot_general3A_5, %add3A : vector<2000x128xf32>
    %swap3A = arith.constant 0 : index
    %swap3A_10 = arith.constant 0 : index
    %swap3A_11 = vector.load %arg7[%swap3A, %swap3A_10] : memref<2000x128xf32, #tpu.memory_space<vmem>>, vector<2000x128xf32>
    tpu.vector_store %arg7[%swap3A, %swap3A_10], %add3A_9 {strides = array<i32>} : memref<2000x128xf32, #tpu.memory_space<vmem>>, vector<2000x128xf32>,
    %eq3A = arith.constant 0 : i32
    %eq3A_12 = arith.cmpi eq, %arg0, %eq3A : i32
    %convert_element_type3A = arith.extui %eq3A_12 : i1 to i32
    %cond3A = arith.constant 0 : i32
    %cond3A_13 = arith.cmpi ne, %convert_element_type3A, %cond3A : i32
    scf.if %cond3A_13 {
      %broadcast_in_dim3A_74 = arith.constant 0.000000e+00 : f32
      %broadcast_in_dim3A_75 = vector.broadcast %broadcast_in_dim3A_74 : f32 to vector<1x128xf32>
      %swap3A_76 = arith.constant 0 : index
      %swap3A_77 = arith.constant 0 : index
      %swap3A_78 = vector.load %arg8[%swap3A_76, %swap3A_77] : memref<1x128xf32, #tpu.memory_space<vmem>>, vector<1x128xf32>
      tpu.vector_store %arg8[%swap3A_76, %swap3A_77], %broadcast_in_dim3A_75 {strides = array<i32>} : memref<1x128xf32, #tpu.memory_space<vmem>>, vector<1x128xf32>,
      %broadcast_in_dim3A_79 = arith.constant 0.000000e+00 : f32
      %broadcast_in_dim3A_80 = vector.broadcast %broadcast_in_dim3A_79 : f32 to vector<1x128xf32>
      %swap3A_81 = arith.constant 0 : index
      %swap3A_82 = arith.constant 0 : index
      %swap3A_83 = vector.load %arg9[%swap3A_81, %swap3A_82] : memref<1x128xf32, #tpu.memory_space<vmem>>, vector<1x128xf32>
      tpu.vector_store %arg9[%swap3A_81, %swap3A_82], %broadcast_in_dim3A_80 {strides = array<i32>} : memref<1x128xf32, #tpu.memory_space<vmem>>, vector<1x128xf32>,
    } else {
    }
    %get3A_14 = arith.constant 0 : index
    %get3A_15 = arith.constant 0 : index
    %get3A_16 = vector.load %arg8[%get3A_14, %get3A_15] : memref<1x128xf32, #tpu.memory_space<vmem>>, vector<1x128xf32>
    %reduce_sum3A = arith.constant dense<0.000000e+00> : vector<128xf32>
    %reduce_sum3A_17 = vector.multi_reduction <add>, %add3A_9, %reduce_sum3A [0] : vector<2000x128xf32> to vector<128xf32>
    %broadcast_in_dim3A = vector.shape_cast %reduce_sum3A_17 : vector<128xf32> to vector<1x128xf32>
    %add3A_18 = arith.addf %get3A_16, %broadcast_in_dim3A : vector<1x128xf32>
    %swap3A_19 = arith.constant 0 : index
    %swap3A_20 = arith.constant 0 : index
    %swap3A_21 = vector.load %arg8[%swap3A_19, %swap3A_20] : memref<1x128xf32, #tpu.memory_space<vmem>>, vector<1x128xf32>
    tpu.vector_store %arg8[%swap3A_19, %swap3A_20], %add3A_18 {strides = array<i32>} : memref<1x128xf32, #tpu.memory_space<vmem>>, vector<1x128xf32>,
    %get3A_22 = arith.constant 0 : index
    %get3A_23 = arith.constant 0 : index
    %get3A_24 = vector.load %arg9[%get3A_22, %get3A_23] : memref<1x128xf32, #tpu.memory_space<vmem>>, vector<1x128xf32>
    %mul3A = arith.mulf %add3A_9, %add3A_9 : vector<2000x128xf32>
    %reduce_sum3A_25 = arith.constant dense<0.000000e+00> : vector<128xf32>
    %reduce_sum3A_26 = vector.multi_reduction <add>, %mul3A, %reduce_sum3A_25 [0] : vector<2000x128xf32> to vector<128xf32>
    %broadcast_in_dim3A_27 = vector.shape_cast %reduce_sum3A_26 : vector<128xf32> to vector<1x128xf32>
    %add3A_28 = arith.addf %get3A_24, %broadcast_in_dim3A_27 : vector<1x128xf32>
    %swap3A_29 = arith.constant 0 : index
    %swap3A_30 = arith.constant 0 : index
    %swap3A_31 = vector.load %arg9[%swap3A_29, %swap3A_30] : memref<1x128xf32, #tpu.memory_space<vmem>>, vector<1x128xf32>
    tpu.vector_store %arg9[%swap3A_29, %swap3A_30], %add3A_28 {strides = array<i32>} : memref<1x128xf32, #tpu.memory_space<vmem>>, vector<1x128xf32>,
    %get3A_32 = arith.constant 0 : index
    %get3A_33 = arith.constant 0 : index
    %get3A_34 = vector.load %arg4[%get3A_32, %get3A_33] : memref<2000x128xf32, #tpu.memory_space<vmem>>, vector<2000x128xf32>
    %get3A_35 = arith.constant 0 : index
    %get3A_36 = arith.constant 0 : index
    %get3A_37 = vector.load %arg5[%get3A_35, %get3A_36] : memref<128x16xf32, #tpu.memory_space<vmem>>, vector<128x16xf32>
    %dot_general3A_38 = arith.constant dense<0.000000e+00> : vector<2000x16xf32>
    %dot_general3A_39 = tpu.matmul %get3A_34, %get3A_37, %dot_general3A_38 {dimension_numbers = #tpu.dot_dimension_numbers<[1], [0], [0], [1], [0, 0, 1, 1], [], []>, transpose_lhs_hint = false} : vector<2000x128xf32>, vector<128x16xf32>, vector<2000x16xf32> -> vector<2000x16xf32>
    %get3A_40 = arith.constant 0 : index
    %get3A_41 = arith.constant 0 : index
    %get3A_42 = vector.load %arg6[%get3A_40, %get3A_41] : memref<1x16xf32, #tpu.memory_space<vmem>>, vector<1x16xf32>
    %add3A_43 = vector.broadcast %get3A_42 : vector<1x16xf32> to vector<2000x16xf32>
    %add3A_44 = arith.addf %dot_general3A_39, %add3A_43 : vector<2000x16xf32>
    %swap3A_45 = arith.constant 0 : index
    %swap3A_46 = arith.constant 0 : index
    %swap3A_47 = vector.load %arg10[%swap3A_45, %swap3A_46] : memref<2000x16xf32, #tpu.memory_space<vmem>>, vector<2000x16xf32>
    tpu.vector_store %arg10[%swap3A_45, %swap3A_46], %add3A_44 {strides = array<i32>} : memref<2000x16xf32, #tpu.memory_space<vmem>>, vector<2000x16xf32>,
    %eq3A_48 = arith.constant 0 : i32
    %eq3A_49 = arith.cmpi eq, %arg0, %eq3A_48 : i32
    %convert_element_type3A_50 = arith.extui %eq3A_49 : i1 to i32
    %cond3A_51 = arith.constant 0 : i32
    %cond3A_52 = arith.cmpi ne, %convert_element_type3A_50, %cond3A_51 : i32
    scf.if %cond3A_52 {
      %broadcast_in_dim3A_74 = arith.constant 0.000000e+00 : f32
      %broadcast_in_dim3A_75 = vector.broadcast %broadcast_in_dim3A_74 : f32 to vector<1x16xf32>
      %swap3A_76 = arith.constant 0 : index
      %swap3A_77 = arith.constant 0 : index
      %swap3A_78 = vector.load %arg11[%swap3A_76, %swap3A_77] : memref<1x16xf32, #tpu.memory_space<vmem>>, vector<1x16xf32>
      tpu.vector_store %arg11[%swap3A_76, %swap3A_77], %broadcast_in_dim3A_75 {strides = array<i32>} : memref<1x16xf32, #tpu.memory_space<vmem>>, vector<1x16xf32>,
      %broadcast_in_dim3A_79 = arith.constant 0.000000e+00 : f32
      %broadcast_in_dim3A_80 = vector.broadcast %broadcast_in_dim3A_79 : f32 to vector<1x16xf32>
      %swap3A_81 = arith.constant 0 : index
      %swap3A_82 = arith.constant 0 : index
      %swap3A_83 = vector.load %arg12[%swap3A_81, %swap3A_82] : memref<1x16xf32, #tpu.memory_space<vmem>>, vector<1x16xf32>
      tpu.vector_store %arg12[%swap3A_81, %swap3A_82], %broadcast_in_dim3A_80 {strides = array<i32>} : memref<1x16xf32, #tpu.memory_space<vmem>>, vector<1x16xf32>,
    } else {
    }
    %get3A_53 = arith.constant 0 : index
    %get3A_54 = arith.constant 0 : index
    %get3A_55 = vector.load %arg11[%get3A_53, %get3A_54] : memref<1x16xf32, #tpu.memory_space<vmem>>, vector<1x16xf32>
    %reduce_sum3A_56 = arith.constant dense<0.000000e+00> : vector<16xf32>
    %reduce_sum3A_57 = vector.multi_reduction <add>, %add3A_44, %reduce_sum3A_56 [0] : vector<2000x16xf32> to vector<16xf32>
    %broadcast_in_dim3A_58 = vector.shape_cast %reduce_sum3A_57 : vector<16xf32> to vector<1x16xf32>
    %add3A_59 = arith.addf %get3A_55, %broadcast_in_dim3A_58 : vector<1x16xf32>
    %swap3A_60 = arith.constant 0 : index
    %swap3A_61 = arith.constant 0 : index
    %swap3A_62 = vector.load %arg11[%swap3A_60, %swap3A_61] : memref<1x16xf32, #tpu.memory_space<vmem>>, vector<1x16xf32>
    tpu.vector_store %arg11[%swap3A_60, %swap3A_61], %add3A_59 {strides = array<i32>} : memref<1x16xf32, #tpu.memory_space<vmem>>, vector<1x16xf32>,
    %get3A_63 = arith.constant 0 : index
    %get3A_64 = arith.constant 0 : index
    %get3A_65 = vector.load %arg12[%get3A_63, %get3A_64] : memref<1x16xf32, #tpu.memory_space<vmem>>, vector<1x16xf32>
    %mul3A_66 = arith.mulf %add3A_44, %add3A_44 : vector<2000x16xf32>
    %reduce_sum3A_67 = arith.constant dense<0.000000e+00> : vector<16xf32>
    %reduce_sum3A_68 = vector.multi_reduction <add>, %mul3A_66, %reduce_sum3A_67 [0] : vector<2000x16xf32> to vector<16xf32>
    %broadcast_in_dim3A_69 = vector.shape_cast %reduce_sum3A_68 : vector<16xf32> to vector<1x16xf32>
    %add3A_70 = arith.addf %get3A_65, %broadcast_in_dim3A_69 : vector<1x16xf32>
    %swap3A_71 = arith.constant 0 : index
    %swap3A_72 = arith.constant 0 : index
    %swap3A_73 = vector.load %arg12[%swap3A_71, %swap3A_72] : memref<1x16xf32, #tpu.memory_space<vmem>>, vector<1x16xf32>
    tpu.vector_store %arg12[%swap3A_71, %swap3A_72], %add3A_70 {strides = array<i32>} : memref<1x16xf32, #tpu.memory_space<vmem>>, vector<1x16xf32>,
    return
  }
  func.func @transform_0(%arg0: i32) -> (i32, i32) {
    %c0_i32 = arith.constant 0 : i32
    %c0_i32_0 = arith.constant 0 : i32
    return %arg0, %c0_i32 : i32, i32
  }
  func.func @transform_1(%arg0: i32) -> (i32, i32) {
    %c0_i32 = arith.constant 0 : i32
    %c0_i32_0 = arith.constant 0 : i32
    %c0_i32_1 = arith.constant 0 : i32
    return %c0_i32, %c0_i32_0 : i32, i32
  }
  func.func @transform_2(%arg0: i32) -> (i32, i32) {
    %c0_i32 = arith.constant 0 : i32
    %c0_i32_0 = arith.constant 0 : i32
    %c0_i32_1 = arith.constant 0 : i32
    return %c0_i32, %c0_i32_0 : i32, i32
  }
  func.func @transform_3(%arg0: i32) -> (i32, i32) {
    %c0_i32 = arith.constant 0 : i32
    %c0_i32_0 = arith.constant 0 : i32
    return %arg0, %c0_i32 : i32, i32
  }
  func.func @transform_4(%arg0: i32) -> (i32, i32) {
    %c0_i32 = arith.constant 0 : i32
    %c0_i32_0 = arith.constant 0 : i32
    %c0_i32_1 = arith.constant 0 : i32
    return %c0_i32, %c0_i32_0 : i32, i32
  }
  func.func @transform_5(%arg0: i32) -> (i32, i32) {
    %c0_i32 = arith.constant 0 : i32
    %c0_i32_0 = arith.constant 0 : i32
    %c0_i32_1 = arith.constant 0 : i32
    return %c0_i32, %c0_i32_0 : i32, i32
  }
  func.func @transform_6(%arg0: i32) -> (i32, i32) {
    %c0_i32 = arith.constant 0 : i32
    %c0_i32_0 = arith.constant 0 : i32
    return %arg0, %c0_i32 : i32, i32
  }
  func.func @transform_7(%arg0: i32) -> (i32, i32) {
    %c0_i32 = arith.constant 0 : i32
    %c0_i32_0 = arith.constant 0 : i32
    %c0_i32_1 = arith.constant 0 : i32
    return %c0_i32, %c0_i32_0 : i32, i32
  }
  func.func @transform_8(%arg0: i32) -> (i32, i32) {
    %c0_i32 = arith.constant 0 : i32
    %c0_i32_0 = arith.constant 0 : i32
    %c0_i32_1 = arith.constant 0 : i32
    return %c0_i32, %c0_i32_0 : i32, i32
  }
  func.func @transform_9(%arg0: i32) -> (i32, i32) {
    %c0_i32 = arith.constant 0 : i32
    %c0_i32_0 = arith.constant 0 : i32
    return %arg0, %c0_i32 : i32, i32
  }
  func.func @transform_10(%arg0: i32) -> (i32, i32) {
    %c0_i32 = arith.constant 0 : i32
    %c0_i32_0 = arith.constant 0 : i32
    %c0_i32_1 = arith.constant 0 : i32
    return %c0_i32, %c0_i32_0 : i32, i32
  }
  func.func @transform_11(%arg0: i32) -> (i32, i32) {
    %c0_i32 = arith.constant 0 : i32
    %c0_i32_0 = arith.constant 0 : i32
    %c0_i32_1 = arith.constant 0 : i32
    return %c0_i32, %c0_i32_0 : i32, i32
  }
}

module attributes {stable_mosaic.version = 14 : i64} {
  func.func @_s2b_body(%arg0: i32, %arg1: memref<2000x128xf32, #tpu.memory_space<vmem>>, %arg2: memref<2000x16xf32, #tpu.memory_space<vmem>>, %arg3: memref<2000x8xf32, #tpu.memory_space<vmem>>, %arg4: memref<1x128xf32, #tpu.memory_space<vmem>>, %arg5: memref<1x128xf32, #tpu.memory_space<vmem>>, %arg6: memref<1x16xf32, #tpu.memory_space<vmem>>, %arg7: memref<1x16xf32, #tpu.memory_space<vmem>>, %arg8: memref<16x32xf32, #tpu.memory_space<vmem>>, %arg9: memref<16x32xf32, #tpu.memory_space<vmem>>, %arg10: memref<1x32xf32, #tpu.memory_space<vmem>>, %arg11: memref<8x16xf32, #tpu.memory_space<vmem>>, %arg12: memref<8x16xf32, #tpu.memory_space<vmem>>, %arg13: memref<1x16xf32, #tpu.memory_space<vmem>>, %arg14: memref<2000x128xf32, #tpu.memory_space<vmem>>, %arg15: memref<2000x16xf32, #tpu.memory_space<vmem>>, %arg16: memref<2000x32xf32, #tpu.memory_space<vmem>>, %arg17: memref<2000x128xf32, #tpu.memory_space<vmem>>) attributes {dimension_semantics = [#tpu.dimension_semantics<arbitrary>], iteration_bounds = array<i64: 5>, scalar_prefetch = 0 : i64, scratch_operands = 0 : i64, tpu.core_type = #tpu.core_type<tc>, window_params = [{transform_indices = @transform_0, window_bounds = array<i64: 2000, 128>}, {transform_indices = @transform_1, window_bounds = array<i64: 2000, 16>}, {transform_indices = @transform_2, window_bounds = array<i64: 2000, 8>}, {pipeline_mode = #tpu.pipeline_mode<synchronous>, transform_indices = @transform_3, window_bounds = array<i64: 1, 128>}, {pipeline_mode = #tpu.pipeline_mode<synchronous>, transform_indices = @transform_4, window_bounds = array<i64: 1, 128>}, {pipeline_mode = #tpu.pipeline_mode<synchronous>, transform_indices = @transform_5, window_bounds = array<i64: 1, 16>}, {pipeline_mode = #tpu.pipeline_mode<synchronous>, transform_indices = @transform_6, window_bounds = array<i64: 1, 16>}, {pipeline_mode = #tpu.pipeline_mode<synchronous>, transform_indices = @transform_7, window_bounds = array<i64: 16, 32>}, {pipeline_mode = #tpu.pipeline_mode<synchronous>, transform_indices = @transform_8, window_bounds = array<i64: 16, 32>}, {pipeline_mode = #tpu.pipeline_mode<synchronous>, transform_indices = @transform_9, window_bounds = array<i64: 1, 32>}, {pipeline_mode = #tpu.pipeline_mode<synchronous>, transform_indices = @transform_10, window_bounds = array<i64: 8, 16>}, {pipeline_mode = #tpu.pipeline_mode<synchronous>, transform_indices = @transform_11, window_bounds = array<i64: 8, 16>}, {pipeline_mode = #tpu.pipeline_mode<synchronous>, transform_indices = @transform_12, window_bounds = array<i64: 1, 16>}, {transform_indices = @transform_13, window_bounds = array<i64: 2000, 128>}, {transform_indices = @transform_14, window_bounds = array<i64: 2000, 16>}, {transform_indices = @transform_15, window_bounds = array<i64: 2000, 32>}, {transform_indices = @transform_16, window_bounds = array<i64: 2000, 128>}]} {
    %get3A = arith.constant 0 : index
    %get3A_0 = arith.constant 0 : index
    %get3A_1 = vector.load %arg1[%get3A, %get3A_0] : memref<2000x128xf32, #tpu.memory_space<vmem>>, vector<2000x128xf32>
    %get3A_2 = arith.constant 0 : index
    %get3A_3 = arith.constant 0 : index
    %get3A_4 = vector.load %arg4[%get3A_2, %get3A_3] : memref<1x128xf32, #tpu.memory_space<vmem>>, vector<1x128xf32>
    %mul3A = vector.broadcast %get3A_4 : vector<1x128xf32> to vector<2000x128xf32>
    %mul3A_5 = arith.mulf %get3A_1, %mul3A : vector<2000x128xf32>
    %get3A_6 = arith.constant 0 : index
    %get3A_7 = arith.constant 0 : index
    %get3A_8 = vector.load %arg5[%get3A_6, %get3A_7] : memref<1x128xf32, #tpu.memory_space<vmem>>, vector<1x128xf32>
    %add3A = vector.broadcast %get3A_8 : vector<1x128xf32> to vector<2000x128xf32>
    %add3A_9 = arith.addf %mul3A_5, %add3A : vector<2000x128xf32>
    %swap3A = arith.constant 0 : index
    %swap3A_10 = arith.constant 0 : index
    %swap3A_11 = vector.load %arg14[%swap3A, %swap3A_10] : memref<2000x128xf32, #tpu.memory_space<vmem>>, vector<2000x128xf32>
    tpu.vector_store %arg14[%swap3A, %swap3A_10], %add3A_9 {strides = array<i32>} : memref<2000x128xf32, #tpu.memory_space<vmem>>, vector<2000x128xf32>,
    %get3A_12 = arith.constant 0 : index
    %get3A_13 = arith.constant 0 : index
    %get3A_14 = vector.load %arg2[%get3A_12, %get3A_13] : memref<2000x16xf32, #tpu.memory_space<vmem>>, vector<2000x16xf32>
    %get3A_15 = arith.constant 0 : index
    %get3A_16 = arith.constant 0 : index
    %get3A_17 = vector.load %arg6[%get3A_15, %get3A_16] : memref<1x16xf32, #tpu.memory_space<vmem>>, vector<1x16xf32>
    %mul3A_18 = vector.broadcast %get3A_17 : vector<1x16xf32> to vector<2000x16xf32>
    %mul3A_19 = arith.mulf %get3A_14, %mul3A_18 : vector<2000x16xf32>
    %get3A_20 = arith.constant 0 : index
    %get3A_21 = arith.constant 0 : index
    %get3A_22 = vector.load %arg7[%get3A_20, %get3A_21] : memref<1x16xf32, #tpu.memory_space<vmem>>, vector<1x16xf32>
    %add3A_23 = vector.broadcast %get3A_22 : vector<1x16xf32> to vector<2000x16xf32>
    %add3A_24 = arith.addf %mul3A_19, %add3A_23 : vector<2000x16xf32>
    %gt3A = arith.constant 0.000000e+00 : f32
    %gt3A_25 = vector.broadcast %gt3A : f32 to vector<2000x16xf32>
    %gt3A_26 = arith.cmpf ogt, %add3A_24, %gt3A_25 : vector<2000x16xf32>
    %mul3A_27 = arith.constant 2.000000e-01 : f32
    %mul3A_28 = vector.broadcast %mul3A_27 : f32 to vector<2000x16xf32>
    %mul3A_29 = arith.mulf %mul3A_28, %add3A_24 : vector<2000x16xf32>
    %select_n3A = arith.select %gt3A_26, %add3A_24, %mul3A_29 : vector<2000x16xi1>, vector<2000x16xf32>
    %get3A_30 = arith.constant 0 : index
    %get3A_31 = arith.constant 0 : index
    %get3A_32 = vector.load %arg3[%get3A_30, %get3A_31] : memref<2000x8xf32, #tpu.memory_space<vmem>>, vector<2000x8xf32>
    %get3A_33 = arith.constant 0 : index
    %get3A_34 = arith.constant 0 : index
    %get3A_35 = vector.load %arg11[%get3A_33, %get3A_34] : memref<8x16xf32, #tpu.memory_space<vmem>>, vector<8x16xf32>
    %dot_general3A = arith.constant dense<0.000000e+00> : vector<2000x16xf32>
    %dot_general3A_36 = tpu.matmul %get3A_32, %get3A_35, %dot_general3A {dimension_numbers = #tpu.dot_dimension_numbers<[1], [0], [0], [1], [0, 0, 1, 1], [], []>, transpose_lhs_hint = false} : vector<2000x8xf32>, vector<8x16xf32>, vector<2000x16xf32> -> vector<2000x16xf32>
    %get3A_37 = arith.constant 0 : index
    %get3A_38 = arith.constant 0 : index
    %get3A_39 = vector.load %arg13[%get3A_37, %get3A_38] : memref<1x16xf32, #tpu.memory_space<vmem>>, vector<1x16xf32>
    %add3A_40 = vector.broadcast %get3A_39 : vector<1x16xf32> to vector<2000x16xf32>
    %add3A_41 = arith.addf %dot_general3A_36, %add3A_40 : vector<2000x16xf32>
    %swap3A_42 = arith.constant 0 : index
    %swap3A_43 = arith.constant 0 : index
    %swap3A_44 = vector.load %arg15[%swap3A_42, %swap3A_43] : memref<2000x16xf32, #tpu.memory_space<vmem>>, vector<2000x16xf32>
    tpu.vector_store %arg15[%swap3A_42, %swap3A_43], %add3A_41 {strides = array<i32>} : memref<2000x16xf32, #tpu.memory_space<vmem>>, vector<2000x16xf32>,
    %get3A_45 = arith.constant 0 : index
    %get3A_46 = arith.constant 0 : index
    %get3A_47 = vector.load %arg8[%get3A_45, %get3A_46] : memref<16x32xf32, #tpu.memory_space<vmem>>, vector<16x32xf32>
    %dot_general3A_48 = arith.constant dense<0.000000e+00> : vector<2000x32xf32>
    %dot_general3A_49 = tpu.matmul %select_n3A, %get3A_47, %dot_general3A_48 {dimension_numbers = #tpu.dot_dimension_numbers<[1], [0], [0], [1], [0, 0, 1, 1], [], []>, transpose_lhs_hint = false} : vector<2000x16xf32>, vector<16x32xf32>, vector<2000x32xf32> -> vector<2000x32xf32>
    %get3A_50 = arith.constant 0 : index
    %get3A_51 = arith.constant 0 : index
    %get3A_52 = vector.load %arg10[%get3A_50, %get3A_51] : memref<1x32xf32, #tpu.memory_space<vmem>>, vector<1x32xf32>
    %add3A_53 = vector.broadcast %get3A_52 : vector<1x32xf32> to vector<2000x32xf32>
    %add3A_54 = arith.addf %dot_general3A_49, %add3A_53 : vector<2000x32xf32>
    %swap3A_55 = arith.constant 0 : index
    %swap3A_56 = arith.constant 0 : index
    %swap3A_57 = vector.load %arg16[%swap3A_55, %swap3A_56] : memref<2000x32xf32, #tpu.memory_space<vmem>>, vector<2000x32xf32>
    tpu.vector_store %arg16[%swap3A_55, %swap3A_56], %add3A_54 {strides = array<i32>} : memref<2000x32xf32, #tpu.memory_space<vmem>>, vector<2000x32xf32>,
    %get3A_58 = arith.constant 0 : index
    %get3A_59 = arith.constant 0 : index
    %get3A_60 = vector.load %arg12[%get3A_58, %get3A_59] : memref<8x16xf32, #tpu.memory_space<vmem>>, vector<8x16xf32>
    %dot_general3A_61 = arith.constant dense<0.000000e+00> : vector<2000x16xf32>
    %dot_general3A_62 = tpu.matmul %get3A_32, %get3A_60, %dot_general3A_61 {dimension_numbers = #tpu.dot_dimension_numbers<[1], [0], [0], [1], [0, 0, 1, 1], [], []>, transpose_lhs_hint = false} : vector<2000x8xf32>, vector<8x16xf32>, vector<2000x16xf32> -> vector<2000x16xf32>
    %get3A_63 = arith.constant 0 : index
    %get3A_64 = arith.constant 0 : index
    %get3A_65 = vector.load %arg9[%get3A_63, %get3A_64] : memref<16x32xf32, #tpu.memory_space<vmem>>, vector<16x32xf32>
    %dot_general3A_66 = arith.constant dense<0.000000e+00> : vector<2000x32xf32>
    %dot_general3A_67 = tpu.matmul %select_n3A, %get3A_65, %dot_general3A_66 {dimension_numbers = #tpu.dot_dimension_numbers<[1], [0], [0], [1], [0, 0, 1, 1], [], []>, transpose_lhs_hint = false} : vector<2000x16xf32>, vector<16x32xf32>, vector<2000x32xf32> -> vector<2000x32xf32>
    %slice3A = vector.extract_strided_slice %get3A_32 {offsets = [0, 0], sizes = [2000, 3], strides = [1, 1]} : vector<2000x8xf32> to vector<2000x3xf32>
    %broadcast_in_dim3A = arith.constant 0.000000e+00 : f32
    %broadcast_in_dim3A_68 = vector.broadcast %broadcast_in_dim3A : f32 to vector<2000x61xf32>
    %concatenate3A = tpu.concatenate %select_n3A, %dot_general3A_62, %dot_general3A_67, %slice3A, %broadcast_in_dim3A_68 in 1 : vector<2000x16xf32>, vector<2000x16xf32>, vector<2000x32xf32>, vector<2000x3xf32>, vector<2000x61xf32> -> vector<2000x128xf32>
    %swap3A_69 = arith.constant 0 : index
    %swap3A_70 = arith.constant 0 : index
    %swap3A_71 = vector.load %arg17[%swap3A_69, %swap3A_70] : memref<2000x128xf32, #tpu.memory_space<vmem>>, vector<2000x128xf32>
    tpu.vector_store %arg17[%swap3A_69, %swap3A_70], %concatenate3A {strides = array<i32>} : memref<2000x128xf32, #tpu.memory_space<vmem>>, vector<2000x128xf32>,
    return
  }
  func.func @transform_0(%arg0: i32) -> (i32, i32) {
    %c0_i32 = arith.constant 0 : i32
    %c0_i32_0 = arith.constant 0 : i32
    return %arg0, %c0_i32 : i32, i32
  }
  func.func @transform_1(%arg0: i32) -> (i32, i32) {
    %c0_i32 = arith.constant 0 : i32
    %c0_i32_0 = arith.constant 0 : i32
    return %arg0, %c0_i32 : i32, i32
  }
  func.func @transform_2(%arg0: i32) -> (i32, i32) {
    %c0_i32 = arith.constant 0 : i32
    %c0_i32_0 = arith.constant 0 : i32
    return %arg0, %c0_i32 : i32, i32
  }
  func.func @transform_3(%arg0: i32) -> (i32, i32) {
    %c0_i32 = arith.constant 0 : i32
    %c0_i32_0 = arith.constant 0 : i32
    %c0_i32_1 = arith.constant 0 : i32
    return %c0_i32, %c0_i32_0 : i32, i32
  }
  func.func @transform_4(%arg0: i32) -> (i32, i32) {
    %c0_i32 = arith.constant 0 : i32
    %c0_i32_0 = arith.constant 0 : i32
    %c0_i32_1 = arith.constant 0 : i32
    return %c0_i32, %c0_i32_0 : i32, i32
  }
  func.func @transform_5(%arg0: i32) -> (i32, i32) {
    %c0_i32 = arith.constant 0 : i32
    %c0_i32_0 = arith.constant 0 : i32
    %c0_i32_1 = arith.constant 0 : i32
    return %c0_i32, %c0_i32_0 : i32, i32
  }
  func.func @transform_6(%arg0: i32) -> (i32, i32) {
    %c0_i32 = arith.constant 0 : i32
    %c0_i32_0 = arith.constant 0 : i32
    %c0_i32_1 = arith.constant 0 : i32
    return %c0_i32, %c0_i32_0 : i32, i32
  }
  func.func @transform_7(%arg0: i32) -> (i32, i32) {
    %c0_i32 = arith.constant 0 : i32
    %c0_i32_0 = arith.constant 0 : i32
    %c0_i32_1 = arith.constant 0 : i32
    return %c0_i32, %c0_i32_0 : i32, i32
  }
  func.func @transform_8(%arg0: i32) -> (i32, i32) {
    %c0_i32 = arith.constant 0 : i32
    %c0_i32_0 = arith.constant 0 : i32
    %c0_i32_1 = arith.constant 0 : i32
    return %c0_i32, %c0_i32_0 : i32, i32
  }
  func.func @transform_9(%arg0: i32) -> (i32, i32) {
    %c0_i32 = arith.constant 0 : i32
    %c0_i32_0 = arith.constant 0 : i32
    %c0_i32_1 = arith.constant 0 : i32
    return %c0_i32, %c0_i32_0 : i32, i32
  }
  func.func @transform_10(%arg0: i32) -> (i32, i32) {
    %c0_i32 = arith.constant 0 : i32
    %c0_i32_0 = arith.constant 0 : i32
    %c0_i32_1 = arith.constant 0 : i32
    return %c0_i32, %c0_i32_0 : i32, i32
  }
  func.func @transform_11(%arg0: i32) -> (i32, i32) {
    %c0_i32 = arith.constant 0 : i32
    %c0_i32_0 = arith.constant 0 : i32
    %c0_i32_1 = arith.constant 0 : i32
    return %c0_i32, %c0_i32_0 : i32, i32
  }
  func.func @transform_12(%arg0: i32) -> (i32, i32) {
    %c0_i32 = arith.constant 0 : i32
    %c0_i32_0 = arith.constant 0 : i32
    %c0_i32_1 = arith.constant 0 : i32
    return %c0_i32, %c0_i32_0 : i32, i32
  }
  func.func @transform_13(%arg0: i32) -> (i32, i32) {
    %c0_i32 = arith.constant 0 : i32
    %c0_i32_0 = arith.constant 0 : i32
    return %arg0, %c0_i32 : i32, i32
  }
  func.func @transform_14(%arg0: i32) -> (i32, i32) {
    %c0_i32 = arith.constant 0 : i32
    %c0_i32_0 = arith.constant 0 : i32
    return %arg0, %c0_i32 : i32, i32
  }
  func.func @transform_15(%arg0: i32) -> (i32, i32) {
    %c0_i32 = arith.constant 0 : i32
    %c0_i32_0 = arith.constant 0 : i32
    return %arg0, %c0_i32 : i32, i32
  }
  func.func @transform_16(%arg0: i32) -> (i32, i32) {
    %c0_i32 = arith.constant 0 : i32
    %c0_i32_0 = arith.constant 0 : i32
    return %arg0, %c0_i32 : i32, i32
  }
}

module attributes {stable_mosaic.version = 14 : i64} {
  func.func @body(%arg0: i32, %arg1: memref<6400x128xf32, #tpu.memory_space<vmem>>, %arg2: memref<400x16xf32, #tpu.memory_space<vmem>>, %arg3: memref<400x32xf32, #tpu.memory_space<vmem>>, %arg4: memref<400x8xf32, #tpu.memory_space<vmem>>, %arg5: memref<1x16xf32, #tpu.memory_space<vmem>>, %arg6: memref<1x16xf32, #tpu.memory_space<vmem>>, %arg7: memref<1x16xf32, #tpu.memory_space<vmem>>, %arg8: memref<1x32xf32, #tpu.memory_space<vmem>>, %arg9: memref<1x32xf32, #tpu.memory_space<vmem>>, %arg10: memref<400x16x8xf32, #tpu.memory_space<vmem>>) attributes {dimension_semantics = [#tpu.dimension_semantics<arbitrary>], iteration_bounds = array<i64: 25>, scalar_prefetch = 0 : i64, scratch_operands = 0 : i64, tpu.core_type = #tpu.core_type<tc>, window_params = [{transform_indices = @transform_0, window_bounds = array<i64: 6400, 128>}, {transform_indices = @transform_1, window_bounds = array<i64: 400, 16>}, {transform_indices = @transform_2, window_bounds = array<i64: 400, 32>}, {transform_indices = @transform_3, window_bounds = array<i64: 400, 8>}, {pipeline_mode = #tpu.pipeline_mode<synchronous>, transform_indices = @transform_4, window_bounds = array<i64: 1, 16>}, {pipeline_mode = #tpu.pipeline_mode<synchronous>, transform_indices = @transform_5, window_bounds = array<i64: 1, 16>}, {pipeline_mode = #tpu.pipeline_mode<synchronous>, transform_indices = @transform_6, window_bounds = array<i64: 1, 16>}, {pipeline_mode = #tpu.pipeline_mode<synchronous>, transform_indices = @transform_7, window_bounds = array<i64: 1, 32>}, {pipeline_mode = #tpu.pipeline_mode<synchronous>, transform_indices = @transform_8, window_bounds = array<i64: 1, 32>}, {transform_indices = @transform_9, window_bounds = array<i64: 400, 16, 8>}]} {
    %get3A = arith.constant 0 : index
    %get3A_0 = arith.constant 0 : index
    %get3A_1 = vector.load %arg1[%get3A, %get3A_0] : memref<6400x128xf32, #tpu.memory_space<vmem>>, vector<6400x128xf32>
    %reshape3A = vector.shape_cast %get3A_1 : vector<6400x128xf32> to vector<400x16x128xf32>
    %slice3A = vector.extract_strided_slice %reshape3A {offsets = [0, 0, 64], sizes = [400, 16, 3], strides = [1, 1, 1]} : vector<400x16x128xf32> to vector<400x16x3xf32>
    %get3A_2 = arith.constant 0 : index
    %get3A_3 = arith.constant 0 : index
    %get3A_4 = vector.load %arg4[%get3A_2, %get3A_3] : memref<400x8xf32, #tpu.memory_space<vmem>>, vector<400x8xf32>
    %slice3A_5 = vector.extract_strided_slice %get3A_4 {offsets = [0, 0], sizes = [400, 3], strides = [1, 1]} : vector<400x8xf32> to vector<400x3xf32>
    %broadcast_in_dim3A = vector.shape_cast %slice3A_5 : vector<400x3xf32> to vector<400x1x3xf32>
    %sub3A = vector.broadcast %broadcast_in_dim3A : vector<400x1x3xf32> to vector<400x16x3xf32>
    %sub3A_6 = arith.subf %slice3A, %sub3A : vector<400x16x3xf32>
    %mul3A = arith.mulf %sub3A_6, %sub3A_6 : vector<400x16x3xf32>
    %reduce_sum3A = arith.constant dense<0.000000e+00> : vector<400x16xf32>
    %reduce_sum3A_7 = vector.multi_reduction <add>, %mul3A, %reduce_sum3A [2] : vector<400x16x3xf32> to vector<400x16xf32>
    %broadcast_in_dim3A_8 = vector.shape_cast %reduce_sum3A_7 : vector<400x16xf32> to vector<400x16x1xf32>
    %max3A = arith.constant 9.99999996E-13 : f32
    %max3A_9 = vector.broadcast %max3A : f32 to vector<400x16x1xf32>
    %max3A_10 = arith.maximumf %broadcast_in_dim3A_8, %max3A_9 : vector<400x16x1xf32>
    %sqrt3A = math.sqrt %max3A_10 : vector<400x16x1xf32>
    %broadcast_in_dim3A_11 = vector.shape_cast %sqrt3A : vector<400x16x1xf32> to vector<400x16x1xf32>
    %broadcast_in_dim3A_12 = vector.broadcast %broadcast_in_dim3A_11 : vector<400x16x1xf32> to vector<400x16x8xf32>
    %swap3A = arith.constant 0 : index
    %swap3A_13 = arith.constant 0 : index
    %swap3A_14 = arith.constant 0 : index
    %swap3A_15 = vector.load %arg10[%swap3A, %swap3A_13, %swap3A_14] : memref<400x16x8xf32, #tpu.memory_space<vmem>>, vector<400x16x8xf32>
    tpu.vector_store %arg10[%swap3A, %swap3A_13, %swap3A_14], %broadcast_in_dim3A_12 {strides = array<i32>} : memref<400x16x8xf32, #tpu.memory_space<vmem>>, vector<400x16x8xf32>,
    %get3A_16 = arith.constant 0 : index
    %get3A_17 = arith.constant 0 : index
    %get3A_18 = vector.load %arg2[%get3A_16, %get3A_17] : memref<400x16xf32, #tpu.memory_space<vmem>>, vector<400x16xf32>
    %broadcast_in_dim3A_19 = vector.shape_cast %get3A_18 : vector<400x16xf32> to vector<400x1x16xf32>
    %slice3A_20 = vector.extract_strided_slice %reshape3A {offsets = [0, 0, 16], sizes = [400, 16, 16], strides = [1, 1, 1]} : vector<400x16x128xf32> to vector<400x16x16xf32>
    %add3A = vector.broadcast %broadcast_in_dim3A_19 : vector<400x1x16xf32> to vector<400x16x16xf32>
    %add3A_21 = arith.addf %add3A, %slice3A_20 : vector<400x16x16xf32>
    %get3A_22 = arith.constant 0 : index
    %get3A_23 = arith.constant 0 : index
    %get3A_24 = vector.load %arg5[%get3A_22, %get3A_23] : memref<1x16xf32, #tpu.memory_space<vmem>>, vector<1x16xf32>
    %reshape3A_25 = vector.shape_cast %get3A_24 : vector<1x16xf32> to vector<1x1x16xf32>
    %mul3A_26 = vector.broadcast %sqrt3A : vector<400x16x1xf32> to vector<400x16x16xf32>
    %mul3A_27 = vector.broadcast %reshape3A_25 : vector<1x1x16xf32> to vector<400x16x16xf32>
    %mul3A_28 = arith.mulf %mul3A_26, %mul3A_27 : vector<400x16x16xf32>
    %add3A_29 = arith.addf %add3A_21, %mul3A_28 : vector<400x16x16xf32>
    %get3A_30 = arith.constant 0 : index
    %get3A_31 = arith.constant 0 : index
    %get3A_32 = vector.load %arg3[%get3A_30, %get3A_31] : memref<400x32xf32, #tpu.memory_space<vmem>>, vector<400x32xf32>
    %broadcast_in_dim3A_33 = vector.shape_cast %get3A_32 : vector<400x32xf32> to vector<400x1x32xf32>
    %slice3A_34 = vector.extract_strided_slice %reshape3A {offsets = [0, 0, 32], sizes = [400, 16, 32], strides = [1, 1, 1]} : vector<400x16x128xf32> to vector<400x16x32xf32>
    %add3A_35 = vector.broadcast %broadcast_in_dim3A_33 : vector<400x1x32xf32> to vector<400x16x32xf32>
    %add3A_36 = arith.addf %add3A_35, %slice3A_34 : vector<400x16x32xf32>
    %eq3A = arith.constant 0 : i32
    %eq3A_37 = arith.cmpi eq, %arg0, %eq3A : i32
    %convert_element_type3A = arith.extui %eq3A_37 : i1 to i32
    %cond3A = arith.constant 0 : i32
    %cond3A_38 = arith.cmpi ne, %convert_element_type3A, %cond3A : i32
    scf.if %cond3A_38 {
      %broadcast_in_dim3A_89 = arith.constant 0.000000e+00 : f32
      %broadcast_in_dim3A_90 = vector.broadcast %broadcast_in_dim3A_89 : f32 to vector<1x16xf32>
      %swap3A_91 = arith.constant 0 : index
      %swap3A_92 = arith.constant 0 : index
      %swap3A_93 = vector.load %arg6[%swap3A_91, %swap3A_92] : memref<1x16xf32, #tpu.memory_space<vmem>>, vector<1x16xf32>
      tpu.vector_store %arg6[%swap3A_91, %swap3A_92], %broadcast_in_dim3A_90 {strides = array<i32>} : memref<1x16xf32, #tpu.memory_space<vmem>>, vector<1x16xf32>,
      %broadcast_in_dim3A_94 = arith.constant 0.000000e+00 : f32
      %broadcast_in_dim3A_95 = vector.broadcast %broadcast_in_dim3A_94 : f32 to vector<1x16xf32>
      %swap3A_96 = arith.constant 0 : index
      %swap3A_97 = arith.constant 0 : index
      %swap3A_98 = vector.load %arg7[%swap3A_96, %swap3A_97] : memref<1x16xf32, #tpu.memory_space<vmem>>, vector<1x16xf32>
      tpu.vector_store %arg7[%swap3A_96, %swap3A_97], %broadcast_in_dim3A_95 {strides = array<i32>} : memref<1x16xf32, #tpu.memory_space<vmem>>, vector<1x16xf32>,
      %broadcast_in_dim3A_99 = arith.constant 0.000000e+00 : f32
      %broadcast_in_dim3A_100 = vector.broadcast %broadcast_in_dim3A_99 : f32 to vector<1x32xf32>
      %swap3A_101 = arith.constant 0 : index
      %swap3A_102 = arith.constant 0 : index
      %swap3A_103 = vector.load %arg8[%swap3A_101, %swap3A_102] : memref<1x32xf32, #tpu.memory_space<vmem>>, vector<1x32xf32>
      tpu.vector_store %arg8[%swap3A_101, %swap3A_102], %broadcast_in_dim3A_100 {strides = array<i32>} : memref<1x32xf32, #tpu.memory_space<vmem>>, vector<1x32xf32>,
      %broadcast_in_dim3A_104 = arith.constant 0.000000e+00 : f32
      %broadcast_in_dim3A_105 = vector.broadcast %broadcast_in_dim3A_104 : f32 to vector<1x32xf32>
      %swap3A_106 = arith.constant 0 : index
      %swap3A_107 = arith.constant 0 : index
      %swap3A_108 = vector.load %arg9[%swap3A_106, %swap3A_107] : memref<1x32xf32, #tpu.memory_space<vmem>>, vector<1x32xf32>
      tpu.vector_store %arg9[%swap3A_106, %swap3A_107], %broadcast_in_dim3A_105 {strides = array<i32>} : memref<1x32xf32, #tpu.memory_space<vmem>>, vector<1x32xf32>,
    } else {
    }
    %get3A_39 = arith.constant 0 : index
    %get3A_40 = arith.constant 0 : index
    %get3A_41 = vector.load %arg6[%get3A_39, %get3A_40] : memref<1x16xf32, #tpu.memory_space<vmem>>, vector<1x16xf32>
    %reduce_sum3A_42 = arith.constant dense<0.000000e+00> : vector<400x16xf32>
    %reduce_sum3A_43 = vector.multi_reduction <add>, %add3A_29, %reduce_sum3A_42 [1] : vector<400x16x16xf32> to vector<400x16xf32>
    %reduce_sum3A_44 = arith.constant dense<0.000000e+00> : vector<16xf32>
    %reduce_sum3A_45 = vector.multi_reduction <add>, %reduce_sum3A_43, %reduce_sum3A_44 [0] : vector<400x16xf32> to vector<16xf32>
    %broadcast_in_dim3A_46 = vector.shape_cast %reduce_sum3A_45 : vector<16xf32> to vector<1x16xf32>
    %add3A_47 = arith.addf %get3A_41, %broadcast_in_dim3A_46 : vector<1x16xf32>
    %swap3A_48 = arith.constant 0 : index
    %swap3A_49 = arith.constant 0 : index
    %swap3A_50 = vector.load %arg6[%swap3A_48, %swap3A_49] : memref<1x16xf32, #tpu.memory_space<vmem>>, vector<1x16xf32>
    tpu.vector_store %arg6[%swap3A_48, %swap3A_49], %add3A_47 {strides = array<i32>} : memref<1x16xf32, #tpu.memory_space<vmem>>, vector<1x16xf32>,
    %get3A_51 = arith.constant 0 : index
    %get3A_52 = arith.constant 0 : index
    %get3A_53 = vector.load %arg7[%get3A_51, %get3A_52] : memref<1x16xf32, #tpu.memory_space<vmem>>, vector<1x16xf32>
    %mul3A_54 = arith.mulf %add3A_29, %add3A_29 : vector<400x16x16xf32>
    %reduce_sum3A_55 = arith.constant dense<0.000000e+00> : vector<400x16xf32>
    %reduce_sum3A_56 = vector.multi_reduction <add>, %mul3A_54, %reduce_sum3A_55 [1] : vector<400x16x16xf32> to vector<400x16xf32>
    %reduce_sum3A_57 = arith.constant dense<0.000000e+00> : vector<16xf32>
    %reduce_sum3A_58 = vector.multi_reduction <add>, %reduce_sum3A_56, %reduce_sum3A_57 [0] : vector<400x16xf32> to vector<16xf32>
    %broadcast_in_dim3A_59 = vector.shape_cast %reduce_sum3A_58 : vector<16xf32> to vector<1x16xf32>
    %add3A_60 = arith.addf %get3A_53, %broadcast_in_dim3A_59 : vector<1x16xf32>
    %swap3A_61 = arith.constant 0 : index
    %swap3A_62 = arith.constant 0 : index
    %swap3A_63 = vector.load %arg7[%swap3A_61, %swap3A_62] : memref<1x16xf32, #tpu.memory_space<vmem>>, vector<1x16xf32>
    tpu.vector_store %arg7[%swap3A_61, %swap3A_62], %add3A_60 {strides = array<i32>} : memref<1x16xf32, #tpu.memory_space<vmem>>, vector<1x16xf32>,
    %get3A_64 = arith.constant 0 : index
    %get3A_65 = arith.constant 0 : index
    %get3A_66 = vector.load %arg8[%get3A_64, %get3A_65] : memref<1x32xf32, #tpu.memory_space<vmem>>, vector<1x32xf32>
    %reduce_sum3A_67 = arith.constant dense<0.000000e+00> : vector<400x32xf32>
    %reduce_sum3A_68 = vector.multi_reduction <add>, %add3A_36, %reduce_sum3A_67 [1] : vector<400x16x32xf32> to vector<400x32xf32>
    %reduce_sum3A_69 = arith.constant dense<0.000000e+00> : vector<32xf32>
    %reduce_sum3A_70 = vector.multi_reduction <add>, %reduce_sum3A_68, %reduce_sum3A_69 [0] : vector<400x32xf32> to vector<32xf32>
    %broadcast_in_dim3A_71 = vector.shape_cast %reduce_sum3A_70 : vector<32xf32> to vector<1x32xf32>
    %add3A_72 = arith.addf %get3A_66, %broadcast_in_dim3A_71 : vector<1x32xf32>
    %swap3A_73 = arith.constant 0 : index
    %swap3A_74 = arith.constant 0 : index
    %swap3A_75 = vector.load %arg8[%swap3A_73, %swap3A_74] : memref<1x32xf32, #tpu.memory_space<vmem>>, vector<1x32xf32>
    tpu.vector_store %arg8[%swap3A_73, %swap3A_74], %add3A_72 {strides = array<i32>} : memref<1x32xf32, #tpu.memory_space<vmem>>, vector<1x32xf32>,
    %get3A_76 = arith.constant 0 : index
    %get3A_77 = arith.constant 0 : index
    %get3A_78 = vector.load %arg9[%get3A_76, %get3A_77] : memref<1x32xf32, #tpu.memory_space<vmem>>, vector<1x32xf32>
    %mul3A_79 = arith.mulf %add3A_36, %add3A_36 : vector<400x16x32xf32>
    %reduce_sum3A_80 = arith.constant dense<0.000000e+00> : vector<400x32xf32>
    %reduce_sum3A_81 = vector.multi_reduction <add>, %mul3A_79, %reduce_sum3A_80 [1] : vector<400x16x32xf32> to vector<400x32xf32>
    %reduce_sum3A_82 = arith.constant dense<0.000000e+00> : vector<32xf32>
    %reduce_sum3A_83 = vector.multi_reduction <add>, %reduce_sum3A_81, %reduce_sum3A_82 [0] : vector<400x32xf32> to vector<32xf32>
    %broadcast_in_dim3A_84 = vector.shape_cast %reduce_sum3A_83 : vector<32xf32> to vector<1x32xf32>
    %add3A_85 = arith.addf %get3A_78, %broadcast_in_dim3A_84 : vector<1x32xf32>
    %swap3A_86 = arith.constant 0 : index
    %swap3A_87 = arith.constant 0 : index
    %swap3A_88 = vector.load %arg9[%swap3A_86, %swap3A_87] : memref<1x32xf32, #tpu.memory_space<vmem>>, vector<1x32xf32>
    tpu.vector_store %arg9[%swap3A_86, %swap3A_87], %add3A_85 {strides = array<i32>} : memref<1x32xf32, #tpu.memory_space<vmem>>, vector<1x32xf32>,
    return
  }
  func.func @transform_0(%arg0: i32) -> (i32, i32) {
    %c0_i32 = arith.constant 0 : i32
    %c0_i32_0 = arith.constant 0 : i32
    return %arg0, %c0_i32 : i32, i32
  }
  func.func @transform_1(%arg0: i32) -> (i32, i32) {
    %c0_i32 = arith.constant 0 : i32
    %c0_i32_0 = arith.constant 0 : i32
    return %arg0, %c0_i32 : i32, i32
  }
  func.func @transform_2(%arg0: i32) -> (i32, i32) {
    %c0_i32 = arith.constant 0 : i32
    %c0_i32_0 = arith.constant 0 : i32
    return %arg0, %c0_i32 : i32, i32
  }
  func.func @transform_3(%arg0: i32) -> (i32, i32) {
    %c0_i32 = arith.constant 0 : i32
    %c0_i32_0 = arith.constant 0 : i32
    return %arg0, %c0_i32 : i32, i32
  }
  func.func @transform_4(%arg0: i32) -> (i32, i32) {
    %c0_i32 = arith.constant 0 : i32
    %c0_i32_0 = arith.constant 0 : i32
    %c0_i32_1 = arith.constant 0 : i32
    return %c0_i32, %c0_i32_0 : i32, i32
  }
  func.func @transform_5(%arg0: i32) -> (i32, i32) {
    %c0_i32 = arith.constant 0 : i32
    %c0_i32_0 = arith.constant 0 : i32
    %c0_i32_1 = arith.constant 0 : i32
    return %c0_i32, %c0_i32_0 : i32, i32
  }
  func.func @transform_6(%arg0: i32) -> (i32, i32) {
    %c0_i32 = arith.constant 0 : i32
    %c0_i32_0 = arith.constant 0 : i32
    %c0_i32_1 = arith.constant 0 : i32
    return %c0_i32, %c0_i32_0 : i32, i32
  }
  func.func @transform_7(%arg0: i32) -> (i32, i32) {
    %c0_i32 = arith.constant 0 : i32
    %c0_i32_0 = arith.constant 0 : i32
    %c0_i32_1 = arith.constant 0 : i32
    return %c0_i32, %c0_i32_0 : i32, i32
  }
  func.func @transform_8(%arg0: i32) -> (i32, i32) {
    %c0_i32 = arith.constant 0 : i32
    %c0_i32_0 = arith.constant 0 : i32
    %c0_i32_1 = arith.constant 0 : i32
    return %c0_i32, %c0_i32_0 : i32, i32
  }
  func.func @transform_9(%arg0: i32) -> (i32, i32, i32) {
    %c0_i32 = arith.constant 0 : i32
    %c0_i32_0 = arith.constant 0 : i32
    %c0_i32_1 = arith.constant 0 : i32
    return %arg0, %c0_i32, %c0_i32_0 : i32, i32, i32
  }
}

module attributes {stable_mosaic.version = 14 : i64} {
  func.func @body(%arg0: i32, %arg1: memref<6400x128xf32, #tpu.memory_space<vmem>>, %arg2: memref<400x16xf32, #tpu.memory_space<vmem>>, %arg3: memref<400x32xf32, #tpu.memory_space<vmem>>, %arg4: memref<400x16x8xf32, #tpu.memory_space<vmem>>, %arg5: memref<1x16xf32, #tpu.memory_space<vmem>>, %arg6: memref<1x16xf32, #tpu.memory_space<vmem>>, %arg7: memref<1x16xf32, #tpu.memory_space<vmem>>, %arg8: memref<1x32xf32, #tpu.memory_space<vmem>>, %arg9: memref<1x32xf32, #tpu.memory_space<vmem>>, %arg10: memref<64x64xf32, #tpu.memory_space<vmem>>, %arg11: memref<400x64xf32, #tpu.memory_space<vmem>>, %arg12: memref<400x64xf32, #tpu.memory_space<vmem>>) attributes {dimension_semantics = [#tpu.dimension_semantics<arbitrary>], iteration_bounds = array<i64: 25>, scalar_prefetch = 0 : i64, scratch_operands = 0 : i64, tpu.core_type = #tpu.core_type<tc>, window_params = [{transform_indices = @transform_0, window_bounds = array<i64: 6400, 128>}, {transform_indices = @transform_1, window_bounds = array<i64: 400, 16>}, {transform_indices = @transform_2, window_bounds = array<i64: 400, 32>}, {transform_indices = @transform_3, window_bounds = array<i64: 400, 16, 8>}, {pipeline_mode = #tpu.pipeline_mode<synchronous>, transform_indices = @transform_4, window_bounds = array<i64: 1, 16>}, {pipeline_mode = #tpu.pipeline_mode<synchronous>, transform_indices = @transform_5, window_bounds = array<i64: 1, 16>}, {pipeline_mode = #tpu.pipeline_mode<synchronous>, transform_indices = @transform_6, window_bounds = array<i64: 1, 16>}, {pipeline_mode = #tpu.pipeline_mode<synchronous>, transform_indices = @transform_7, window_bounds = array<i64: 1, 32>}, {pipeline_mode = #tpu.pipeline_mode<synchronous>, transform_indices = @transform_8, window_bounds = array<i64: 1, 32>}, {pipeline_mode = #tpu.pipeline_mode<synchronous>, transform_indices = @transform_9, window_bounds = array<i64: 64, 64>}, {transform_indices = @transform_10, window_bounds = array<i64: 400, 64>}, {transform_indices = @transform_11, window_bounds = array<i64: 400, 64>}]} {
    %get3A = arith.constant 0 : index
    %get3A_0 = arith.constant 0 : index
    %get3A_1 = vector.load %arg1[%get3A, %get3A_0] : memref<6400x128xf32, #tpu.memory_space<vmem>>, vector<6400x128xf32>
    %reshape3A = vector.shape_cast %get3A_1 : vector<6400x128xf32> to vector<400x16x128xf32>
    %slice3A = vector.extract_strided_slice %reshape3A {offsets = [0, 0, 0], sizes = [400, 16, 16], strides = [1, 1, 1]} : vector<400x16x128xf32> to vector<400x16x16xf32>
    %get3A_2 = arith.constant 0 : index
    %get3A_3 = arith.constant 0 : index
    %get3A_4 = arith.constant 0 : index
    %get3A_5 = vector.load %arg4[%get3A_2, %get3A_3, %get3A_4] : memref<400x16x8xf32, #tpu.memory_space<vmem>>, vector<400x16x8xf32>
    %slice3A_6 = vector.extract_strided_slice %get3A_5 {offsets = [0, 0, 0], sizes = [400, 16, 1], strides = [1, 1, 1]} : vector<400x16x8xf32> to vector<400x16x1xf32>
    %get3A_7 = arith.constant 0 : index
    %get3A_8 = arith.constant 0 : index
    %get3A_9 = vector.load %arg2[%get3A_7, %get3A_8] : memref<400x16xf32, #tpu.memory_space<vmem>>, vector<400x16xf32>
    %broadcast_in_dim3A = vector.shape_cast %get3A_9 : vector<400x16xf32> to vector<400x1x16xf32>
    %slice3A_10 = vector.extract_strided_slice %reshape3A {offsets = [0, 0, 16], sizes = [400, 16, 16], strides = [1, 1, 1]} : vector<400x16x128xf32> to vector<400x16x16xf32>
    %add3A = vector.broadcast %broadcast_in_dim3A : vector<400x1x16xf32> to vector<400x16x16xf32>
    %add3A_11 = arith.addf %add3A, %slice3A_10 : vector<400x16x16xf32>
    %get3A_12 = arith.constant 0 : index
    %get3A_13 = arith.constant 0 : index
    %get3A_14 = vector.load %arg5[%get3A_12, %get3A_13] : memref<1x16xf32, #tpu.memory_space<vmem>>, vector<1x16xf32>
    %reshape3A_15 = vector.shape_cast %get3A_14 : vector<1x16xf32> to vector<1x1x16xf32>
    %mul3A = vector.broadcast %slice3A_6 : vector<400x16x1xf32> to vector<400x16x16xf32>
    %mul3A_16 = vector.broadcast %reshape3A_15 : vector<1x1x16xf32> to vector<400x16x16xf32>
    %mul3A_17 = arith.mulf %mul3A, %mul3A_16 : vector<400x16x16xf32>
    %add3A_18 = arith.addf %add3A_11, %mul3A_17 : vector<400x16x16xf32>
    %get3A_19 = arith.constant 0 : index
    %get3A_20 = arith.constant 0 : index
    %get3A_21 = vector.load %arg3[%get3A_19, %get3A_20] : memref<400x32xf32, #tpu.memory_space<vmem>>, vector<400x32xf32>
    %broadcast_in_dim3A_22 = vector.shape_cast %get3A_21 : vector<400x32xf32> to vector<400x1x32xf32>
    %slice3A_23 = vector.extract_strided_slice %reshape3A {offsets = [0, 0, 32], sizes = [400, 16, 32], strides = [1, 1, 1]} : vector<400x16x128xf32> to vector<400x16x32xf32>
    %add3A_24 = vector.broadcast %broadcast_in_dim3A_22 : vector<400x1x32xf32> to vector<400x16x32xf32>
    %add3A_25 = arith.addf %add3A_24, %slice3A_23 : vector<400x16x32xf32>
    %get3A_26 = arith.constant 0 : index
    %get3A_27 = arith.constant 0 : index
    %get3A_28 = vector.load %arg6[%get3A_26, %get3A_27] : memref<1x16xf32, #tpu.memory_space<vmem>>, vector<1x16xf32>
    %reshape3A_29 = vector.shape_cast %get3A_28 : vector<1x16xf32> to vector<1x1x16xf32>
    %mul3A_30 = vector.broadcast %reshape3A_29 : vector<1x1x16xf32> to vector<400x16x16xf32>
    %mul3A_31 = arith.mulf %add3A_18, %mul3A_30 : vector<400x16x16xf32>
    %get3A_32 = arith.constant 0 : index
    %get3A_33 = arith.constant 0 : index
    %get3A_34 = vector.load %arg7[%get3A_32, %get3A_33] : memref<1x16xf32, #tpu.memory_space<vmem>>, vector<1x16xf32>
    %reshape3A_35 = vector.shape_cast %get3A_34 : vector<1x16xf32> to vector<1x1x16xf32>
    %add3A_36 = vector.broadcast %reshape3A_35 : vector<1x1x16xf32> to vector<400x16x16xf32>
    %add3A_37 = arith.addf %mul3A_31, %add3A_36 : vector<400x16x16xf32>
    %gt3A = arith.constant 0.000000e+00 : f32
    %gt3A_38 = vector.broadcast %gt3A : f32 to vector<400x16x16xf32>
    %gt3A_39 = arith.cmpf ogt, %add3A_37, %gt3A_38 : vector<400x16x16xf32>
    %mul3A_40 = arith.constant 2.000000e-01 : f32
    %mul3A_41 = vector.broadcast %mul3A_40 : f32 to vector<400x16x16xf32>
    %mul3A_42 = arith.mulf %mul3A_41, %add3A_37 : vector<400x16x16xf32>
    %select_n3A = arith.select %gt3A_39, %add3A_37, %mul3A_42 : vector<400x16x16xi1>, vector<400x16x16xf32>
    %get3A_43 = arith.constant 0 : index
    %get3A_44 = arith.constant 0 : index
    %get3A_45 = vector.load %arg8[%get3A_43, %get3A_44] : memref<1x32xf32, #tpu.memory_space<vmem>>, vector<1x32xf32>
    %reshape3A_46 = vector.shape_cast %get3A_45 : vector<1x32xf32> to vector<1x1x32xf32>
    %mul3A_47 = vector.broadcast %reshape3A_46 : vector<1x1x32xf32> to vector<400x16x32xf32>
    %mul3A_48 = arith.mulf %add3A_25, %mul3A_47 : vector<400x16x32xf32>
    %get3A_49 = arith.constant 0 : index
    %get3A_50 = arith.constant 0 : index
    %get3A_51 = vector.load %arg9[%get3A_49, %get3A_50] : memref<1x32xf32, #tpu.memory_space<vmem>>, vector<1x32xf32>
    %reshape3A_52 = vector.shape_cast %get3A_51 : vector<1x32xf32> to vector<1x1x32xf32>
    %add3A_53 = vector.broadcast %reshape3A_52 : vector<1x1x32xf32> to vector<400x16x32xf32>
    %add3A_54 = arith.addf %mul3A_48, %add3A_53 : vector<400x16x32xf32>
    %gt3A_55 = arith.constant 0.000000e+00 : f32
    %gt3A_56 = vector.broadcast %gt3A_55 : f32 to vector<400x16x32xf32>
    %gt3A_57 = arith.cmpf ogt, %add3A_54, %gt3A_56 : vector<400x16x32xf32>
    %mul3A_58 = arith.constant 2.000000e-01 : f32
    %mul3A_59 = vector.broadcast %mul3A_58 : f32 to vector<400x16x32xf32>
    %mul3A_60 = arith.mulf %mul3A_59, %add3A_54 : vector<400x16x32xf32>
    %select_n3A_61 = arith.select %gt3A_57, %add3A_54, %mul3A_60 : vector<400x16x32xi1>, vector<400x16x32xf32>
    %concatenate3A = tpu.concatenate %select_n3A_61, %slice3A, %select_n3A in 2 : vector<400x16x32xf32>, vector<400x16x16xf32>, vector<400x16x16xf32> -> vector<400x16x64xf32>
    %reshape3A_62 = vector.shape_cast %concatenate3A : vector<400x16x64xf32> to vector<6400x64xf32>
    %get3A_63 = arith.constant 0 : index
    %get3A_64 = arith.constant 0 : index
    %get3A_65 = vector.load %arg10[%get3A_63, %get3A_64] : memref<64x64xf32, #tpu.memory_space<vmem>>, vector<64x64xf32>
    %dot_general3A = arith.constant dense<0.000000e+00> : vector<6400x64xf32>
    %dot_general3A_66 = tpu.matmul %reshape3A_62, %get3A_65, %dot_general3A {dimension_numbers = #tpu.dot_dimension_numbers<[1], [0], [0], [1], [0, 0, 1, 1], [], []>, transpose_lhs_hint = false} : vector<6400x64xf32>, vector<64x64xf32>, vector<6400x64xf32> -> vector<6400x64xf32>
    %reshape3A_67 = vector.shape_cast %dot_general3A_66 : vector<6400x64xf32> to vector<400x16x64xf32>
    %reduce_max3A = arith.constant dense<0xFF800000> : vector<400x64xf32>
    %reduce_max3A_68 = vector.multi_reduction <maximumf>, %reshape3A_67, %reduce_max3A [1] : vector<400x16x64xf32> to vector<400x64xf32>
    %broadcast_in_dim3A_69 = vector.shape_cast %reduce_max3A_68 : vector<400x64xf32> to vector<400x1x64xf32>
    %sub3A = vector.broadcast %broadcast_in_dim3A_69 : vector<400x1x64xf32> to vector<400x16x64xf32>
    %sub3A_70 = arith.subf %reshape3A_67, %sub3A : vector<400x16x64xf32>
    %exp3A = math.exp %sub3A_70 : vector<400x16x64xf32>
    %reduce_sum3A = arith.constant dense<0.000000e+00> : vector<400x64xf32>
    %reduce_sum3A_71 = vector.multi_reduction <add>, %exp3A, %reduce_sum3A [1] : vector<400x16x64xf32> to vector<400x64xf32>
    %broadcast_in_dim3A_72 = vector.shape_cast %reduce_sum3A_71 : vector<400x64xf32> to vector<400x1x64xf32>
    %add3A_73 = arith.constant 1.000000e-16 : f32
    %add3A_74 = vector.broadcast %add3A_73 : f32 to vector<400x1x64xf32>
    %add3A_75 = arith.addf %broadcast_in_dim3A_72, %add3A_74 : vector<400x1x64xf32>
    %div3A = vector.broadcast %add3A_75 : vector<400x1x64xf32> to vector<400x16x64xf32>
    %div3A_76 = arith.divf %exp3A, %div3A : vector<400x16x64xf32>
    %mul3A_77 = arith.mulf %div3A_76, %concatenate3A : vector<400x16x64xf32>
    %reduce_sum3A_78 = arith.constant dense<0.000000e+00> : vector<400x64xf32>
    %reduce_sum3A_79 = vector.multi_reduction <add>, %mul3A_77, %reduce_sum3A_78 [1] : vector<400x16x64xf32> to vector<400x64xf32>
    %swap3A = arith.constant 0 : index
    %swap3A_80 = arith.constant 0 : index
    %swap3A_81 = vector.load %arg11[%swap3A, %swap3A_80] : memref<400x64xf32, #tpu.memory_space<vmem>>, vector<400x64xf32>
    tpu.vector_store %arg11[%swap3A, %swap3A_80], %reduce_sum3A_79 {strides = array<i32>} : memref<400x64xf32, #tpu.memory_space<vmem>>, vector<400x64xf32>,
    %reduce_sum3A_82 = arith.constant dense<0.000000e+00> : vector<400x64xf32>
    %reduce_sum3A_83 = vector.multi_reduction <add>, %concatenate3A, %reduce_sum3A_82 [1] : vector<400x16x64xf32> to vector<400x64xf32>
    %swap3A_84 = arith.constant 0 : index
    %swap3A_85 = arith.constant 0 : index
    %swap3A_86 = vector.load %arg12[%swap3A_84, %swap3A_85] : memref<400x64xf32, #tpu.memory_space<vmem>>, vector<400x64xf32>
    tpu.vector_store %arg12[%swap3A_84, %swap3A_85], %reduce_sum3A_83 {strides = array<i32>} : memref<400x64xf32, #tpu.memory_space<vmem>>, vector<400x64xf32>,
    return
  }
  func.func @transform_0(%arg0: i32) -> (i32, i32) {
    %c0_i32 = arith.constant 0 : i32
    %c0_i32_0 = arith.constant 0 : i32
    return %arg0, %c0_i32 : i32, i32
  }
  func.func @transform_1(%arg0: i32) -> (i32, i32) {
    %c0_i32 = arith.constant 0 : i32
    %c0_i32_0 = arith.constant 0 : i32
    return %arg0, %c0_i32 : i32, i32
  }
  func.func @transform_2(%arg0: i32) -> (i32, i32) {
    %c0_i32 = arith.constant 0 : i32
    %c0_i32_0 = arith.constant 0 : i32
    return %arg0, %c0_i32 : i32, i32
  }
  func.func @transform_3(%arg0: i32) -> (i32, i32, i32) {
    %c0_i32 = arith.constant 0 : i32
    %c0_i32_0 = arith.constant 0 : i32
    %c0_i32_1 = arith.constant 0 : i32
    return %arg0, %c0_i32, %c0_i32_0 : i32, i32, i32
  }
  func.func @transform_4(%arg0: i32) -> (i32, i32) {
    %c0_i32 = arith.constant 0 : i32
    %c0_i32_0 = arith.constant 0 : i32
    %c0_i32_1 = arith.constant 0 : i32
    return %c0_i32, %c0_i32_0 : i32, i32
  }
  func.func @transform_5(%arg0: i32) -> (i32, i32) {
    %c0_i32 = arith.constant 0 : i32
    %c0_i32_0 = arith.constant 0 : i32
    %c0_i32_1 = arith.constant 0 : i32
    return %c0_i32, %c0_i32_0 : i32, i32
  }
  func.func @transform_6(%arg0: i32) -> (i32, i32) {
    %c0_i32 = arith.constant 0 : i32
    %c0_i32_0 = arith.constant 0 : i32
    %c0_i32_1 = arith.constant 0 : i32
    return %c0_i32, %c0_i32_0 : i32, i32
  }
  func.func @transform_7(%arg0: i32) -> (i32, i32) {
    %c0_i32 = arith.constant 0 : i32
    %c0_i32_0 = arith.constant 0 : i32
    %c0_i32_1 = arith.constant 0 : i32
    return %c0_i32, %c0_i32_0 : i32, i32
  }
  func.func @transform_8(%arg0: i32) -> (i32, i32) {
    %c0_i32 = arith.constant 0 : i32
    %c0_i32_0 = arith.constant 0 : i32
    %c0_i32_1 = arith.constant 0 : i32
    return %c0_i32, %c0_i32_0 : i32, i32
  }
  func.func @transform_9(%arg0: i32) -> (i32, i32) {
    %c0_i32 = arith.constant 0 : i32
    %c0_i32_0 = arith.constant 0 : i32
    %c0_i32_1 = arith.constant 0 : i32
    return %c0_i32, %c0_i32_0 : i32, i32
  }
  func.func @transform_10(%arg0: i32) -> (i32, i32) {
    %c0_i32 = arith.constant 0 : i32
    %c0_i32_0 = arith.constant 0 : i32
    return %arg0, %c0_i32 : i32, i32
  }
  func.func @transform_11(%arg0: i32) -> (i32, i32) {
    %c0_i32 = arith.constant 0 : i32
    %c0_i32_0 = arith.constant 0 : i32
    return %arg0, %c0_i32 : i32, i32
  }
}

module attributes {stable_mosaic.version = 14 : i64} {
  func.func @body(%arg0: i32, %arg1: memref<2000x64xf32, #tpu.memory_space<vmem>>, %arg2: memref<64x32xf32, #tpu.memory_space<vmem>>, %arg3: memref<1x32xf32, #tpu.memory_space<vmem>>, %arg4: memref<2000x64xf32, #tpu.memory_space<vmem>>, %arg5: memref<64x128xf32, #tpu.memory_space<vmem>>, %arg6: memref<1x128xf32, #tpu.memory_space<vmem>>, %arg7: memref<2000x32xf32, #tpu.memory_space<vmem>>, %arg8: memref<1x32xf32, #tpu.memory_space<vmem>>, %arg9: memref<1x32xf32, #tpu.memory_space<vmem>>, %arg10: memref<2000x128xf32, #tpu.memory_space<vmem>>, %arg11: memref<1x128xf32, #tpu.memory_space<vmem>>, %arg12: memref<1x128xf32, #tpu.memory_space<vmem>>) attributes {dimension_semantics = [#tpu.dimension_semantics<arbitrary>], iteration_bounds = array<i64: 5>, scalar_prefetch = 0 : i64, scratch_operands = 0 : i64, tpu.core_type = #tpu.core_type<tc>, window_params = [{transform_indices = @transform_0, window_bounds = array<i64: 2000, 64>}, {pipeline_mode = #tpu.pipeline_mode<synchronous>, transform_indices = @transform_1, window_bounds = array<i64: 64, 32>}, {pipeline_mode = #tpu.pipeline_mode<synchronous>, transform_indices = @transform_2, window_bounds = array<i64: 1, 32>}, {transform_indices = @transform_3, window_bounds = array<i64: 2000, 64>}, {pipeline_mode = #tpu.pipeline_mode<synchronous>, transform_indices = @transform_4, window_bounds = array<i64: 64, 128>}, {pipeline_mode = #tpu.pipeline_mode<synchronous>, transform_indices = @transform_5, window_bounds = array<i64: 1, 128>}, {transform_indices = @transform_6, window_bounds = array<i64: 2000, 32>}, {pipeline_mode = #tpu.pipeline_mode<synchronous>, transform_indices = @transform_7, window_bounds = array<i64: 1, 32>}, {pipeline_mode = #tpu.pipeline_mode<synchronous>, transform_indices = @transform_8, window_bounds = array<i64: 1, 32>}, {transform_indices = @transform_9, window_bounds = array<i64: 2000, 128>}, {pipeline_mode = #tpu.pipeline_mode<synchronous>, transform_indices = @transform_10, window_bounds = array<i64: 1, 128>}, {pipeline_mode = #tpu.pipeline_mode<synchronous>, transform_indices = @transform_11, window_bounds = array<i64: 1, 128>}]} {
    %get3A = arith.constant 0 : index
    %get3A_0 = arith.constant 0 : index
    %get3A_1 = vector.load %arg1[%get3A, %get3A_0] : memref<2000x64xf32, #tpu.memory_space<vmem>>, vector<2000x64xf32>
    %get3A_2 = arith.constant 0 : index
    %get3A_3 = arith.constant 0 : index
    %get3A_4 = vector.load %arg2[%get3A_2, %get3A_3] : memref<64x32xf32, #tpu.memory_space<vmem>>, vector<64x32xf32>
    %dot_general3A = arith.constant dense<0.000000e+00> : vector<2000x32xf32>
    %dot_general3A_5 = tpu.matmul %get3A_1, %get3A_4, %dot_general3A {dimension_numbers = #tpu.dot_dimension_numbers<[1], [0], [0], [1], [0, 0, 1, 1], [], []>, transpose_lhs_hint = false} : vector<2000x64xf32>, vector<64x32xf32>, vector<2000x32xf32> -> vector<2000x32xf32>
    %get3A_6 = arith.constant 0 : index
    %get3A_7 = arith.constant 0 : index
    %get3A_8 = vector.load %arg3[%get3A_6, %get3A_7] : memref<1x32xf32, #tpu.memory_space<vmem>>, vector<1x32xf32>
    %add3A = vector.broadcast %get3A_8 : vector<1x32xf32> to vector<2000x32xf32>
    %add3A_9 = arith.addf %dot_general3A_5, %add3A : vector<2000x32xf32>
    %swap3A = arith.constant 0 : index
    %swap3A_10 = arith.constant 0 : index
    %swap3A_11 = vector.load %arg7[%swap3A, %swap3A_10] : memref<2000x32xf32, #tpu.memory_space<vmem>>, vector<2000x32xf32>
    tpu.vector_store %arg7[%swap3A, %swap3A_10], %add3A_9 {strides = array<i32>} : memref<2000x32xf32, #tpu.memory_space<vmem>>, vector<2000x32xf32>,
    %eq3A = arith.constant 0 : i32
    %eq3A_12 = arith.cmpi eq, %arg0, %eq3A : i32
    %convert_element_type3A = arith.extui %eq3A_12 : i1 to i32
    %cond3A = arith.constant 0 : i32
    %cond3A_13 = arith.cmpi ne, %convert_element_type3A, %cond3A : i32
    scf.if %cond3A_13 {
      %broadcast_in_dim3A_74 = arith.constant 0.000000e+00 : f32
      %broadcast_in_dim3A_75 = vector.broadcast %broadcast_in_dim3A_74 : f32 to vector<1x32xf32>
      %swap3A_76 = arith.constant 0 : index
      %swap3A_77 = arith.constant 0 : index
      %swap3A_78 = vector.load %arg8[%swap3A_76, %swap3A_77] : memref<1x32xf32, #tpu.memory_space<vmem>>, vector<1x32xf32>
      tpu.vector_store %arg8[%swap3A_76, %swap3A_77], %broadcast_in_dim3A_75 {strides = array<i32>} : memref<1x32xf32, #tpu.memory_space<vmem>>, vector<1x32xf32>,
      %broadcast_in_dim3A_79 = arith.constant 0.000000e+00 : f32
      %broadcast_in_dim3A_80 = vector.broadcast %broadcast_in_dim3A_79 : f32 to vector<1x32xf32>
      %swap3A_81 = arith.constant 0 : index
      %swap3A_82 = arith.constant 0 : index
      %swap3A_83 = vector.load %arg9[%swap3A_81, %swap3A_82] : memref<1x32xf32, #tpu.memory_space<vmem>>, vector<1x32xf32>
      tpu.vector_store %arg9[%swap3A_81, %swap3A_82], %broadcast_in_dim3A_80 {strides = array<i32>} : memref<1x32xf32, #tpu.memory_space<vmem>>, vector<1x32xf32>,
    } else {
    }
    %get3A_14 = arith.constant 0 : index
    %get3A_15 = arith.constant 0 : index
    %get3A_16 = vector.load %arg8[%get3A_14, %get3A_15] : memref<1x32xf32, #tpu.memory_space<vmem>>, vector<1x32xf32>
    %reduce_sum3A = arith.constant dense<0.000000e+00> : vector<32xf32>
    %reduce_sum3A_17 = vector.multi_reduction <add>, %add3A_9, %reduce_sum3A [0] : vector<2000x32xf32> to vector<32xf32>
    %broadcast_in_dim3A = vector.shape_cast %reduce_sum3A_17 : vector<32xf32> to vector<1x32xf32>
    %add3A_18 = arith.addf %get3A_16, %broadcast_in_dim3A : vector<1x32xf32>
    %swap3A_19 = arith.constant 0 : index
    %swap3A_20 = arith.constant 0 : index
    %swap3A_21 = vector.load %arg8[%swap3A_19, %swap3A_20] : memref<1x32xf32, #tpu.memory_space<vmem>>, vector<1x32xf32>
    tpu.vector_store %arg8[%swap3A_19, %swap3A_20], %add3A_18 {strides = array<i32>} : memref<1x32xf32, #tpu.memory_space<vmem>>, vector<1x32xf32>,
    %get3A_22 = arith.constant 0 : index
    %get3A_23 = arith.constant 0 : index
    %get3A_24 = vector.load %arg9[%get3A_22, %get3A_23] : memref<1x32xf32, #tpu.memory_space<vmem>>, vector<1x32xf32>
    %mul3A = arith.mulf %add3A_9, %add3A_9 : vector<2000x32xf32>
    %reduce_sum3A_25 = arith.constant dense<0.000000e+00> : vector<32xf32>
    %reduce_sum3A_26 = vector.multi_reduction <add>, %mul3A, %reduce_sum3A_25 [0] : vector<2000x32xf32> to vector<32xf32>
    %broadcast_in_dim3A_27 = vector.shape_cast %reduce_sum3A_26 : vector<32xf32> to vector<1x32xf32>
    %add3A_28 = arith.addf %get3A_24, %broadcast_in_dim3A_27 : vector<1x32xf32>
    %swap3A_29 = arith.constant 0 : index
    %swap3A_30 = arith.constant 0 : index
    %swap3A_31 = vector.load %arg9[%swap3A_29, %swap3A_30] : memref<1x32xf32, #tpu.memory_space<vmem>>, vector<1x32xf32>
    tpu.vector_store %arg9[%swap3A_29, %swap3A_30], %add3A_28 {strides = array<i32>} : memref<1x32xf32, #tpu.memory_space<vmem>>, vector<1x32xf32>,
    %get3A_32 = arith.constant 0 : index
    %get3A_33 = arith.constant 0 : index
    %get3A_34 = vector.load %arg4[%get3A_32, %get3A_33] : memref<2000x64xf32, #tpu.memory_space<vmem>>, vector<2000x64xf32>
    %get3A_35 = arith.constant 0 : index
    %get3A_36 = arith.constant 0 : index
    %get3A_37 = vector.load %arg5[%get3A_35, %get3A_36] : memref<64x128xf32, #tpu.memory_space<vmem>>, vector<64x128xf32>
    %dot_general3A_38 = arith.constant dense<0.000000e+00> : vector<2000x128xf32>
    %dot_general3A_39 = tpu.matmul %get3A_34, %get3A_37, %dot_general3A_38 {dimension_numbers = #tpu.dot_dimension_numbers<[1], [0], [0], [1], [0, 0, 1, 1], [], []>, transpose_lhs_hint = false} : vector<2000x64xf32>, vector<64x128xf32>, vector<2000x128xf32> -> vector<2000x128xf32>
    %get3A_40 = arith.constant 0 : index
    %get3A_41 = arith.constant 0 : index
    %get3A_42 = vector.load %arg6[%get3A_40, %get3A_41] : memref<1x128xf32, #tpu.memory_space<vmem>>, vector<1x128xf32>
    %add3A_43 = vector.broadcast %get3A_42 : vector<1x128xf32> to vector<2000x128xf32>
    %add3A_44 = arith.addf %dot_general3A_39, %add3A_43 : vector<2000x128xf32>
    %swap3A_45 = arith.constant 0 : index
    %swap3A_46 = arith.constant 0 : index
    %swap3A_47 = vector.load %arg10[%swap3A_45, %swap3A_46] : memref<2000x128xf32, #tpu.memory_space<vmem>>, vector<2000x128xf32>
    tpu.vector_store %arg10[%swap3A_45, %swap3A_46], %add3A_44 {strides = array<i32>} : memref<2000x128xf32, #tpu.memory_space<vmem>>, vector<2000x128xf32>,
    %eq3A_48 = arith.constant 0 : i32
    %eq3A_49 = arith.cmpi eq, %arg0, %eq3A_48 : i32
    %convert_element_type3A_50 = arith.extui %eq3A_49 : i1 to i32
    %cond3A_51 = arith.constant 0 : i32
    %cond3A_52 = arith.cmpi ne, %convert_element_type3A_50, %cond3A_51 : i32
    scf.if %cond3A_52 {
      %broadcast_in_dim3A_74 = arith.constant 0.000000e+00 : f32
      %broadcast_in_dim3A_75 = vector.broadcast %broadcast_in_dim3A_74 : f32 to vector<1x128xf32>
      %swap3A_76 = arith.constant 0 : index
      %swap3A_77 = arith.constant 0 : index
      %swap3A_78 = vector.load %arg11[%swap3A_76, %swap3A_77] : memref<1x128xf32, #tpu.memory_space<vmem>>, vector<1x128xf32>
      tpu.vector_store %arg11[%swap3A_76, %swap3A_77], %broadcast_in_dim3A_75 {strides = array<i32>} : memref<1x128xf32, #tpu.memory_space<vmem>>, vector<1x128xf32>,
      %broadcast_in_dim3A_79 = arith.constant 0.000000e+00 : f32
      %broadcast_in_dim3A_80 = vector.broadcast %broadcast_in_dim3A_79 : f32 to vector<1x128xf32>
      %swap3A_81 = arith.constant 0 : index
      %swap3A_82 = arith.constant 0 : index
      %swap3A_83 = vector.load %arg12[%swap3A_81, %swap3A_82] : memref<1x128xf32, #tpu.memory_space<vmem>>, vector<1x128xf32>
      tpu.vector_store %arg12[%swap3A_81, %swap3A_82], %broadcast_in_dim3A_80 {strides = array<i32>} : memref<1x128xf32, #tpu.memory_space<vmem>>, vector<1x128xf32>,
    } else {
    }
    %get3A_53 = arith.constant 0 : index
    %get3A_54 = arith.constant 0 : index
    %get3A_55 = vector.load %arg11[%get3A_53, %get3A_54] : memref<1x128xf32, #tpu.memory_space<vmem>>, vector<1x128xf32>
    %reduce_sum3A_56 = arith.constant dense<0.000000e+00> : vector<128xf32>
    %reduce_sum3A_57 = vector.multi_reduction <add>, %add3A_44, %reduce_sum3A_56 [0] : vector<2000x128xf32> to vector<128xf32>
    %broadcast_in_dim3A_58 = vector.shape_cast %reduce_sum3A_57 : vector<128xf32> to vector<1x128xf32>
    %add3A_59 = arith.addf %get3A_55, %broadcast_in_dim3A_58 : vector<1x128xf32>
    %swap3A_60 = arith.constant 0 : index
    %swap3A_61 = arith.constant 0 : index
    %swap3A_62 = vector.load %arg11[%swap3A_60, %swap3A_61] : memref<1x128xf32, #tpu.memory_space<vmem>>, vector<1x128xf32>
    tpu.vector_store %arg11[%swap3A_60, %swap3A_61], %add3A_59 {strides = array<i32>} : memref<1x128xf32, #tpu.memory_space<vmem>>, vector<1x128xf32>,
    %get3A_63 = arith.constant 0 : index
    %get3A_64 = arith.constant 0 : index
    %get3A_65 = vector.load %arg12[%get3A_63, %get3A_64] : memref<1x128xf32, #tpu.memory_space<vmem>>, vector<1x128xf32>
    %mul3A_66 = arith.mulf %add3A_44, %add3A_44 : vector<2000x128xf32>
    %reduce_sum3A_67 = arith.constant dense<0.000000e+00> : vector<128xf32>
    %reduce_sum3A_68 = vector.multi_reduction <add>, %mul3A_66, %reduce_sum3A_67 [0] : vector<2000x128xf32> to vector<128xf32>
    %broadcast_in_dim3A_69 = vector.shape_cast %reduce_sum3A_68 : vector<128xf32> to vector<1x128xf32>
    %add3A_70 = arith.addf %get3A_65, %broadcast_in_dim3A_69 : vector<1x128xf32>
    %swap3A_71 = arith.constant 0 : index
    %swap3A_72 = arith.constant 0 : index
    %swap3A_73 = vector.load %arg12[%swap3A_71, %swap3A_72] : memref<1x128xf32, #tpu.memory_space<vmem>>, vector<1x128xf32>
    tpu.vector_store %arg12[%swap3A_71, %swap3A_72], %add3A_70 {strides = array<i32>} : memref<1x128xf32, #tpu.memory_space<vmem>>, vector<1x128xf32>,
    return
  }
  func.func @transform_0(%arg0: i32) -> (i32, i32) {
    %c0_i32 = arith.constant 0 : i32
    %c0_i32_0 = arith.constant 0 : i32
    return %arg0, %c0_i32 : i32, i32
  }
  func.func @transform_1(%arg0: i32) -> (i32, i32) {
    %c0_i32 = arith.constant 0 : i32
    %c0_i32_0 = arith.constant 0 : i32
    %c0_i32_1 = arith.constant 0 : i32
    return %c0_i32, %c0_i32_0 : i32, i32
  }
  func.func @transform_2(%arg0: i32) -> (i32, i32) {
    %c0_i32 = arith.constant 0 : i32
    %c0_i32_0 = arith.constant 0 : i32
    %c0_i32_1 = arith.constant 0 : i32
    return %c0_i32, %c0_i32_0 : i32, i32
  }
  func.func @transform_3(%arg0: i32) -> (i32, i32) {
    %c0_i32 = arith.constant 0 : i32
    %c0_i32_0 = arith.constant 0 : i32
    return %arg0, %c0_i32 : i32, i32
  }
  func.func @transform_4(%arg0: i32) -> (i32, i32) {
    %c0_i32 = arith.constant 0 : i32
    %c0_i32_0 = arith.constant 0 : i32
    %c0_i32_1 = arith.constant 0 : i32
    return %c0_i32, %c0_i32_0 : i32, i32
  }
  func.func @transform_5(%arg0: i32) -> (i32, i32) {
    %c0_i32 = arith.constant 0 : i32
    %c0_i32_0 = arith.constant 0 : i32
    %c0_i32_1 = arith.constant 0 : i32
    return %c0_i32, %c0_i32_0 : i32, i32
  }
  func.func @transform_6(%arg0: i32) -> (i32, i32) {
    %c0_i32 = arith.constant 0 : i32
    %c0_i32_0 = arith.constant 0 : i32
    return %arg0, %c0_i32 : i32, i32
  }
  func.func @transform_7(%arg0: i32) -> (i32, i32) {
    %c0_i32 = arith.constant 0 : i32
    %c0_i32_0 = arith.constant 0 : i32
    %c0_i32_1 = arith.constant 0 : i32
    return %c0_i32, %c0_i32_0 : i32, i32
  }
  func.func @transform_8(%arg0: i32) -> (i32, i32) {
    %c0_i32 = arith.constant 0 : i32
    %c0_i32_0 = arith.constant 0 : i32
    %c0_i32_1 = arith.constant 0 : i32
    return %c0_i32, %c0_i32_0 : i32, i32
  }
  func.func @transform_9(%arg0: i32) -> (i32, i32) {
    %c0_i32 = arith.constant 0 : i32
    %c0_i32_0 = arith.constant 0 : i32
    return %arg0, %c0_i32 : i32, i32
  }
  func.func @transform_10(%arg0: i32) -> (i32, i32) {
    %c0_i32 = arith.constant 0 : i32
    %c0_i32_0 = arith.constant 0 : i32
    %c0_i32_1 = arith.constant 0 : i32
    return %c0_i32, %c0_i32_0 : i32, i32
  }
  func.func @transform_11(%arg0: i32) -> (i32, i32) {
    %c0_i32 = arith.constant 0 : i32
    %c0_i32_0 = arith.constant 0 : i32
    %c0_i32_1 = arith.constant 0 : i32
    return %c0_i32, %c0_i32_0 : i32, i32
  }
}

module attributes {stable_mosaic.version = 14 : i64} {
  func.func @_s6b_body(%arg0: i32, %arg1: memref<2000x32xf32, #tpu.memory_space<vmem>>, %arg2: memref<2000x128xf32, #tpu.memory_space<vmem>>, %arg3: memref<2000x8xf32, #tpu.memory_space<vmem>>, %arg4: memref<1x32xf32, #tpu.memory_space<vmem>>, %arg5: memref<1x32xf32, #tpu.memory_space<vmem>>, %arg6: memref<1x128xf32, #tpu.memory_space<vmem>>, %arg7: memref<1x128xf32, #tpu.memory_space<vmem>>, %arg8: memref<32x64xf32, #tpu.memory_space<vmem>>, %arg9: memref<32x64xf32, #tpu.memory_space<vmem>>, %arg10: memref<1x64xf32, #tpu.memory_space<vmem>>, %arg11: memref<8x32xf32, #tpu.memory_space<vmem>>, %arg12: memref<8x32xf32, #tpu.memory_space<vmem>>, %arg13: memref<1x32xf32, #tpu.memory_space<vmem>>, %arg14: memref<2000x128xf32, #tpu.memory_space<vmem>>, %arg15: memref<2000x32xf32, #tpu.memory_space<vmem>>, %arg16: memref<2000x64xf32, #tpu.memory_space<vmem>>, %arg17: memref<2000x128xf32, #tpu.memory_space<vmem>>) attributes {dimension_semantics = [#tpu.dimension_semantics<arbitrary>], iteration_bounds = array<i64: 5>, scalar_prefetch = 0 : i64, scratch_operands = 0 : i64, tpu.core_type = #tpu.core_type<tc>, window_params = [{transform_indices = @transform_0, window_bounds = array<i64: 2000, 32>}, {transform_indices = @transform_1, window_bounds = array<i64: 2000, 128>}, {transform_indices = @transform_2, window_bounds = array<i64: 2000, 8>}, {pipeline_mode = #tpu.pipeline_mode<synchronous>, transform_indices = @transform_3, window_bounds = array<i64: 1, 32>}, {pipeline_mode = #tpu.pipeline_mode<synchronous>, transform_indices = @transform_4, window_bounds = array<i64: 1, 32>}, {pipeline_mode = #tpu.pipeline_mode<synchronous>, transform_indices = @transform_5, window_bounds = array<i64: 1, 128>}, {pipeline_mode = #tpu.pipeline_mode<synchronous>, transform_indices = @transform_6, window_bounds = array<i64: 1, 128>}, {pipeline_mode = #tpu.pipeline_mode<synchronous>, transform_indices = @transform_7, window_bounds = array<i64: 32, 64>}, {pipeline_mode = #tpu.pipeline_mode<synchronous>, transform_indices = @transform_8, window_bounds = array<i64: 32, 64>}, {pipeline_mode = #tpu.pipeline_mode<synchronous>, transform_indices = @transform_9, window_bounds = array<i64: 1, 64>}, {pipeline_mode = #tpu.pipeline_mode<synchronous>, transform_indices = @transform_10, window_bounds = array<i64: 8, 32>}, {pipeline_mode = #tpu.pipeline_mode<synchronous>, transform_indices = @transform_11, window_bounds = array<i64: 8, 32>}, {pipeline_mode = #tpu.pipeline_mode<synchronous>, transform_indices = @transform_12, window_bounds = array<i64: 1, 32>}, {transform_indices = @transform_13, window_bounds = array<i64: 2000, 128>}, {transform_indices = @transform_14, window_bounds = array<i64: 2000, 32>}, {transform_indices = @transform_15, window_bounds = array<i64: 2000, 64>}, {transform_indices = @transform_16, window_bounds = array<i64: 2000, 128>}]} {
    %get3A = arith.constant 0 : index
    %get3A_0 = arith.constant 0 : index
    %get3A_1 = vector.load %arg1[%get3A, %get3A_0] : memref<2000x32xf32, #tpu.memory_space<vmem>>, vector<2000x32xf32>
    %get3A_2 = arith.constant 0 : index
    %get3A_3 = arith.constant 0 : index
    %get3A_4 = vector.load %arg4[%get3A_2, %get3A_3] : memref<1x32xf32, #tpu.memory_space<vmem>>, vector<1x32xf32>
    %mul3A = vector.broadcast %get3A_4 : vector<1x32xf32> to vector<2000x32xf32>
    %mul3A_5 = arith.mulf %get3A_1, %mul3A : vector<2000x32xf32>
    %get3A_6 = arith.constant 0 : index
    %get3A_7 = arith.constant 0 : index
    %get3A_8 = vector.load %arg5[%get3A_6, %get3A_7] : memref<1x32xf32, #tpu.memory_space<vmem>>, vector<1x32xf32>
    %add3A = vector.broadcast %get3A_8 : vector<1x32xf32> to vector<2000x32xf32>
    %add3A_9 = arith.addf %mul3A_5, %add3A : vector<2000x32xf32>
    %gt3A = arith.constant 0.000000e+00 : f32
    %gt3A_10 = vector.broadcast %gt3A : f32 to vector<2000x32xf32>
    %gt3A_11 = arith.cmpf ogt, %add3A_9, %gt3A_10 : vector<2000x32xf32>
    %mul3A_12 = arith.constant 2.000000e-01 : f32
    %mul3A_13 = vector.broadcast %mul3A_12 : f32 to vector<2000x32xf32>
    %mul3A_14 = arith.mulf %mul3A_13, %add3A_9 : vector<2000x32xf32>
    %select_n3A = arith.select %gt3A_11, %add3A_9, %mul3A_14 : vector<2000x32xi1>, vector<2000x32xf32>
    %get3A_15 = arith.constant 0 : index
    %get3A_16 = arith.constant 0 : index
    %get3A_17 = vector.load %arg2[%get3A_15, %get3A_16] : memref<2000x128xf32, #tpu.memory_space<vmem>>, vector<2000x128xf32>
    %get3A_18 = arith.constant 0 : index
    %get3A_19 = arith.constant 0 : index
    %get3A_20 = vector.load %arg6[%get3A_18, %get3A_19] : memref<1x128xf32, #tpu.memory_space<vmem>>, vector<1x128xf32>
    %mul3A_21 = vector.broadcast %get3A_20 : vector<1x128xf32> to vector<2000x128xf32>
    %mul3A_22 = arith.mulf %get3A_17, %mul3A_21 : vector<2000x128xf32>
    %get3A_23 = arith.constant 0 : index
    %get3A_24 = arith.constant 0 : index
    %get3A_25 = vector.load %arg7[%get3A_23, %get3A_24] : memref<1x128xf32, #tpu.memory_space<vmem>>, vector<1x128xf32>
    %add3A_26 = vector.broadcast %get3A_25 : vector<1x128xf32> to vector<2000x128xf32>
    %add3A_27 = arith.addf %mul3A_22, %add3A_26 : vector<2000x128xf32>
    %gt3A_28 = arith.constant 0.000000e+00 : f32
    %gt3A_29 = vector.broadcast %gt3A_28 : f32 to vector<2000x128xf32>
    %gt3A_30 = arith.cmpf ogt, %add3A_27, %gt3A_29 : vector<2000x128xf32>
    %mul3A_31 = arith.constant 2.000000e-01 : f32
    %mul3A_32 = vector.broadcast %mul3A_31 : f32 to vector<2000x128xf32>
    %mul3A_33 = arith.mulf %mul3A_32, %add3A_27 : vector<2000x128xf32>
    %select_n3A_34 = arith.select %gt3A_30, %add3A_27, %mul3A_33 : vector<2000x128xi1>, vector<2000x128xf32>
    %swap3A = arith.constant 0 : index
    %swap3A_35 = arith.constant 0 : index
    %swap3A_36 = vector.load %arg14[%swap3A, %swap3A_35] : memref<2000x128xf32, #tpu.memory_space<vmem>>, vector<2000x128xf32>
    tpu.vector_store %arg14[%swap3A, %swap3A_35], %select_n3A_34 {strides = array<i32>} : memref<2000x128xf32, #tpu.memory_space<vmem>>, vector<2000x128xf32>,
    %get3A_37 = arith.constant 0 : index
    %get3A_38 = arith.constant 0 : index
    %get3A_39 = vector.load %arg3[%get3A_37, %get3A_38] : memref<2000x8xf32, #tpu.memory_space<vmem>>, vector<2000x8xf32>
    %get3A_40 = arith.constant 0 : index
    %get3A_41 = arith.constant 0 : index
    %get3A_42 = vector.load %arg11[%get3A_40, %get3A_41] : memref<8x32xf32, #tpu.memory_space<vmem>>, vector<8x32xf32>
    %dot_general3A = arith.constant dense<0.000000e+00> : vector<2000x32xf32>
    %dot_general3A_43 = tpu.matmul %get3A_39, %get3A_42, %dot_general3A {dimension_numbers = #tpu.dot_dimension_numbers<[1], [0], [0], [1], [0, 0, 1, 1], [], []>, transpose_lhs_hint = false} : vector<2000x8xf32>, vector<8x32xf32>, vector<2000x32xf32> -> vector<2000x32xf32>
    %get3A_44 = arith.constant 0 : index
    %get3A_45 = arith.constant 0 : index
    %get3A_46 = vector.load %arg13[%get3A_44, %get3A_45] : memref<1x32xf32, #tpu.memory_space<vmem>>, vector<1x32xf32>
    %add3A_47 = vector.broadcast %get3A_46 : vector<1x32xf32> to vector<2000x32xf32>
    %add3A_48 = arith.addf %dot_general3A_43, %add3A_47 : vector<2000x32xf32>
    %swap3A_49 = arith.constant 0 : index
    %swap3A_50 = arith.constant 0 : index
    %swap3A_51 = vector.load %arg15[%swap3A_49, %swap3A_50] : memref<2000x32xf32, #tpu.memory_space<vmem>>, vector<2000x32xf32>
    tpu.vector_store %arg15[%swap3A_49, %swap3A_50], %add3A_48 {strides = array<i32>} : memref<2000x32xf32, #tpu.memory_space<vmem>>, vector<2000x32xf32>,
    %get3A_52 = arith.constant 0 : index
    %get3A_53 = arith.constant 0 : index
    %get3A_54 = vector.load %arg8[%get3A_52, %get3A_53] : memref<32x64xf32, #tpu.memory_space<vmem>>, vector<32x64xf32>
    %dot_general3A_55 = arith.constant dense<0.000000e+00> : vector<2000x64xf32>
    %dot_general3A_56 = tpu.matmul %select_n3A, %get3A_54, %dot_general3A_55 {dimension_numbers = #tpu.dot_dimension_numbers<[1], [0], [0], [1], [0, 0, 1, 1], [], []>, transpose_lhs_hint = false} : vector<2000x32xf32>, vector<32x64xf32>, vector<2000x64xf32> -> vector<2000x64xf32>
    %get3A_57 = arith.constant 0 : index
    %get3A_58 = arith.constant 0 : index
    %get3A_59 = vector.load %arg10[%get3A_57, %get3A_58] : memref<1x64xf32, #tpu.memory_space<vmem>>, vector<1x64xf32>
    %add3A_60 = vector.broadcast %get3A_59 : vector<1x64xf32> to vector<2000x64xf32>
    %add3A_61 = arith.addf %dot_general3A_56, %add3A_60 : vector<2000x64xf32>
    %swap3A_62 = arith.constant 0 : index
    %swap3A_63 = arith.constant 0 : index
    %swap3A_64 = vector.load %arg16[%swap3A_62, %swap3A_63] : memref<2000x64xf32, #tpu.memory_space<vmem>>, vector<2000x64xf32>
    tpu.vector_store %arg16[%swap3A_62, %swap3A_63], %add3A_61 {strides = array<i32>} : memref<2000x64xf32, #tpu.memory_space<vmem>>, vector<2000x64xf32>,
    %get3A_65 = arith.constant 0 : index
    %get3A_66 = arith.constant 0 : index
    %get3A_67 = vector.load %arg12[%get3A_65, %get3A_66] : memref<8x32xf32, #tpu.memory_space<vmem>>, vector<8x32xf32>
    %dot_general3A_68 = arith.constant dense<0.000000e+00> : vector<2000x32xf32>
    %dot_general3A_69 = tpu.matmul %get3A_39, %get3A_67, %dot_general3A_68 {dimension_numbers = #tpu.dot_dimension_numbers<[1], [0], [0], [1], [0, 0, 1, 1], [], []>, transpose_lhs_hint = false} : vector<2000x8xf32>, vector<8x32xf32>, vector<2000x32xf32> -> vector<2000x32xf32>
    %get3A_70 = arith.constant 0 : index
    %get3A_71 = arith.constant 0 : index
    %get3A_72 = vector.load %arg9[%get3A_70, %get3A_71] : memref<32x64xf32, #tpu.memory_space<vmem>>, vector<32x64xf32>
    %dot_general3A_73 = arith.constant dense<0.000000e+00> : vector<2000x64xf32>
    %dot_general3A_74 = tpu.matmul %select_n3A, %get3A_72, %dot_general3A_73 {dimension_numbers = #tpu.dot_dimension_numbers<[1], [0], [0], [1], [0, 0, 1, 1], [], []>, transpose_lhs_hint = false} : vector<2000x32xf32>, vector<32x64xf32>, vector<2000x64xf32> -> vector<2000x64xf32>
    %concatenate3A = tpu.concatenate %select_n3A, %dot_general3A_69, %dot_general3A_74 in 1 : vector<2000x32xf32>, vector<2000x32xf32>, vector<2000x64xf32> -> vector<2000x128xf32>
    %swap3A_75 = arith.constant 0 : index
    %swap3A_76 = arith.constant 0 : index
    %swap3A_77 = vector.load %arg17[%swap3A_75, %swap3A_76] : memref<2000x128xf32, #tpu.memory_space<vmem>>, vector<2000x128xf32>
    tpu.vector_store %arg17[%swap3A_75, %swap3A_76], %concatenate3A {strides = array<i32>} : memref<2000x128xf32, #tpu.memory_space<vmem>>, vector<2000x128xf32>,
    return
  }
  func.func @transform_0(%arg0: i32) -> (i32, i32) {
    %c0_i32 = arith.constant 0 : i32
    %c0_i32_0 = arith.constant 0 : i32
    return %arg0, %c0_i32 : i32, i32
  }
  func.func @transform_1(%arg0: i32) -> (i32, i32) {
    %c0_i32 = arith.constant 0 : i32
    %c0_i32_0 = arith.constant 0 : i32
    return %arg0, %c0_i32 : i32, i32
  }
  func.func @transform_2(%arg0: i32) -> (i32, i32) {
    %c0_i32 = arith.constant 0 : i32
    %c0_i32_0 = arith.constant 0 : i32
    return %arg0, %c0_i32 : i32, i32
  }
  func.func @transform_3(%arg0: i32) -> (i32, i32) {
    %c0_i32 = arith.constant 0 : i32
    %c0_i32_0 = arith.constant 0 : i32
    %c0_i32_1 = arith.constant 0 : i32
    return %c0_i32, %c0_i32_0 : i32, i32
  }
  func.func @transform_4(%arg0: i32) -> (i32, i32) {
    %c0_i32 = arith.constant 0 : i32
    %c0_i32_0 = arith.constant 0 : i32
    %c0_i32_1 = arith.constant 0 : i32
    return %c0_i32, %c0_i32_0 : i32, i32
  }
  func.func @transform_5(%arg0: i32) -> (i32, i32) {
    %c0_i32 = arith.constant 0 : i32
    %c0_i32_0 = arith.constant 0 : i32
    %c0_i32_1 = arith.constant 0 : i32
    return %c0_i32, %c0_i32_0 : i32, i32
  }
  func.func @transform_6(%arg0: i32) -> (i32, i32) {
    %c0_i32 = arith.constant 0 : i32
    %c0_i32_0 = arith.constant 0 : i32
    %c0_i32_1 = arith.constant 0 : i32
    return %c0_i32, %c0_i32_0 : i32, i32
  }
  func.func @transform_7(%arg0: i32) -> (i32, i32) {
    %c0_i32 = arith.constant 0 : i32
    %c0_i32_0 = arith.constant 0 : i32
    %c0_i32_1 = arith.constant 0 : i32
    return %c0_i32, %c0_i32_0 : i32, i32
  }
  func.func @transform_8(%arg0: i32) -> (i32, i32) {
    %c0_i32 = arith.constant 0 : i32
    %c0_i32_0 = arith.constant 0 : i32
    %c0_i32_1 = arith.constant 0 : i32
    return %c0_i32, %c0_i32_0 : i32, i32
  }
  func.func @transform_9(%arg0: i32) -> (i32, i32) {
    %c0_i32 = arith.constant 0 : i32
    %c0_i32_0 = arith.constant 0 : i32
    %c0_i32_1 = arith.constant 0 : i32
    return %c0_i32, %c0_i32_0 : i32, i32
  }
  func.func @transform_10(%arg0: i32) -> (i32, i32) {
    %c0_i32 = arith.constant 0 : i32
    %c0_i32_0 = arith.constant 0 : i32
    %c0_i32_1 = arith.constant 0 : i32
    return %c0_i32, %c0_i32_0 : i32, i32
  }
  func.func @transform_11(%arg0: i32) -> (i32, i32) {
    %c0_i32 = arith.constant 0 : i32
    %c0_i32_0 = arith.constant 0 : i32
    %c0_i32_1 = arith.constant 0 : i32
    return %c0_i32, %c0_i32_0 : i32, i32
  }
  func.func @transform_12(%arg0: i32) -> (i32, i32) {
    %c0_i32 = arith.constant 0 : i32
    %c0_i32_0 = arith.constant 0 : i32
    %c0_i32_1 = arith.constant 0 : i32
    return %c0_i32, %c0_i32_0 : i32, i32
  }
  func.func @transform_13(%arg0: i32) -> (i32, i32) {
    %c0_i32 = arith.constant 0 : i32
    %c0_i32_0 = arith.constant 0 : i32
    return %arg0, %c0_i32 : i32, i32
  }
  func.func @transform_14(%arg0: i32) -> (i32, i32) {
    %c0_i32 = arith.constant 0 : i32
    %c0_i32_0 = arith.constant 0 : i32
    return %arg0, %c0_i32 : i32, i32
  }
  func.func @transform_15(%arg0: i32) -> (i32, i32) {
    %c0_i32 = arith.constant 0 : i32
    %c0_i32_0 = arith.constant 0 : i32
    return %arg0, %c0_i32 : i32, i32
  }
  func.func @transform_16(%arg0: i32) -> (i32, i32) {
    %c0_i32 = arith.constant 0 : i32
    %c0_i32_0 = arith.constant 0 : i32
    return %arg0, %c0_i32 : i32, i32
  }
}

module attributes {stable_mosaic.version = 14 : i64} {
  func.func @body(%arg0: i32, %arg1: memref<6400x128xf32, #tpu.memory_space<vmem>>, %arg2: memref<400x32xf32, #tpu.memory_space<vmem>>, %arg3: memref<400x64xf32, #tpu.memory_space<vmem>>, %arg4: memref<400x16x8xf32, #tpu.memory_space<vmem>>, %arg5: memref<1x32xf32, #tpu.memory_space<vmem>>, %arg6: memref<1x32xf32, #tpu.memory_space<vmem>>, %arg7: memref<1x32xf32, #tpu.memory_space<vmem>>, %arg8: memref<1x64xf32, #tpu.memory_space<vmem>>, %arg9: memref<1x64xf32, #tpu.memory_space<vmem>>) attributes {dimension_semantics = [#tpu.dimension_semantics<arbitrary>], iteration_bounds = array<i64: 25>, scalar_prefetch = 0 : i64, scratch_operands = 0 : i64, tpu.core_type = #tpu.core_type<tc>, window_params = [{transform_indices = @transform_0, window_bounds = array<i64: 6400, 128>}, {transform_indices = @transform_1, window_bounds = array<i64: 400, 32>}, {transform_indices = @transform_2, window_bounds = array<i64: 400, 64>}, {transform_indices = @transform_3, window_bounds = array<i64: 400, 16, 8>}, {pipeline_mode = #tpu.pipeline_mode<synchronous>, transform_indices = @transform_4, window_bounds = array<i64: 1, 32>}, {pipeline_mode = #tpu.pipeline_mode<synchronous>, transform_indices = @transform_5, window_bounds = array<i64: 1, 32>}, {pipeline_mode = #tpu.pipeline_mode<synchronous>, transform_indices = @transform_6, window_bounds = array<i64: 1, 32>}, {pipeline_mode = #tpu.pipeline_mode<synchronous>, transform_indices = @transform_7, window_bounds = array<i64: 1, 64>}, {pipeline_mode = #tpu.pipeline_mode<synchronous>, transform_indices = @transform_8, window_bounds = array<i64: 1, 64>}]} {
    %get3A = arith.constant 0 : index
    %get3A_0 = arith.constant 0 : index
    %get3A_1 = vector.load %arg1[%get3A, %get3A_0] : memref<6400x128xf32, #tpu.memory_space<vmem>>, vector<6400x128xf32>
    %reshape3A = vector.shape_cast %get3A_1 : vector<6400x128xf32> to vector<400x16x128xf32>
    %get3A_2 = arith.constant 0 : index
    %get3A_3 = arith.constant 0 : index
    %get3A_4 = arith.constant 0 : index
    %get3A_5 = vector.load %arg4[%get3A_2, %get3A_3, %get3A_4] : memref<400x16x8xf32, #tpu.memory_space<vmem>>, vector<400x16x8xf32>
    %slice3A = vector.extract_strided_slice %get3A_5 {offsets = [0, 0, 0], sizes = [400, 16, 1], strides = [1, 1, 1]} : vector<400x16x8xf32> to vector<400x16x1xf32>
    %get3A_6 = arith.constant 0 : index
    %get3A_7 = arith.constant 0 : index
    %get3A_8 = vector.load %arg2[%get3A_6, %get3A_7] : memref<400x32xf32, #tpu.memory_space<vmem>>, vector<400x32xf32>
    %broadcast_in_dim3A = vector.shape_cast %get3A_8 : vector<400x32xf32> to vector<400x1x32xf32>
    %slice3A_9 = vector.extract_strided_slice %reshape3A {offsets = [0, 0, 32], sizes = [400, 16, 32], strides = [1, 1, 1]} : vector<400x16x128xf32> to vector<400x16x32xf32>
    %add3A = vector.broadcast %broadcast_in_dim3A : vector<400x1x32xf32> to vector<400x16x32xf32>
    %add3A_10 = arith.addf %add3A, %slice3A_9 : vector<400x16x32xf32>
    %get3A_11 = arith.constant 0 : index
    %get3A_12 = arith.constant 0 : index
    %get3A_13 = vector.load %arg5[%get3A_11, %get3A_12] : memref<1x32xf32, #tpu.memory_space<vmem>>, vector<1x32xf32>
    %reshape3A_14 = vector.shape_cast %get3A_13 : vector<1x32xf32> to vector<1x1x32xf32>
    %mul3A = vector.broadcast %slice3A : vector<400x16x1xf32> to vector<400x16x32xf32>
    %mul3A_15 = vector.broadcast %reshape3A_14 : vector<1x1x32xf32> to vector<400x16x32xf32>
    %mul3A_16 = arith.mulf %mul3A, %mul3A_15 : vector<400x16x32xf32>
    %add3A_17 = arith.addf %add3A_10, %mul3A_16 : vector<400x16x32xf32>
    %get3A_18 = arith.constant 0 : index
    %get3A_19 = arith.constant 0 : index
    %get3A_20 = vector.load %arg3[%get3A_18, %get3A_19] : memref<400x64xf32, #tpu.memory_space<vmem>>, vector<400x64xf32>
    %broadcast_in_dim3A_21 = vector.shape_cast %get3A_20 : vector<400x64xf32> to vector<400x1x64xf32>
    %slice3A_22 = vector.extract_strided_slice %reshape3A {offsets = [0, 0, 64], sizes = [400, 16, 64], strides = [1, 1, 1]} : vector<400x16x128xf32> to vector<400x16x64xf32>
    %add3A_23 = vector.broadcast %broadcast_in_dim3A_21 : vector<400x1x64xf32> to vector<400x16x64xf32>
    %add3A_24 = arith.addf %add3A_23, %slice3A_22 : vector<400x16x64xf32>
    %eq3A = arith.constant 0 : i32
    %eq3A_25 = arith.cmpi eq, %arg0, %eq3A : i32
    %convert_element_type3A = arith.extui %eq3A_25 : i1 to i32
    %cond3A = arith.constant 0 : i32
    %cond3A_26 = arith.cmpi ne, %convert_element_type3A, %cond3A : i32
    scf.if %cond3A_26 {
      %broadcast_in_dim3A_75 = arith.constant 0.000000e+00 : f32
      %broadcast_in_dim3A_76 = vector.broadcast %broadcast_in_dim3A_75 : f32 to vector<1x32xf32>
      %swap3A_77 = arith.constant 0 : index
      %swap3A_78 = arith.constant 0 : index
      %swap3A_79 = vector.load %arg6[%swap3A_77, %swap3A_78] : memref<1x32xf32, #tpu.memory_space<vmem>>, vector<1x32xf32>
      tpu.vector_store %arg6[%swap3A_77, %swap3A_78], %broadcast_in_dim3A_76 {strides = array<i32>} : memref<1x32xf32, #tpu.memory_space<vmem>>, vector<1x32xf32>,
      %broadcast_in_dim3A_80 = arith.constant 0.000000e+00 : f32
      %broadcast_in_dim3A_81 = vector.broadcast %broadcast_in_dim3A_80 : f32 to vector<1x32xf32>
      %swap3A_82 = arith.constant 0 : index
      %swap3A_83 = arith.constant 0 : index
      %swap3A_84 = vector.load %arg7[%swap3A_82, %swap3A_83] : memref<1x32xf32, #tpu.memory_space<vmem>>, vector<1x32xf32>
      tpu.vector_store %arg7[%swap3A_82, %swap3A_83], %broadcast_in_dim3A_81 {strides = array<i32>} : memref<1x32xf32, #tpu.memory_space<vmem>>, vector<1x32xf32>,
      %broadcast_in_dim3A_85 = arith.constant 0.000000e+00 : f32
      %broadcast_in_dim3A_86 = vector.broadcast %broadcast_in_dim3A_85 : f32 to vector<1x64xf32>
      %swap3A_87 = arith.constant 0 : index
      %swap3A_88 = arith.constant 0 : index
      %swap3A_89 = vector.load %arg8[%swap3A_87, %swap3A_88] : memref<1x64xf32, #tpu.memory_space<vmem>>, vector<1x64xf32>
      tpu.vector_store %arg8[%swap3A_87, %swap3A_88], %broadcast_in_dim3A_86 {strides = array<i32>} : memref<1x64xf32, #tpu.memory_space<vmem>>, vector<1x64xf32>,
      %broadcast_in_dim3A_90 = arith.constant 0.000000e+00 : f32
      %broadcast_in_dim3A_91 = vector.broadcast %broadcast_in_dim3A_90 : f32 to vector<1x64xf32>
      %swap3A_92 = arith.constant 0 : index
      %swap3A_93 = arith.constant 0 : index
      %swap3A_94 = vector.load %arg9[%swap3A_92, %swap3A_93] : memref<1x64xf32, #tpu.memory_space<vmem>>, vector<1x64xf32>
      tpu.vector_store %arg9[%swap3A_92, %swap3A_93], %broadcast_in_dim3A_91 {strides = array<i32>} : memref<1x64xf32, #tpu.memory_space<vmem>>, vector<1x64xf32>,
    } else {
    }
    %get3A_27 = arith.constant 0 : index
    %get3A_28 = arith.constant 0 : index
    %get3A_29 = vector.load %arg6[%get3A_27, %get3A_28] : memref<1x32xf32, #tpu.memory_space<vmem>>, vector<1x32xf32>
    %reduce_sum3A = arith.constant dense<0.000000e+00> : vector<400x32xf32>
    %reduce_sum3A_30 = vector.multi_reduction <add>, %add3A_17, %reduce_sum3A [1] : vector<400x16x32xf32> to vector<400x32xf32>
    %reduce_sum3A_31 = arith.constant dense<0.000000e+00> : vector<32xf32>
    %reduce_sum3A_32 = vector.multi_reduction <add>, %reduce_sum3A_30, %reduce_sum3A_31 [0] : vector<400x32xf32> to vector<32xf32>
    %broadcast_in_dim3A_33 = vector.shape_cast %reduce_sum3A_32 : vector<32xf32> to vector<1x32xf32>
    %add3A_34 = arith.addf %get3A_29, %broadcast_in_dim3A_33 : vector<1x32xf32>
    %swap3A = arith.constant 0 : index
    %swap3A_35 = arith.constant 0 : index
    %swap3A_36 = vector.load %arg6[%swap3A, %swap3A_35] : memref<1x32xf32, #tpu.memory_space<vmem>>, vector<1x32xf32>
    tpu.vector_store %arg6[%swap3A, %swap3A_35], %add3A_34 {strides = array<i32>} : memref<1x32xf32, #tpu.memory_space<vmem>>, vector<1x32xf32>,
    %get3A_37 = arith.constant 0 : index
    %get3A_38 = arith.constant 0 : index
    %get3A_39 = vector.load %arg7[%get3A_37, %get3A_38] : memref<1x32xf32, #tpu.memory_space<vmem>>, vector<1x32xf32>
    %mul3A_40 = arith.mulf %add3A_17, %add3A_17 : vector<400x16x32xf32>
    %reduce_sum3A_41 = arith.constant dense<0.000000e+00> : vector<400x32xf32>
    %reduce_sum3A_42 = vector.multi_reduction <add>, %mul3A_40, %reduce_sum3A_41 [1] : vector<400x16x32xf32> to vector<400x32xf32>
    %reduce_sum3A_43 = arith.constant dense<0.000000e+00> : vector<32xf32>
    %reduce_sum3A_44 = vector.multi_reduction <add>, %reduce_sum3A_42, %reduce_sum3A_43 [0] : vector<400x32xf32> to vector<32xf32>
    %broadcast_in_dim3A_45 = vector.shape_cast %reduce_sum3A_44 : vector<32xf32> to vector<1x32xf32>
    %add3A_46 = arith.addf %get3A_39, %broadcast_in_dim3A_45 : vector<1x32xf32>
    %swap3A_47 = arith.constant 0 : index
    %swap3A_48 = arith.constant 0 : index
    %swap3A_49 = vector.load %arg7[%swap3A_47, %swap3A_48] : memref<1x32xf32, #tpu.memory_space<vmem>>, vector<1x32xf32>
    tpu.vector_store %arg7[%swap3A_47, %swap3A_48], %add3A_46 {strides = array<i32>} : memref<1x32xf32, #tpu.memory_space<vmem>>, vector<1x32xf32>,
    %get3A_50 = arith.constant 0 : index
    %get3A_51 = arith.constant 0 : index
    %get3A_52 = vector.load %arg8[%get3A_50, %get3A_51] : memref<1x64xf32, #tpu.memory_space<vmem>>, vector<1x64xf32>
    %reduce_sum3A_53 = arith.constant dense<0.000000e+00> : vector<400x64xf32>
    %reduce_sum3A_54 = vector.multi_reduction <add>, %add3A_24, %reduce_sum3A_53 [1] : vector<400x16x64xf32> to vector<400x64xf32>
    %reduce_sum3A_55 = arith.constant dense<0.000000e+00> : vector<64xf32>
    %reduce_sum3A_56 = vector.multi_reduction <add>, %reduce_sum3A_54, %reduce_sum3A_55 [0] : vector<400x64xf32> to vector<64xf32>
    %broadcast_in_dim3A_57 = vector.shape_cast %reduce_sum3A_56 : vector<64xf32> to vector<1x64xf32>
    %add3A_58 = arith.addf %get3A_52, %broadcast_in_dim3A_57 : vector<1x64xf32>
    %swap3A_59 = arith.constant 0 : index
    %swap3A_60 = arith.constant 0 : index
    %swap3A_61 = vector.load %arg8[%swap3A_59, %swap3A_60] : memref<1x64xf32, #tpu.memory_space<vmem>>, vector<1x64xf32>
    tpu.vector_store %arg8[%swap3A_59, %swap3A_60], %add3A_58 {strides = array<i32>} : memref<1x64xf32, #tpu.memory_space<vmem>>, vector<1x64xf32>,
    %get3A_62 = arith.constant 0 : index
    %get3A_63 = arith.constant 0 : index
    %get3A_64 = vector.load %arg9[%get3A_62, %get3A_63] : memref<1x64xf32, #tpu.memory_space<vmem>>, vector<1x64xf32>
    %mul3A_65 = arith.mulf %add3A_24, %add3A_24 : vector<400x16x64xf32>
    %reduce_sum3A_66 = arith.constant dense<0.000000e+00> : vector<400x64xf32>
    %reduce_sum3A_67 = vector.multi_reduction <add>, %mul3A_65, %reduce_sum3A_66 [1] : vector<400x16x64xf32> to vector<400x64xf32>
    %reduce_sum3A_68 = arith.constant dense<0.000000e+00> : vector<64xf32>
    %reduce_sum3A_69 = vector.multi_reduction <add>, %reduce_sum3A_67, %reduce_sum3A_68 [0] : vector<400x64xf32> to vector<64xf32>
    %broadcast_in_dim3A_70 = vector.shape_cast %reduce_sum3A_69 : vector<64xf32> to vector<1x64xf32>
    %add3A_71 = arith.addf %get3A_64, %broadcast_in_dim3A_70 : vector<1x64xf32>
    %swap3A_72 = arith.constant 0 : index
    %swap3A_73 = arith.constant 0 : index
    %swap3A_74 = vector.load %arg9[%swap3A_72, %swap3A_73] : memref<1x64xf32, #tpu.memory_space<vmem>>, vector<1x64xf32>
    tpu.vector_store %arg9[%swap3A_72, %swap3A_73], %add3A_71 {strides = array<i32>} : memref<1x64xf32, #tpu.memory_space<vmem>>, vector<1x64xf32>,
    return
  }
  func.func @transform_0(%arg0: i32) -> (i32, i32) {
    %c0_i32 = arith.constant 0 : i32
    %c0_i32_0 = arith.constant 0 : i32
    return %arg0, %c0_i32 : i32, i32
  }
  func.func @transform_1(%arg0: i32) -> (i32, i32) {
    %c0_i32 = arith.constant 0 : i32
    %c0_i32_0 = arith.constant 0 : i32
    return %arg0, %c0_i32 : i32, i32
  }
  func.func @transform_2(%arg0: i32) -> (i32, i32) {
    %c0_i32 = arith.constant 0 : i32
    %c0_i32_0 = arith.constant 0 : i32
    return %arg0, %c0_i32 : i32, i32
  }
  func.func @transform_3(%arg0: i32) -> (i32, i32, i32) {
    %c0_i32 = arith.constant 0 : i32
    %c0_i32_0 = arith.constant 0 : i32
    %c0_i32_1 = arith.constant 0 : i32
    return %arg0, %c0_i32, %c0_i32_0 : i32, i32, i32
  }
  func.func @transform_4(%arg0: i32) -> (i32, i32) {
    %c0_i32 = arith.constant 0 : i32
    %c0_i32_0 = arith.constant 0 : i32
    %c0_i32_1 = arith.constant 0 : i32
    return %c0_i32, %c0_i32_0 : i32, i32
  }
  func.func @transform_5(%arg0: i32) -> (i32, i32) {
    %c0_i32 = arith.constant 0 : i32
    %c0_i32_0 = arith.constant 0 : i32
    %c0_i32_1 = arith.constant 0 : i32
    return %c0_i32, %c0_i32_0 : i32, i32
  }
  func.func @transform_6(%arg0: i32) -> (i32, i32) {
    %c0_i32 = arith.constant 0 : i32
    %c0_i32_0 = arith.constant 0 : i32
    %c0_i32_1 = arith.constant 0 : i32
    return %c0_i32, %c0_i32_0 : i32, i32
  }
  func.func @transform_7(%arg0: i32) -> (i32, i32) {
    %c0_i32 = arith.constant 0 : i32
    %c0_i32_0 = arith.constant 0 : i32
    %c0_i32_1 = arith.constant 0 : i32
    return %c0_i32, %c0_i32_0 : i32, i32
  }
  func.func @transform_8(%arg0: i32) -> (i32, i32) {
    %c0_i32 = arith.constant 0 : i32
    %c0_i32_0 = arith.constant 0 : i32
    %c0_i32_1 = arith.constant 0 : i32
    return %c0_i32, %c0_i32_0 : i32, i32
  }
}

module attributes {stable_mosaic.version = 14 : i64} {
  func.func @body(%arg0: i32, %arg1: memref<6400x128xf32, #tpu.memory_space<vmem>>, %arg2: memref<400x32xf32, #tpu.memory_space<vmem>>, %arg3: memref<400x64xf32, #tpu.memory_space<vmem>>, %arg4: memref<400x16x8xf32, #tpu.memory_space<vmem>>, %arg5: memref<1x32xf32, #tpu.memory_space<vmem>>, %arg6: memref<1x32xf32, #tpu.memory_space<vmem>>, %arg7: memref<1x32xf32, #tpu.memory_space<vmem>>, %arg8: memref<1x64xf32, #tpu.memory_space<vmem>>, %arg9: memref<1x64xf32, #tpu.memory_space<vmem>>, %arg10: memref<128x128xf32, #tpu.memory_space<vmem>>, %arg11: memref<400x128xf32, #tpu.memory_space<vmem>>) attributes {dimension_semantics = [#tpu.dimension_semantics<arbitrary>], iteration_bounds = array<i64: 25>, scalar_prefetch = 0 : i64, scratch_operands = 0 : i64, tpu.core_type = #tpu.core_type<tc>, window_params = [{transform_indices = @transform_0, window_bounds = array<i64: 6400, 128>}, {transform_indices = @transform_1, window_bounds = array<i64: 400, 32>}, {transform_indices = @transform_2, window_bounds = array<i64: 400, 64>}, {transform_indices = @transform_3, window_bounds = array<i64: 400, 16, 8>}, {pipeline_mode = #tpu.pipeline_mode<synchronous>, transform_indices = @transform_4, window_bounds = array<i64: 1, 32>}, {pipeline_mode = #tpu.pipeline_mode<synchronous>, transform_indices = @transform_5, window_bounds = array<i64: 1, 32>}, {pipeline_mode = #tpu.pipeline_mode<synchronous>, transform_indices = @transform_6, window_bounds = array<i64: 1, 32>}, {pipeline_mode = #tpu.pipeline_mode<synchronous>, transform_indices = @transform_7, window_bounds = array<i64: 1, 64>}, {pipeline_mode = #tpu.pipeline_mode<synchronous>, transform_indices = @transform_8, window_bounds = array<i64: 1, 64>}, {pipeline_mode = #tpu.pipeline_mode<synchronous>, transform_indices = @transform_9, window_bounds = array<i64: 128, 128>}, {transform_indices = @transform_10, window_bounds = array<i64: 400, 128>}]} {
    %get3A = arith.constant 0 : index
    %get3A_0 = arith.constant 0 : index
    %get3A_1 = vector.load %arg1[%get3A, %get3A_0] : memref<6400x128xf32, #tpu.memory_space<vmem>>, vector<6400x128xf32>
    %reshape3A = vector.shape_cast %get3A_1 : vector<6400x128xf32> to vector<400x16x128xf32>
    %slice3A = vector.extract_strided_slice %reshape3A {offsets = [0, 0, 0], sizes = [400, 16, 32], strides = [1, 1, 1]} : vector<400x16x128xf32> to vector<400x16x32xf32>
    %get3A_2 = arith.constant 0 : index
    %get3A_3 = arith.constant 0 : index
    %get3A_4 = arith.constant 0 : index
    %get3A_5 = vector.load %arg4[%get3A_2, %get3A_3, %get3A_4] : memref<400x16x8xf32, #tpu.memory_space<vmem>>, vector<400x16x8xf32>
    %slice3A_6 = vector.extract_strided_slice %get3A_5 {offsets = [0, 0, 0], sizes = [400, 16, 1], strides = [1, 1, 1]} : vector<400x16x8xf32> to vector<400x16x1xf32>
    %get3A_7 = arith.constant 0 : index
    %get3A_8 = arith.constant 0 : index
    %get3A_9 = vector.load %arg2[%get3A_7, %get3A_8] : memref<400x32xf32, #tpu.memory_space<vmem>>, vector<400x32xf32>
    %broadcast_in_dim3A = vector.shape_cast %get3A_9 : vector<400x32xf32> to vector<400x1x32xf32>
    %slice3A_10 = vector.extract_strided_slice %reshape3A {offsets = [0, 0, 32], sizes = [400, 16, 32], strides = [1, 1, 1]} : vector<400x16x128xf32> to vector<400x16x32xf32>
    %add3A = vector.broadcast %broadcast_in_dim3A : vector<400x1x32xf32> to vector<400x16x32xf32>
    %add3A_11 = arith.addf %add3A, %slice3A_10 : vector<400x16x32xf32>
    %get3A_12 = arith.constant 0 : index
    %get3A_13 = arith.constant 0 : index
    %get3A_14 = vector.load %arg5[%get3A_12, %get3A_13] : memref<1x32xf32, #tpu.memory_space<vmem>>, vector<1x32xf32>
    %reshape3A_15 = vector.shape_cast %get3A_14 : vector<1x32xf32> to vector<1x1x32xf32>
    %mul3A = vector.broadcast %slice3A_6 : vector<400x16x1xf32> to vector<400x16x32xf32>
    %mul3A_16 = vector.broadcast %reshape3A_15 : vector<1x1x32xf32> to vector<400x16x32xf32>
    %mul3A_17 = arith.mulf %mul3A, %mul3A_16 : vector<400x16x32xf32>
    %add3A_18 = arith.addf %add3A_11, %mul3A_17 : vector<400x16x32xf32>
    %get3A_19 = arith.constant 0 : index
    %get3A_20 = arith.constant 0 : index
    %get3A_21 = vector.load %arg3[%get3A_19, %get3A_20] : memref<400x64xf32, #tpu.memory_space<vmem>>, vector<400x64xf32>
    %broadcast_in_dim3A_22 = vector.shape_cast %get3A_21 : vector<400x64xf32> to vector<400x1x64xf32>
    %slice3A_23 = vector.extract_strided_slice %reshape3A {offsets = [0, 0, 64], sizes = [400, 16, 64], strides = [1, 1, 1]} : vector<400x16x128xf32> to vector<400x16x64xf32>
    %add3A_24 = vector.broadcast %broadcast_in_dim3A_22 : vector<400x1x64xf32> to vector<400x16x64xf32>
    %add3A_25 = arith.addf %add3A_24, %slice3A_23 : vector<400x16x64xf32>
    %get3A_26 = arith.constant 0 : index
    %get3A_27 = arith.constant 0 : index
    %get3A_28 = vector.load %arg6[%get3A_26, %get3A_27] : memref<1x32xf32, #tpu.memory_space<vmem>>, vector<1x32xf32>
    %reshape3A_29 = vector.shape_cast %get3A_28 : vector<1x32xf32> to vector<1x1x32xf32>
    %mul3A_30 = vector.broadcast %reshape3A_29 : vector<1x1x32xf32> to vector<400x16x32xf32>
    %mul3A_31 = arith.mulf %add3A_18, %mul3A_30 : vector<400x16x32xf32>
    %get3A_32 = arith.constant 0 : index
    %get3A_33 = arith.constant 0 : index
    %get3A_34 = vector.load %arg7[%get3A_32, %get3A_33] : memref<1x32xf32, #tpu.memory_space<vmem>>, vector<1x32xf32>
    %reshape3A_35 = vector.shape_cast %get3A_34 : vector<1x32xf32> to vector<1x1x32xf32>
    %add3A_36 = vector.broadcast %reshape3A_35 : vector<1x1x32xf32> to vector<400x16x32xf32>
    %add3A_37 = arith.addf %mul3A_31, %add3A_36 : vector<400x16x32xf32>
    %gt3A = arith.constant 0.000000e+00 : f32
    %gt3A_38 = vector.broadcast %gt3A : f32 to vector<400x16x32xf32>
    %gt3A_39 = arith.cmpf ogt, %add3A_37, %gt3A_38 : vector<400x16x32xf32>
    %mul3A_40 = arith.constant 2.000000e-01 : f32
    %mul3A_41 = vector.broadcast %mul3A_40 : f32 to vector<400x16x32xf32>
    %mul3A_42 = arith.mulf %mul3A_41, %add3A_37 : vector<400x16x32xf32>
    %select_n3A = arith.select %gt3A_39, %add3A_37, %mul3A_42 : vector<400x16x32xi1>, vector<400x16x32xf32>
    %get3A_43 = arith.constant 0 : index
    %get3A_44 = arith.constant 0 : index
    %get3A_45 = vector.load %arg8[%get3A_43, %get3A_44] : memref<1x64xf32, #tpu.memory_space<vmem>>, vector<1x64xf32>
    %reshape3A_46 = vector.shape_cast %get3A_45 : vector<1x64xf32> to vector<1x1x64xf32>
    %mul3A_47 = vector.broadcast %reshape3A_46 : vector<1x1x64xf32> to vector<400x16x64xf32>
    %mul3A_48 = arith.mulf %add3A_25, %mul3A_47 : vector<400x16x64xf32>
    %get3A_49 = arith.constant 0 : index
    %get3A_50 = arith.constant 0 : index
    %get3A_51 = vector.load %arg9[%get3A_49, %get3A_50] : memref<1x64xf32, #tpu.memory_space<vmem>>, vector<1x64xf32>
    %reshape3A_52 = vector.shape_cast %get3A_51 : vector<1x64xf32> to vector<1x1x64xf32>
    %add3A_53 = vector.broadcast %reshape3A_52 : vector<1x1x64xf32> to vector<400x16x64xf32>
    %add3A_54 = arith.addf %mul3A_48, %add3A_53 : vector<400x16x64xf32>
    %gt3A_55 = arith.constant 0.000000e+00 : f32
    %gt3A_56 = vector.broadcast %gt3A_55 : f32 to vector<400x16x64xf32>
    %gt3A_57 = arith.cmpf ogt, %add3A_54, %gt3A_56 : vector<400x16x64xf32>
    %mul3A_58 = arith.constant 2.000000e-01 : f32
    %mul3A_59 = vector.broadcast %mul3A_58 : f32 to vector<400x16x64xf32>
    %mul3A_60 = arith.mulf %mul3A_59, %add3A_54 : vector<400x16x64xf32>
    %select_n3A_61 = arith.select %gt3A_57, %add3A_54, %mul3A_60 : vector<400x16x64xi1>, vector<400x16x64xf32>
    %concatenate3A = tpu.concatenate %select_n3A_61, %slice3A, %select_n3A in 2 : vector<400x16x64xf32>, vector<400x16x32xf32>, vector<400x16x32xf32> -> vector<400x16x128xf32>
    %reshape3A_62 = vector.shape_cast %concatenate3A : vector<400x16x128xf32> to vector<6400x128xf32>
    %get3A_63 = arith.constant 0 : index
    %get3A_64 = arith.constant 0 : index
    %get3A_65 = vector.load %arg10[%get3A_63, %get3A_64] : memref<128x128xf32, #tpu.memory_space<vmem>>, vector<128x128xf32>
    %dot_general3A = arith.constant dense<0.000000e+00> : vector<6400x128xf32>
    %dot_general3A_66 = tpu.matmul %reshape3A_62, %get3A_65, %dot_general3A {dimension_numbers = #tpu.dot_dimension_numbers<[1], [0], [0], [1], [0, 0, 1, 1], [], []>, transpose_lhs_hint = false} : vector<6400x128xf32>, vector<128x128xf32>, vector<6400x128xf32> -> vector<6400x128xf32>
    %reshape3A_67 = vector.shape_cast %dot_general3A_66 : vector<6400x128xf32> to vector<400x16x128xf32>
    %reduce_max3A = arith.constant dense<0xFF800000> : vector<400x128xf32>
    %reduce_max3A_68 = vector.multi_reduction <maximumf>, %reshape3A_67, %reduce_max3A [1] : vector<400x16x128xf32> to vector<400x128xf32>
    %broadcast_in_dim3A_69 = vector.shape_cast %reduce_max3A_68 : vector<400x128xf32> to vector<400x1x128xf32>
    %sub3A = vector.broadcast %broadcast_in_dim3A_69 : vector<400x1x128xf32> to vector<400x16x128xf32>
    %sub3A_70 = arith.subf %reshape3A_67, %sub3A : vector<400x16x128xf32>
    %exp3A = math.exp %sub3A_70 : vector<400x16x128xf32>
    %reduce_sum3A = arith.constant dense<0.000000e+00> : vector<400x128xf32>
    %reduce_sum3A_71 = vector.multi_reduction <add>, %exp3A, %reduce_sum3A [1] : vector<400x16x128xf32> to vector<400x128xf32>
    %broadcast_in_dim3A_72 = vector.shape_cast %reduce_sum3A_71 : vector<400x128xf32> to vector<400x1x128xf32>
    %add3A_73 = arith.constant 1.000000e-16 : f32
    %add3A_74 = vector.broadcast %add3A_73 : f32 to vector<400x1x128xf32>
    %add3A_75 = arith.addf %broadcast_in_dim3A_72, %add3A_74 : vector<400x1x128xf32>
    %div3A = vector.broadcast %add3A_75 : vector<400x1x128xf32> to vector<400x16x128xf32>
    %div3A_76 = arith.divf %exp3A, %div3A : vector<400x16x128xf32>
    %mul3A_77 = arith.mulf %div3A_76, %concatenate3A : vector<400x16x128xf32>
    %reduce_sum3A_78 = arith.constant dense<0.000000e+00> : vector<400x128xf32>
    %reduce_sum3A_79 = vector.multi_reduction <add>, %mul3A_77, %reduce_sum3A_78 [1] : vector<400x16x128xf32> to vector<400x128xf32>
    %swap3A = arith.constant 0 : index
    %swap3A_80 = arith.constant 0 : index
    %swap3A_81 = vector.load %arg11[%swap3A, %swap3A_80] : memref<400x128xf32, #tpu.memory_space<vmem>>, vector<400x128xf32>
    tpu.vector_store %arg11[%swap3A, %swap3A_80], %reduce_sum3A_79 {strides = array<i32>} : memref<400x128xf32, #tpu.memory_space<vmem>>, vector<400x128xf32>,
    return
  }
  func.func @transform_0(%arg0: i32) -> (i32, i32) {
    %c0_i32 = arith.constant 0 : i32
    %c0_i32_0 = arith.constant 0 : i32
    return %arg0, %c0_i32 : i32, i32
  }
  func.func @transform_1(%arg0: i32) -> (i32, i32) {
    %c0_i32 = arith.constant 0 : i32
    %c0_i32_0 = arith.constant 0 : i32
    return %arg0, %c0_i32 : i32, i32
  }
  func.func @transform_2(%arg0: i32) -> (i32, i32) {
    %c0_i32 = arith.constant 0 : i32
    %c0_i32_0 = arith.constant 0 : i32
    return %arg0, %c0_i32 : i32, i32
  }
  func.func @transform_3(%arg0: i32) -> (i32, i32, i32) {
    %c0_i32 = arith.constant 0 : i32
    %c0_i32_0 = arith.constant 0 : i32
    %c0_i32_1 = arith.constant 0 : i32
    return %arg0, %c0_i32, %c0_i32_0 : i32, i32, i32
  }
  func.func @transform_4(%arg0: i32) -> (i32, i32) {
    %c0_i32 = arith.constant 0 : i32
    %c0_i32_0 = arith.constant 0 : i32
    %c0_i32_1 = arith.constant 0 : i32
    return %c0_i32, %c0_i32_0 : i32, i32
  }
  func.func @transform_5(%arg0: i32) -> (i32, i32) {
    %c0_i32 = arith.constant 0 : i32
    %c0_i32_0 = arith.constant 0 : i32
    %c0_i32_1 = arith.constant 0 : i32
    return %c0_i32, %c0_i32_0 : i32, i32
  }
  func.func @transform_6(%arg0: i32) -> (i32, i32) {
    %c0_i32 = arith.constant 0 : i32
    %c0_i32_0 = arith.constant 0 : i32
    %c0_i32_1 = arith.constant 0 : i32
    return %c0_i32, %c0_i32_0 : i32, i32
  }
  func.func @transform_7(%arg0: i32) -> (i32, i32) {
    %c0_i32 = arith.constant 0 : i32
    %c0_i32_0 = arith.constant 0 : i32
    %c0_i32_1 = arith.constant 0 : i32
    return %c0_i32, %c0_i32_0 : i32, i32
  }
  func.func @transform_8(%arg0: i32) -> (i32, i32) {
    %c0_i32 = arith.constant 0 : i32
    %c0_i32_0 = arith.constant 0 : i32
    %c0_i32_1 = arith.constant 0 : i32
    return %c0_i32, %c0_i32_0 : i32, i32
  }
  func.func @transform_9(%arg0: i32) -> (i32, i32) {
    %c0_i32 = arith.constant 0 : i32
    %c0_i32_0 = arith.constant 0 : i32
    %c0_i32_1 = arith.constant 0 : i32
    return %c0_i32, %c0_i32_0 : i32, i32
  }
  func.func @transform_10(%arg0: i32) -> (i32, i32) {
    %c0_i32 = arith.constant 0 : i32
    %c0_i32_0 = arith.constant 0 : i32
    return %arg0, %c0_i32 : i32, i32
  }
}

module attributes {stable_mosaic.version = 14 : i64} {
  func.func @body(%arg0: i32, %arg1: memref<2000x128xf32, #tpu.memory_space<vmem>>, %arg2: memref<128x64xf32, #tpu.memory_space<vmem>>, %arg3: memref<1x64xf32, #tpu.memory_space<vmem>>, %arg4: memref<2000x64xf32, #tpu.memory_space<vmem>>, %arg5: memref<1x64xf32, #tpu.memory_space<vmem>>, %arg6: memref<1x64xf32, #tpu.memory_space<vmem>>) attributes {dimension_semantics = [#tpu.dimension_semantics<arbitrary>], iteration_bounds = array<i64: 5>, scalar_prefetch = 0 : i64, scratch_operands = 0 : i64, tpu.core_type = #tpu.core_type<tc>, window_params = [{transform_indices = @transform_0, window_bounds = array<i64: 2000, 128>}, {pipeline_mode = #tpu.pipeline_mode<synchronous>, transform_indices = @transform_1, window_bounds = array<i64: 128, 64>}, {pipeline_mode = #tpu.pipeline_mode<synchronous>, transform_indices = @transform_2, window_bounds = array<i64: 1, 64>}, {transform_indices = @transform_3, window_bounds = array<i64: 2000, 64>}, {pipeline_mode = #tpu.pipeline_mode<synchronous>, transform_indices = @transform_4, window_bounds = array<i64: 1, 64>}, {pipeline_mode = #tpu.pipeline_mode<synchronous>, transform_indices = @transform_5, window_bounds = array<i64: 1, 64>}]} {
    %get3A = arith.constant 0 : index
    %get3A_0 = arith.constant 0 : index
    %get3A_1 = vector.load %arg1[%get3A, %get3A_0] : memref<2000x128xf32, #tpu.memory_space<vmem>>, vector<2000x128xf32>
    %get3A_2 = arith.constant 0 : index
    %get3A_3 = arith.constant 0 : index
    %get3A_4 = vector.load %arg2[%get3A_2, %get3A_3] : memref<128x64xf32, #tpu.memory_space<vmem>>, vector<128x64xf32>
    %dot_general3A = arith.constant dense<0.000000e+00> : vector<2000x64xf32>
    %dot_general3A_5 = tpu.matmul %get3A_1, %get3A_4, %dot_general3A {dimension_numbers = #tpu.dot_dimension_numbers<[1], [0], [0], [1], [0, 0, 1, 1], [], []>, transpose_lhs_hint = false} : vector<2000x128xf32>, vector<128x64xf32>, vector<2000x64xf32> -> vector<2000x64xf32>
    %get3A_6 = arith.constant 0 : index
    %get3A_7 = arith.constant 0 : index
    %get3A_8 = vector.load %arg3[%get3A_6, %get3A_7] : memref<1x64xf32, #tpu.memory_space<vmem>>, vector<1x64xf32>
    %add3A = vector.broadcast %get3A_8 : vector<1x64xf32> to vector<2000x64xf32>
    %add3A_9 = arith.addf %dot_general3A_5, %add3A : vector<2000x64xf32>
    %swap3A = arith.constant 0 : index
    %swap3A_10 = arith.constant 0 : index
    %swap3A_11 = vector.load %arg4[%swap3A, %swap3A_10] : memref<2000x64xf32, #tpu.memory_space<vmem>>, vector<2000x64xf32>
    tpu.vector_store %arg4[%swap3A, %swap3A_10], %add3A_9 {strides = array<i32>} : memref<2000x64xf32, #tpu.memory_space<vmem>>, vector<2000x64xf32>,
    %eq3A = arith.constant 0 : i32
    %eq3A_12 = arith.cmpi eq, %arg0, %eq3A : i32
    %convert_element_type3A = arith.extui %eq3A_12 : i1 to i32
    %cond3A = arith.constant 0 : i32
    %cond3A_13 = arith.cmpi ne, %convert_element_type3A, %cond3A : i32
    scf.if %cond3A_13 {
      %broadcast_in_dim3A_32 = arith.constant 0.000000e+00 : f32
      %broadcast_in_dim3A_33 = vector.broadcast %broadcast_in_dim3A_32 : f32 to vector<1x64xf32>
      %swap3A_34 = arith.constant 0 : index
      %swap3A_35 = arith.constant 0 : index
      %swap3A_36 = vector.load %arg5[%swap3A_34, %swap3A_35] : memref<1x64xf32, #tpu.memory_space<vmem>>, vector<1x64xf32>
      tpu.vector_store %arg5[%swap3A_34, %swap3A_35], %broadcast_in_dim3A_33 {strides = array<i32>} : memref<1x64xf32, #tpu.memory_space<vmem>>, vector<1x64xf32>,
      %broadcast_in_dim3A_37 = arith.constant 0.000000e+00 : f32
      %broadcast_in_dim3A_38 = vector.broadcast %broadcast_in_dim3A_37 : f32 to vector<1x64xf32>
      %swap3A_39 = arith.constant 0 : index
      %swap3A_40 = arith.constant 0 : index
      %swap3A_41 = vector.load %arg6[%swap3A_39, %swap3A_40] : memref<1x64xf32, #tpu.memory_space<vmem>>, vector<1x64xf32>
      tpu.vector_store %arg6[%swap3A_39, %swap3A_40], %broadcast_in_dim3A_38 {strides = array<i32>} : memref<1x64xf32, #tpu.memory_space<vmem>>, vector<1x64xf32>,
    } else {
    }
    %get3A_14 = arith.constant 0 : index
    %get3A_15 = arith.constant 0 : index
    %get3A_16 = vector.load %arg5[%get3A_14, %get3A_15] : memref<1x64xf32, #tpu.memory_space<vmem>>, vector<1x64xf32>
    %reduce_sum3A = arith.constant dense<0.000000e+00> : vector<64xf32>
    %reduce_sum3A_17 = vector.multi_reduction <add>, %add3A_9, %reduce_sum3A [0] : vector<2000x64xf32> to vector<64xf32>
    %broadcast_in_dim3A = vector.shape_cast %reduce_sum3A_17 : vector<64xf32> to vector<1x64xf32>
    %add3A_18 = arith.addf %get3A_16, %broadcast_in_dim3A : vector<1x64xf32>
    %swap3A_19 = arith.constant 0 : index
    %swap3A_20 = arith.constant 0 : index
    %swap3A_21 = vector.load %arg5[%swap3A_19, %swap3A_20] : memref<1x64xf32, #tpu.memory_space<vmem>>, vector<1x64xf32>
    tpu.vector_store %arg5[%swap3A_19, %swap3A_20], %add3A_18 {strides = array<i32>} : memref<1x64xf32, #tpu.memory_space<vmem>>, vector<1x64xf32>,
    %get3A_22 = arith.constant 0 : index
    %get3A_23 = arith.constant 0 : index
    %get3A_24 = vector.load %arg6[%get3A_22, %get3A_23] : memref<1x64xf32, #tpu.memory_space<vmem>>, vector<1x64xf32>
    %mul3A = arith.mulf %add3A_9, %add3A_9 : vector<2000x64xf32>
    %reduce_sum3A_25 = arith.constant dense<0.000000e+00> : vector<64xf32>
    %reduce_sum3A_26 = vector.multi_reduction <add>, %mul3A, %reduce_sum3A_25 [0] : vector<2000x64xf32> to vector<64xf32>
    %broadcast_in_dim3A_27 = vector.shape_cast %reduce_sum3A_26 : vector<64xf32> to vector<1x64xf32>
    %add3A_28 = arith.addf %get3A_24, %broadcast_in_dim3A_27 : vector<1x64xf32>
    %swap3A_29 = arith.constant 0 : index
    %swap3A_30 = arith.constant 0 : index
    %swap3A_31 = vector.load %arg6[%swap3A_29, %swap3A_30] : memref<1x64xf32, #tpu.memory_space<vmem>>, vector<1x64xf32>
    tpu.vector_store %arg6[%swap3A_29, %swap3A_30], %add3A_28 {strides = array<i32>} : memref<1x64xf32, #tpu.memory_space<vmem>>, vector<1x64xf32>,
    return
  }
  func.func @transform_0(%arg0: i32) -> (i32, i32) {
    %c0_i32 = arith.constant 0 : i32
    %c0_i32_0 = arith.constant 0 : i32
    return %arg0, %c0_i32 : i32, i32
  }
  func.func @transform_1(%arg0: i32) -> (i32, i32) {
    %c0_i32 = arith.constant 0 : i32
    %c0_i32_0 = arith.constant 0 : i32
    %c0_i32_1 = arith.constant 0 : i32
    return %c0_i32, %c0_i32_0 : i32, i32
  }
  func.func @transform_2(%arg0: i32) -> (i32, i32) {
    %c0_i32 = arith.constant 0 : i32
    %c0_i32_0 = arith.constant 0 : i32
    %c0_i32_1 = arith.constant 0 : i32
    return %c0_i32, %c0_i32_0 : i32, i32
  }
  func.func @transform_3(%arg0: i32) -> (i32, i32) {
    %c0_i32 = arith.constant 0 : i32
    %c0_i32_0 = arith.constant 0 : i32
    return %arg0, %c0_i32 : i32, i32
  }
  func.func @transform_4(%arg0: i32) -> (i32, i32) {
    %c0_i32 = arith.constant 0 : i32
    %c0_i32_0 = arith.constant 0 : i32
    %c0_i32_1 = arith.constant 0 : i32
    return %c0_i32, %c0_i32_0 : i32, i32
  }
  func.func @transform_5(%arg0: i32) -> (i32, i32) {
    %c0_i32 = arith.constant 0 : i32
    %c0_i32_0 = arith.constant 0 : i32
    %c0_i32_1 = arith.constant 0 : i32
    return %c0_i32, %c0_i32_0 : i32, i32
  }
}

module attributes {stable_mosaic.version = 14 : i64} {
  func.func @body(%arg0: i32, %arg1: memref<2000x64xf32, #tpu.memory_space<vmem>>, %arg2: memref<1x64xf32, #tpu.memory_space<vmem>>, %arg3: memref<1x64xf32, #tpu.memory_space<vmem>>, %arg4: memref<64x128xf32, #tpu.memory_space<vmem>>, %arg5: memref<1x128xf32, #tpu.memory_space<vmem>>, %arg6: memref<2000x128xf32, #tpu.memory_space<vmem>>, %arg7: memref<1x128xf32, #tpu.memory_space<vmem>>, %arg8: memref<1x128xf32, #tpu.memory_space<vmem>>) attributes {dimension_semantics = [#tpu.dimension_semantics<arbitrary>], iteration_bounds = array<i64: 5>, scalar_prefetch = 0 : i64, scratch_operands = 0 : i64, tpu.core_type = #tpu.core_type<tc>, window_params = [{transform_indices = @transform_0, window_bounds = array<i64: 2000, 64>}, {pipeline_mode = #tpu.pipeline_mode<synchronous>, transform_indices = @transform_1, window_bounds = array<i64: 1, 64>}, {pipeline_mode = #tpu.pipeline_mode<synchronous>, transform_indices = @transform_2, window_bounds = array<i64: 1, 64>}, {pipeline_mode = #tpu.pipeline_mode<synchronous>, transform_indices = @transform_3, window_bounds = array<i64: 64, 128>}, {pipeline_mode = #tpu.pipeline_mode<synchronous>, transform_indices = @transform_4, window_bounds = array<i64: 1, 128>}, {transform_indices = @transform_5, window_bounds = array<i64: 2000, 128>}, {pipeline_mode = #tpu.pipeline_mode<synchronous>, transform_indices = @transform_6, window_bounds = array<i64: 1, 128>}, {pipeline_mode = #tpu.pipeline_mode<synchronous>, transform_indices = @transform_7, window_bounds = array<i64: 1, 128>}]} {
    %get3A = arith.constant 0 : index
    %get3A_0 = arith.constant 0 : index
    %get3A_1 = vector.load %arg1[%get3A, %get3A_0] : memref<2000x64xf32, #tpu.memory_space<vmem>>, vector<2000x64xf32>
    %get3A_2 = arith.constant 0 : index
    %get3A_3 = arith.constant 0 : index
    %get3A_4 = vector.load %arg2[%get3A_2, %get3A_3] : memref<1x64xf32, #tpu.memory_space<vmem>>, vector<1x64xf32>
    %mul3A = vector.broadcast %get3A_4 : vector<1x64xf32> to vector<2000x64xf32>
    %mul3A_5 = arith.mulf %get3A_1, %mul3A : vector<2000x64xf32>
    %get3A_6 = arith.constant 0 : index
    %get3A_7 = arith.constant 0 : index
    %get3A_8 = vector.load %arg3[%get3A_6, %get3A_7] : memref<1x64xf32, #tpu.memory_space<vmem>>, vector<1x64xf32>
    %add3A = vector.broadcast %get3A_8 : vector<1x64xf32> to vector<2000x64xf32>
    %add3A_9 = arith.addf %mul3A_5, %add3A : vector<2000x64xf32>
    %gt3A = arith.constant 0.000000e+00 : f32
    %gt3A_10 = vector.broadcast %gt3A : f32 to vector<2000x64xf32>
    %gt3A_11 = arith.cmpf ogt, %add3A_9, %gt3A_10 : vector<2000x64xf32>
    %mul3A_12 = arith.constant 2.000000e-01 : f32
    %mul3A_13 = vector.broadcast %mul3A_12 : f32 to vector<2000x64xf32>
    %mul3A_14 = arith.mulf %mul3A_13, %add3A_9 : vector<2000x64xf32>
    %select_n3A = arith.select %gt3A_11, %add3A_9, %mul3A_14 : vector<2000x64xi1>, vector<2000x64xf32>
    %get3A_15 = arith.constant 0 : index
    %get3A_16 = arith.constant 0 : index
    %get3A_17 = vector.load %arg4[%get3A_15, %get3A_16] : memref<64x128xf32, #tpu.memory_space<vmem>>, vector<64x128xf32>
    %dot_general3A = arith.constant dense<0.000000e+00> : vector<2000x128xf32>
    %dot_general3A_18 = tpu.matmul %select_n3A, %get3A_17, %dot_general3A {dimension_numbers = #tpu.dot_dimension_numbers<[1], [0], [0], [1], [0, 0, 1, 1], [], []>, transpose_lhs_hint = false} : vector<2000x64xf32>, vector<64x128xf32>, vector<2000x128xf32> -> vector<2000x128xf32>
    %get3A_19 = arith.constant 0 : index
    %get3A_20 = arith.constant 0 : index
    %get3A_21 = vector.load %arg5[%get3A_19, %get3A_20] : memref<1x128xf32, #tpu.memory_space<vmem>>, vector<1x128xf32>
    %add3A_22 = vector.broadcast %get3A_21 : vector<1x128xf32> to vector<2000x128xf32>
    %add3A_23 = arith.addf %dot_general3A_18, %add3A_22 : vector<2000x128xf32>
    %swap3A = arith.constant 0 : index
    %swap3A_24 = arith.constant 0 : index
    %swap3A_25 = vector.load %arg6[%swap3A, %swap3A_24] : memref<2000x128xf32, #tpu.memory_space<vmem>>, vector<2000x128xf32>
    tpu.vector_store %arg6[%swap3A, %swap3A_24], %add3A_23 {strides = array<i32>} : memref<2000x128xf32, #tpu.memory_space<vmem>>, vector<2000x128xf32>,
    %eq3A = arith.constant 0 : i32
    %eq3A_26 = arith.cmpi eq, %arg0, %eq3A : i32
    %convert_element_type3A = arith.extui %eq3A_26 : i1 to i32
    %cond3A = arith.constant 0 : i32
    %cond3A_27 = arith.cmpi ne, %convert_element_type3A, %cond3A : i32
    scf.if %cond3A_27 {
      %broadcast_in_dim3A_47 = arith.constant 0.000000e+00 : f32
      %broadcast_in_dim3A_48 = vector.broadcast %broadcast_in_dim3A_47 : f32 to vector<1x128xf32>
      %swap3A_49 = arith.constant 0 : index
      %swap3A_50 = arith.constant 0 : index
      %swap3A_51 = vector.load %arg7[%swap3A_49, %swap3A_50] : memref<1x128xf32, #tpu.memory_space<vmem>>, vector<1x128xf32>
      tpu.vector_store %arg7[%swap3A_49, %swap3A_50], %broadcast_in_dim3A_48 {strides = array<i32>} : memref<1x128xf32, #tpu.memory_space<vmem>>, vector<1x128xf32>,
      %broadcast_in_dim3A_52 = arith.constant 0.000000e+00 : f32
      %broadcast_in_dim3A_53 = vector.broadcast %broadcast_in_dim3A_52 : f32 to vector<1x128xf32>
      %swap3A_54 = arith.constant 0 : index
      %swap3A_55 = arith.constant 0 : index
      %swap3A_56 = vector.load %arg8[%swap3A_54, %swap3A_55] : memref<1x128xf32, #tpu.memory_space<vmem>>, vector<1x128xf32>
      tpu.vector_store %arg8[%swap3A_54, %swap3A_55], %broadcast_in_dim3A_53 {strides = array<i32>} : memref<1x128xf32, #tpu.memory_space<vmem>>, vector<1x128xf32>,
    } else {
    }
    %get3A_28 = arith.constant 0 : index
    %get3A_29 = arith.constant 0 : index
    %get3A_30 = vector.load %arg7[%get3A_28, %get3A_29] : memref<1x128xf32, #tpu.memory_space<vmem>>, vector<1x128xf32>
    %reduce_sum3A = arith.constant dense<0.000000e+00> : vector<128xf32>
    %reduce_sum3A_31 = vector.multi_reduction <add>, %add3A_23, %reduce_sum3A [0] : vector<2000x128xf32> to vector<128xf32>
    %broadcast_in_dim3A = vector.shape_cast %reduce_sum3A_31 : vector<128xf32> to vector<1x128xf32>
    %add3A_32 = arith.addf %get3A_30, %broadcast_in_dim3A : vector<1x128xf32>
    %swap3A_33 = arith.constant 0 : index
    %swap3A_34 = arith.constant 0 : index
    %swap3A_35 = vector.load %arg7[%swap3A_33, %swap3A_34] : memref<1x128xf32, #tpu.memory_space<vmem>>, vector<1x128xf32>
    tpu.vector_store %arg7[%swap3A_33, %swap3A_34], %add3A_32 {strides = array<i32>} : memref<1x128xf32, #tpu.memory_space<vmem>>, vector<1x128xf32>,
    %get3A_36 = arith.constant 0 : index
    %get3A_37 = arith.constant 0 : index
    %get3A_38 = vector.load %arg8[%get3A_36, %get3A_37] : memref<1x128xf32, #tpu.memory_space<vmem>>, vector<1x128xf32>
    %mul3A_39 = arith.mulf %add3A_23, %add3A_23 : vector<2000x128xf32>
    %reduce_sum3A_40 = arith.constant dense<0.000000e+00> : vector<128xf32>
    %reduce_sum3A_41 = vector.multi_reduction <add>, %mul3A_39, %reduce_sum3A_40 [0] : vector<2000x128xf32> to vector<128xf32>
    %broadcast_in_dim3A_42 = vector.shape_cast %reduce_sum3A_41 : vector<128xf32> to vector<1x128xf32>
    %add3A_43 = arith.addf %get3A_38, %broadcast_in_dim3A_42 : vector<1x128xf32>
    %swap3A_44 = arith.constant 0 : index
    %swap3A_45 = arith.constant 0 : index
    %swap3A_46 = vector.load %arg8[%swap3A_44, %swap3A_45] : memref<1x128xf32, #tpu.memory_space<vmem>>, vector<1x128xf32>
    tpu.vector_store %arg8[%swap3A_44, %swap3A_45], %add3A_43 {strides = array<i32>} : memref<1x128xf32, #tpu.memory_space<vmem>>, vector<1x128xf32>,
    return
  }
  func.func @transform_0(%arg0: i32) -> (i32, i32) {
    %c0_i32 = arith.constant 0 : i32
    %c0_i32_0 = arith.constant 0 : i32
    return %arg0, %c0_i32 : i32, i32
  }
  func.func @transform_1(%arg0: i32) -> (i32, i32) {
    %c0_i32 = arith.constant 0 : i32
    %c0_i32_0 = arith.constant 0 : i32
    %c0_i32_1 = arith.constant 0 : i32
    return %c0_i32, %c0_i32_0 : i32, i32
  }
  func.func @transform_2(%arg0: i32) -> (i32, i32) {
    %c0_i32 = arith.constant 0 : i32
    %c0_i32_0 = arith.constant 0 : i32
    %c0_i32_1 = arith.constant 0 : i32
    return %c0_i32, %c0_i32_0 : i32, i32
  }
  func.func @transform_3(%arg0: i32) -> (i32, i32) {
    %c0_i32 = arith.constant 0 : i32
    %c0_i32_0 = arith.constant 0 : i32
    %c0_i32_1 = arith.constant 0 : i32
    return %c0_i32, %c0_i32_0 : i32, i32
  }
  func.func @transform_4(%arg0: i32) -> (i32, i32) {
    %c0_i32 = arith.constant 0 : i32
    %c0_i32_0 = arith.constant 0 : i32
    %c0_i32_1 = arith.constant 0 : i32
    return %c0_i32, %c0_i32_0 : i32, i32
  }
  func.func @transform_5(%arg0: i32) -> (i32, i32) {
    %c0_i32 = arith.constant 0 : i32
    %c0_i32_0 = arith.constant 0 : i32
    return %arg0, %c0_i32 : i32, i32
  }
  func.func @transform_6(%arg0: i32) -> (i32, i32) {
    %c0_i32 = arith.constant 0 : i32
    %c0_i32_0 = arith.constant 0 : i32
    %c0_i32_1 = arith.constant 0 : i32
    return %c0_i32, %c0_i32_0 : i32, i32
  }
  func.func @transform_7(%arg0: i32) -> (i32, i32) {
    %c0_i32 = arith.constant 0 : i32
    %c0_i32_0 = arith.constant 0 : i32
    %c0_i32_1 = arith.constant 0 : i32
    return %c0_i32, %c0_i32_0 : i32, i32
  }
}

module attributes {stable_mosaic.version = 14 : i64} {
  func.func @_s10c_body(%arg0: i32, %arg1: memref<2000x128xf32, #tpu.memory_space<vmem>>, %arg2: memref<2000x128xf32, #tpu.memory_space<vmem>>, %arg3: memref<1x128xf32, #tpu.memory_space<vmem>>, %arg4: memref<1x128xf32, #tpu.memory_space<vmem>>, %arg5: memref<2000x128xf32, #tpu.memory_space<vmem>>) attributes {dimension_semantics = [#tpu.dimension_semantics<arbitrary>], iteration_bounds = array<i64: 5>, scalar_prefetch = 0 : i64, scratch_operands = 0 : i64, tpu.core_type = #tpu.core_type<tc>, window_params = [{transform_indices = @transform_0, window_bounds = array<i64: 2000, 128>}, {transform_indices = @transform_1, window_bounds = array<i64: 2000, 128>}, {pipeline_mode = #tpu.pipeline_mode<synchronous>, transform_indices = @transform_2, window_bounds = array<i64: 1, 128>}, {pipeline_mode = #tpu.pipeline_mode<synchronous>, transform_indices = @transform_3, window_bounds = array<i64: 1, 128>}, {transform_indices = @transform_4, window_bounds = array<i64: 2000, 128>}]} {
    %get3A = arith.constant 0 : index
    %get3A_0 = arith.constant 0 : index
    %get3A_1 = vector.load %arg1[%get3A, %get3A_0] : memref<2000x128xf32, #tpu.memory_space<vmem>>, vector<2000x128xf32>
    %get3A_2 = arith.constant 0 : index
    %get3A_3 = arith.constant 0 : index
    %get3A_4 = vector.load %arg3[%get3A_2, %get3A_3] : memref<1x128xf32, #tpu.memory_space<vmem>>, vector<1x128xf32>
    %mul3A = vector.broadcast %get3A_4 : vector<1x128xf32> to vector<2000x128xf32>
    %mul3A_5 = arith.mulf %get3A_1, %mul3A : vector<2000x128xf32>
    %get3A_6 = arith.constant 0 : index
    %get3A_7 = arith.constant 0 : index
    %get3A_8 = vector.load %arg4[%get3A_6, %get3A_7] : memref<1x128xf32, #tpu.memory_space<vmem>>, vector<1x128xf32>
    %add3A = vector.broadcast %get3A_8 : vector<1x128xf32> to vector<2000x128xf32>
    %add3A_9 = arith.addf %mul3A_5, %add3A : vector<2000x128xf32>
    %get3A_10 = arith.constant 0 : index
    %get3A_11 = arith.constant 0 : index
    %get3A_12 = vector.load %arg2[%get3A_10, %get3A_11] : memref<2000x128xf32, #tpu.memory_space<vmem>>, vector<2000x128xf32>
    %add3A_13 = arith.addf %add3A_9, %get3A_12 : vector<2000x128xf32>
    %gt3A = arith.constant 0.000000e+00 : f32
    %gt3A_14 = vector.broadcast %gt3A : f32 to vector<2000x128xf32>
    %gt3A_15 = arith.cmpf ogt, %add3A_13, %gt3A_14 : vector<2000x128xf32>
    %mul3A_16 = arith.constant 2.000000e-01 : f32
    %mul3A_17 = vector.broadcast %mul3A_16 : f32 to vector<2000x128xf32>
    %mul3A_18 = arith.mulf %mul3A_17, %add3A_13 : vector<2000x128xf32>
    %select_n3A = arith.select %gt3A_15, %add3A_13, %mul3A_18 : vector<2000x128xi1>, vector<2000x128xf32>
    %swap3A = arith.constant 0 : index
    %swap3A_19 = arith.constant 0 : index
    %swap3A_20 = vector.load %arg5[%swap3A, %swap3A_19] : memref<2000x128xf32, #tpu.memory_space<vmem>>, vector<2000x128xf32>
    tpu.vector_store %arg5[%swap3A, %swap3A_19], %select_n3A {strides = array<i32>} : memref<2000x128xf32, #tpu.memory_space<vmem>>, vector<2000x128xf32>,
    return
  }
  func.func @transform_0(%arg0: i32) -> (i32, i32) {
    %c0_i32 = arith.constant 0 : i32
    %c0_i32_0 = arith.constant 0 : i32
    return %arg0, %c0_i32 : i32, i32
  }
  func.func @transform_1(%arg0: i32) -> (i32, i32) {
    %c0_i32 = arith.constant 0 : i32
    %c0_i32_0 = arith.constant 0 : i32
    return %arg0, %c0_i32 : i32, i32
  }
  func.func @transform_2(%arg0: i32) -> (i32, i32) {
    %c0_i32 = arith.constant 0 : i32
    %c0_i32_0 = arith.constant 0 : i32
    %c0_i32_1 = arith.constant 0 : i32
    return %c0_i32, %c0_i32_0 : i32, i32
  }
  func.func @transform_3(%arg0: i32) -> (i32, i32) {
    %c0_i32 = arith.constant 0 : i32
    %c0_i32_0 = arith.constant 0 : i32
    %c0_i32_1 = arith.constant 0 : i32
    return %c0_i32, %c0_i32_0 : i32, i32
  }
  func.func @transform_4(%arg0: i32) -> (i32, i32) {
    %c0_i32 = arith.constant 0 : i32
    %c0_i32_0 = arith.constant 0 : i32
    return %arg0, %c0_i32 : i32, i32
  }
}

</mosaic_0001>

<sc_bundles>
// kernel: kernel.16.cloned.1.call-start
scs
__scs_entry_jumppad:
0x0: {  	(pc) =	sbr.rel $0x88, $3  }
0x1: {  	(tag) =	ssettag $0x0;
	lr =	simm.s32 $0x1  }
0x2: {  	[smem:$0x3F75] =	sst lr;
	_ =	strace $0xD0000000  }
0x3: {  	_ = 	snop  }
0x4: {  	_ = 	snop  }
0x5: {  	_ = 	snop  }
0x6: {  	_ = 	snop  }
0x7: {  	_ = 	snop  }
__scs_overlays_trampoline_lowered:
0x8: {  	[smem:$0x3F84] =	sst s0  }
0x9: {  	[smem:$0x3F85] =	sst s1  }
0xa: {  	[smem:$0x3F86] =	sst s2  }
0xb: {  	[smem:$0x3F87] =	sst s3  }
0xc: {  	[smem:$0x3F88] =	sst s4  }
0xd: {  	[smem:$0x3F89] =	sst s5  }
0xe: {  	[smem:$0x3F8A] =	sst s6  }
0xf: {  	[smem:$0x3F8B] =	sst s7  }
0x10: {  	[smem:$0x3F8C] =	sst s8  }
0x11: {  	[smem:$0x3F8D] =	sst s9;
	s0 =	simm.s32 @!p0 $0x0  }
0x12: {  	s1 =	sld [smem:$0x3F73];
	s0 =	simm.s32 @p0 $0x1  }
0x13: {  	[smem:$0x3F8E] =	sst s0;
	s0 =	simm.s32 @!p1 $0x0  }
0x14: {  	s2 =	sld [smem:$0x3F72];
	s0 =	simm.s32 @p1 $0x1  }
0x15: {  	[smem:$0x3F8F] =	sst s0;
	s0 =	simm.s32 @!p2 $0x0  }
0x16: {  	s3 =	sld [smem:$0x3FDB];
	s0 =	simm.s32 @p2 $0x1  }
0x17: {  	s4 =	simm.s32 $0x1BF5;
	[smem:$0x3F91] =	sst s0  }
0x18: {  	s0 =	sld [smem:$0x3F74];
	_ =	swait.ge [sflag:s4], $0x0  }
0x19: {  	s7 =	sld [smem:$0x3F75]  }
0x1a: {  	s8 =	sadd.s32 $0xFFFFE003, lr  }
0x1b: {  	s9 =	sadd.s32 $0xFFFFFEF7, lr;
	s5 =	simm.s32 $0xFFFFFFFF;
	p2 =	slt.u32 s8, $0xFFFFF086  }
0x1c: {  	p1 =	slt.u32 s9, $0xF7A;
	s5 =	simm.s32 @!p2 $0x0  }
0x1d: {  	s5 =	simm.s32 @p1 $0x1;
	p0 =	seq.s32 s7, s2  }
0x1e: {  	s7 =	smul.u32 @!p0 $0xF7A, s2;
	p2 =	seq.s32 @!p0 s5, $0x0  }
0x1f: {  	s9 =	smul.u32 $0xF7A, s1;
	s8 =	simm.s32 @!p0 $0x1BF5;
	p2 =	por !p2, p0  }
0x20: {  	[sflag:s8] =	ssyncset.s32 @!p0 $0xFFFFF086;
	s6 =	sadd.s32 @!p0 s3, s7;
	s7 =	simm.s32 @!p0 $0x108  }
0x21: {  	s3 =	sadd.s32 s3, s9;
	s6 =	sadd.s32 @!p0 $0x88, s6;
	s7 =	simm.s32 @p2 $0x1082  }
0x22: {  	[simem:s7], [sflag:s8] =	dma.local @!p0 [hbm:s6], $0xF7A  }
0x23: {  	s9 =	sor.u32 $0xD0000000, s2;
	s6 =	simm.s32 $0x108;
	_ =	swait.ge @!p0 [sflag:s8], $0x0  }
0x24: {  	s3 =	sadd.s32 $0x88, s3;
	s6 =	simm.s32 @!p1 $0x1082;
	[sflag:s4] =	ssyncset.s32 $0xFFFFF086  }
0x25: {  	[simem:s6], [sflag:s4] =	dma.local [hbm:s3], $0xF7A  }
0x26: {  	[smem:$0x3F75] =	sst s1;
	(tag) =	ssettag s2;
	_ =	strace s9  }
0x27: {  	s1 =	sld [smem:$0x3F85]  }
0x28: {  	s2 =	sld [smem:$0x3F86]  }
0x29: {  	s4 =	sld [smem:$0x3F88]  }
0x2a: {  	p0 =	seq.s32 s5, $0x0;
	s5 =	sld [smem:$0x3F89]  }
0x2b: {  	s6 =	sld [smem:$0x3F8A]  }
0x2c: {  	s7 =	sld [smem:$0x3F8B]  }
0x2d: {  	s3 =	simm.s32 $0x108;
	s8 =	sld [smem:$0x3F8C]  }
0x2e: {  	s3 =	simm.s32 @!p0 $0x1082;
	s9 =	sld [smem:$0x3F8D]  }
0x2f: {  	lr =	sadd.s32 s0, s3;
	s0 =	sld [smem:$0x3F84]  }
0x30: {  	s3 =	sld [smem:$0x3F87]  }
0x31: {  	[smem:$0x3F90] =	sst s10  }
0x32: {  	s10 =	sld [smem:$0x3F8E];
	_ =	sdelay $0x3  }
0x33: {  	p0 =	seq.s32 s10, $0x1;
	s10 =	sld [smem:$0x3F90];
	_ =	sdelay $0x3  }
0x34: {  	[smem:$0x3F90] =	sst s10  }
0x35: {  	s10 =	sld [smem:$0x3F8F];
	_ =	sdelay $0x3  }
0x36: {  	p1 =	seq.s32 s10, $0x1;
	s10 =	sld [smem:$0x3F90];
	_ =	sdelay $0x3  }
0x37: {  	[smem:$0x3F90] =	sst s10  }
0x38: {  	s10 =	sld [smem:$0x3F91]  }
0x39: {  	_ = 	snop;
	(pc) =	sbr.ind lr, $3  }
0x3a: {  	_ = 	snop  }
0x3b: {  	_ = 	snop  }
0x3c: {  	p2 =	seq.s32 s10, $0x1;
	s10 =	sld [smem:$0x3F90]  }
0x3d: {  	_ =	shalt  }
0x3e: {  	_ =	shalt  }
0x3f: {  	_ =	shalt  }
0x40: {  	_ =	shalt  }
0x41: {  	_ =	shalt  }
0x42: {  	_ =	shalt  }
0x43: {  	_ =	shalt  }
0x44: {  	_ =	shalt  }
0x45: {  	_ =	shalt  }
0x46: {  	_ =	shalt  }
0x47: {  	_ =	shalt  }
0x48: {  	_ =	shalt  }
0x49: {  	_ =	shalt  }
0x4a: {  	_ =	shalt  }
0x4b: {  	_ =	shalt  }
0x4c: {  	_ =	shalt  }
0x4d: {  	_ =	shalt  }
0x4e: {  	_ =	shalt  }
0x4f: {  	_ =	shalt  }
0x50: {  	_ =	shalt  }
0x51: {  	_ =	shalt  }
0x52: {  	_ =	shalt  }
0x53: {  	_ =	shalt  }
0x54: {  	_ =	shalt  }
0x55: {  	_ =	shalt  }
0x56: {  	_ =	shalt  }
0x57: {  	_ =	shalt  }
0x58: {  	_ =	shalt  }
0x59: {  	_ =	shalt  }
0x5a: {  	_ =	shalt  }
0x5b: {  	_ =	shalt  }
0x5c: {  	_ =	shalt  }
0x5d: {  	_ =	shalt  }
0x5e: {  	_ =	shalt  }
0x5f: {  	_ =	shalt  }
0x60: {  	_ =	shalt  }
0x61: {  	_ =	shalt  }
0x62: {  	_ =	shalt  }
0x63: {  	_ =	shalt  }
0x64: {  	_ =	shalt  }
0x65: {  	_ =	shalt  }
0x66: {  	_ =	shalt  }
0x67: {  	_ =	shalt  }
0x68: {  	_ =	shalt  }
0x69: {  	_ =	shalt  }
0x6a: {  	_ =	shalt  }
0x6b: {  	_ =	shalt  }
0x6c: {  	_ =	shalt  }
0x6d: {  	_ =	shalt  }
0x6e: {  	_ =	shalt  }
0x6f: {  	_ =	shalt  }
0x70: {  	_ =	shalt  }
0x71: {  	_ =	shalt  }
0x72: {  	_ =	shalt  }
0x73: {  	_ =	shalt  }
0x74: {  	_ =	shalt  }
0x75: {  	_ =	shalt  }
0x76: {  	_ =	shalt  }
0x77: {  	_ =	shalt  }
0x78: {  	_ =	shalt  }
0x79: {  	_ =	shalt  }
0x7a: {  	_ =	shalt  }
0x7b: {  	_ =	shalt  }
0x7c: {  	_ =	shalt  }
0x7d: {  	_ =	shalt  }
0x7e: {  	_ =	shalt  }
0x7f: {  	_ =	shalt  }
0x80: {  	_ =	shalt  }
0x81: {  	_ =	shalt  }
0x82: {  	_ =	shalt  }
0x83: {  	_ =	shalt  }
0x84: {  	_ =	shalt  }
0x85: {  	_ =	shalt  }
0x86: {  	_ =	shalt  }
0x87: {  	_ =	shalt  }
.Lfunc_end0:
.L_simem_size_0:
called_computation_lowered:
.L_overlay_start_0:
0x88: {  	s2 =	sld [smem:$0x3FD9]  }
0x89: {  	s3 =	sld [smem:$0x3FFE];
	_ =	sdelay $0x1  }
0x8a: {  	s1 =	srdreg.scid  }
0x8b: {  	s0 =	sand.u32 $0x1, s1  }
0x8c: {  	s14 =	sshll.u32 s0, $0xA;
	s2 =	sadd.s32 s3, s2  }
0x8d: {  	s2 =	sadd.s32 s2, s14  }
0x8e: {  	[smem:$0x3F9C] =	sst s2  }
0x8f: {  	_ = 	snop  }
0x90: {  	s2 =	sld [smem:$0x3FD0];
	_ =	sdelay $0x2  }
0x91: {  	s15 =	simm.s32 $0xA;
	s4 =	simm.s32 $0x10  }
0x92: {  	[smem:s4], [sflag:s15] =	dma.local [hbm:s2], $0x1  }
0x93: {  	_ =	swait.eq [sflag:s15], $0x1  }
0x94: {  	[sflag:s15] =	ssyncset.done $0x0  }
0x95: {  	[sflag:s15] =	ssyncadd.s32 $0xFFFFFFFF  }
0x96: {  	s16 =	sld [smem:$0x10];
	(tm) =	ssettm $0x1  }
0x97: {  	s17 =	sld [smem:$0x3FFB];
	_ =	sdelay $0x3  }
0x98: {  	_ =	strace s17  }
0x99: {  	s3 =	sld [smem:$0x3FFC];
	_ =	sdelay $0x3  }
0x9a: {  	_ =	strace s3  }
0x9b: {  	s3 =	sld [smem:$0x3FFD];
	_ =	sdelay $0x3  }
0x9c: {  	_ =	strace s3  }
0x9d: {  	_ =	strace $0x8FFFFFFF  }
0x9e: {  	s18 =	sld [smem:$0x3FDB];
	_ =	sdelay $0x1  }
0x9f: {  	s19 =	simm.s32 $_scs_section_size  }
0xa0: {  	s5 =	simm.s32 $_size__tile_overlayer_lowered;
	s6 =	simm.s32 $_tile_overlayer_lowered  }
0xa1: {  	s22 =	simm.s32 $0x1BFF;
	s21 =	sshll.u32 s6, $0x1;
	s3 =	sadd.s32 s19, s18  }
0xa2: {  	s7 =	simm.s32 $0x0;
	s20 =	sshll.u32 s5, $0x1;
	s5 =	sadd.s32 s21, s3  }
0xa3: {  	[timem:s7], [sflag:s22] =	dma.local [hbm:s5], s20  }
0xa4: {  	_ =	swait.ge [sflag:s22], s20  }
0xa5: {  	s4 =	ssub.s32 $0x0, s20;
	[sflag:s22] =	ssyncset.done $0x0  }
0xa6: {  	[sflag:s22] =	ssyncadd.s32 s4;
	_ =	sdelay $0x1  }
0xa7: {  	s23 =	simm.s32 $0x1B8B  }
0xa8: {  	_ =	swait.ge [sflag:s23], $0x1  }
0xa9: {  	[sflag:s23] =	ssyncset.done $0x0  }
0xaa: {  	s25 =	simm.s32 $0x1B8E;
	s24 =	sld [smem:$0x3FFE];
	[sflag:s23] =	ssyncadd.s32 $0xFFFFFFFF  }
0xab: {  	s26 =	simm.s32 $execute0_lowered;
	[smem:$0x3FD2] =	sst s25  }
0xac: {  	s5 =	sshll.u32 s26, $0x1;
	_ =	strace $0x80000046;
	[dreg:$0x1] =	wrdreg $0xFFFFFFFF  }
0xad: {  	s28 =	simm.s32 $_size_execute0_lowered;
	s3 =	sadd.s32 s3, s5;
	[dreg:$0x0] =	wrdreg $0x0  }
0xae: {  	s5 =	sshll.u32 s28, $0x1;
	[dreg:$0x2] =	wrdreg s3  }
0xaf: {  	[dreg:$0x3] =	wrdreg s5  }
0xb0: {  	[dreg:$0x4] =	wrdreg $0xC0  }
0xb1: {  	_ =	task [dreg:s7], $0x5FFFF  }
0xb2: {  	[dreg:$0x1] =	wrdreg $0xFFFFFFFF  }
0xb3: {  	[dreg:$0x0] =	wrdreg $0x60  }
0xb4: {  	[dreg:$0x2] =	wrdreg s24  }
0xb5: {  	[dreg:$0x3] =	wrdreg s16  }
0xb6: {  	[dreg:$0x4] =	wrdreg $0x9  }
0xb7: {  	_ =	task.clear_ibuf [dreg:s7], $0x5FFFF;
	_ =	strace $0x90000046  }
0xb8: {  	s29 =	simm.s32 $0x9;
	_ =	strace $0x80000048  }
0xb9: {  	_ =	swait.ge [sflag:s29], $0x1  }
0xba: {  	[sflag:s29] =	ssyncadd.s32 $0xFFFFFFFF  }
0xbb: {  	_ =	strace $0x90000048  }
0xbc: {  	_ =	sfence  }
0xbd: {  	s30 =	sld [smem:$0x0];
	_ =	sdelay $0x2  }
0xbe: {  	s31 =	sshll.u32 s1, $0xD;
	s1 =	sshrl.u32 s1, $0x2  }
0xbf: {  	s3 =	sand.u32 $0x4000, s31;
	s1 =	sadd.s32 s1, s30  }
0xc0: {  	s0 =	sor.u32 s3, s0;
	s1 =	sshll.u32 s1, $0x11  }
0xc1: {  	s0 =	sor.u32 s1, s0  }
0xc2: {  	s0 =	sadd.s32 $0x8F2B, s0  }
0xc3: {  	[sflag:s0] =	ssyncadd.remote.s32 $0x1  }
0xc4: {  	_ =	sfence.sel $0xFFFF  }
0xc5: {  	[dreg:$0x0] =	wrdreg $0xFFFFFFFF;
	(pc) =	sbr.abs _section_cstart, $3  }
0xc6: {  	[dreg:$0x1] =	wrdreg $0xFFFFFFFF  }
0xc7: {  	_ =	task.clear_ibuf [dreg:s7], $0x2FFFF;
	_ =	strace $0x9FFFFFFF  }
0xc8: {  	(tm) =	ssettm $0x7FFFFFFF  }
0xc9: {  	_ =	shalt  }
tec
execute0_lowered:
.L_overlay_start_1:
0x0: {  	(tag) =	ssettag $0x1  }
0x1: {  	s7 =	rddreg [dreg:$0x0]  }
0x2: {  	s2 =	rddreg [dreg:$0x1]  }
0x3: {  	s0 =	rddreg [dreg:$0x2]  }
0x4: {  	s4 =	srdreg.scid;
	s1 =	stileid.u32;
	s3 =	simm.s32 $0x0  }
0x5: {  	s16 =	simm.s32 $0x1;
	s17 =	simm.s32 $0x100;
	s18 =	simm.s32 $0x2  }
0x6: {  	s19 =	simm.s32 $0x0;
	s10 =	sand.u32 $0x1, s4;
	s12 =	smul.u32 $0x50, s1  }
0x7: {  	s28 =	sshll.u32 s1, $0x1;
	[smem:$0x7FF] =	sst s3;
	s31 =	smul.u32 $0x28000, s1  }
0x8: {  	s5 =	sadd.s32 $0x32800, s7;
	s6 =	sor.u32 s10, s28;
	s30 =	smul.u32 $0x28, s10  }
0x9: {  	s13 =	sadd.s32 $0x5EA00, s7;
	s8 =	ssub.s32 $0x2, s10;
	s4 =	smul.u32 $0x1400, s6  }
0xa: {  	_ =	strace $0x80000047;
	s9 =	smul.u32 $0x14000, s6;
	s29 =	sshrl.u32 s8, $0x1  }
0xb: {  	s15 =	smul.u32 $0x14000, s10;
	s8 =	ssub.s32 s8, s29;
	s11 =	sshrl.u32 s4, $0x3  }
0xc: {  	s7 =	smax.u32 s8, $0x1;
	s14 =	sadd.s32 s13, s9;
	s6 =	sadd.s32 s5, s11  }
0xd: {  	s11 =	sadd.s32 s30, s12;
	s9 =	sadd.s32 $0x13000, s14;
	s10 =	sadd.s32 $0x13800, s14  }
0xe: {  	s12 =	sadd.s32 s31, s13;
	s14 =	simm.s32 $0x80;
	s11 =	sshll.u32 s11, $0xB  }
0xf: {  	s8 =	sadd.s32 $0x270, s6;
	s12 =	sadd.s32 s15, s12;
	s11 =	sadd.s32 s11, s13  }
0x10: {  	s15 =	simm.s32 $0x4100;
	s13 =	simm.s32 $0x3;
	s11 =	sadd.s32 $0x800, s11  }
.LBB2_1:
0x11: {  	[tilespmem:s3], [sflag:$0x3] =	stream.linear.gather [hbm4b:s6+s3], $0x80, $0x38;
	[tilespmem:$0x8100] =	vst v63  }
0x12: {  	s20 =	simm.s32 $0x0  }
0x13: {  	s21 =	simm.s32 $0x80;
	_ =	swait.ge [sflag:s13], $0x80;
	s20 =	sand.u32 $0x1C00, s20  }
0x14: {  	s21 =	sand.u32 $0x380, s21;
	[sflag:s13] =	ssyncset.done $0x0;
	s20 =	sadd.s32 s4, s20  }
0x15: {  	[sflag:s13] =	ssyncadd.s32 $0xFFFFFF80;
	s20 =	sor.u32 s20, s21  }
0x16: {  	[tilespmem:s17], [sflag:$0x1] =	stream.indirect.gather [hbm4b:s2+s14], $0x80, s3, s14, $0xb8;
	[tilespmem:$0x8100] =	vst v63  }
0x17: {  	s20 =	sshrl.u32 s20, $0x3  }
0x18: {  	s20 =	sadd.s32 s5, s20  }
0x19: {  	[tilespmem:s14], [sflag:$0x3] =	stream.linear.gather [hbm4b:s20+s3], $0x80, $0x38;
	[tilespmem:$0x8100] =	vst v63  }
0x1a: {  	_ =	swait.ge [sflag:s13], $0x80  }
0x1b: {  	[sflag:s13] =	ssyncset.done $0x0  }
0x1c: {  	[sflag:s13] =	ssyncadd.s32 $0xFFFFFF80  }
0x1d: {  	[tilespmem:s15], [sflag:$0x2] =	stream.indirect.gather [hbm4b:s2+s14], $0x80, s14, s14, $0xb8;
	[tilespmem:$0x8100] =	vst v63  }
0x1e: {  	_ =	swait.ge [sflag:s16], $0x4000  }
0x1f: {  	s29 =	sand.u32 $0x3C00, s17;
	[sflag:s16] =	ssyncset.done $0x0  }
0x20: {  	s30 =	sand.u32 $0x300, s17;
	s20 =	sadd.s32 s4, s29;
	[sflag:s16] =	ssyncadd.s32 $0xFFFFC000  }
0x21: {  	[hbm4b:s12+s3] =	stream.linear.scatter [tilespmem:s17], [sflag:$0x3], $0x4000, $0x38;
	[tilespmem:$0x8100] =	vst v63  }
0x22: {  	s20 =	sor.u32 s30, s20;
	_ =	swait.ge [sflag:s13], $0x4000  }
0x23: {  	s20 =	sshrl.u32 s20, $0x3;
	[sflag:s13] =	ssyncset.done $0x0  }
0x24: {  	s25 =	simm.s32 $0x300;
	s20 =	sadd.s32 s5, s20;
	[sflag:s13] =	ssyncadd.s32 $0xFFFFC000  }
0x25: {  	[tilespmem:s3], [sflag:$0x3] =	stream.linear.gather [hbm4b:s20+s3], $0x80, $0x38;
	[tilespmem:$0x8100] =	vst v63  }
0x26: {  	s31 =	simm.s32 $0x100;
	s22 =	sadd.s32 $0x1000, s12;
	_ =	swait.ge [sflag:s13], $0x80  }
0x27: {  	s23 =	simm.s32 $0x180;
	s20 =	sand.u32 $0x1C00, s31;
	[sflag:s13] =	ssyncset.done $0x0  }
0x28: {  	s23 =	sand.u32 $0x380, s23;
	s20 =	sadd.s32 s4, s20;
	[sflag:s13] =	ssyncadd.s32 $0xFFFFFF80  }
0x29: {  	[tilespmem:s17], [sflag:$0x1] =	stream.indirect.gather [hbm4b:s2+s14], $0x80, s3, s14, $0xb8;
	[tilespmem:$0x8100] =	vst v63  }
0x2a: {  	s21 =	simm.s32 $0x200;
	s26 =	sor.u32 s20, s23;
	_ =	swait.ge [sflag:s18], $0x4000  }
0x2b: {  	s20 =	sadd.s32 $0x1000, s11;
	s23 =	smov.u32 s11;
	[sflag:s18] =	ssyncset.done $0x0  }
.LBB2_2:
0x2c: {  	s26 =	sshrl.u32 s26, $0x3  }
0x2d: {  	[sflag:s18] =	ssyncadd.s32 $0xFFFFC000;
	s28 =	smov.u32 s25;
	s24 =	sadd.s32 $0x100, s25  }
0x2e: {  	[hbm4b:s23+s3] =	stream.linear.scatter [tilespmem:s15], [sflag:$0x3], $0x4000, $0x38;
	[tilespmem:$0x8100] =	vst v63  }
0x2f: {  	p0 =	sne.s32 s25, $0x1300;
	s23 =	smov.u32 s20;
	_ =	swait.ge [sflag:s13], $0x4000  }
0x30: {  	[sflag:s13] =	ssyncset.done $0x0  }
0x31: {  	s25 =	sadd.s32 s5, s26;
	[sflag:s13] =	ssyncadd.s32 $0xFFFFC000  }
0x32: {  	[tilespmem:s14], [sflag:$0x3] =	stream.linear.gather [hbm4b:s25+s3], $0x80, $0x38;
	[tilespmem:$0x8100] =	vst v63  }
0x33: {  	_ =	swait.ge [sflag:s13], $0x80  }
0x34: {  	[sflag:s13] =	ssyncset.done $0x0  }
0x35: {  	[sflag:s13] =	ssyncadd.s32 $0xFFFFFF80  }
0x36: {  	[tilespmem:s15], [sflag:$0x2] =	stream.indirect.gather [hbm4b:s2+s14], $0x80, s14, s14, $0xb8;
	[tilespmem:$0x8100] =	vst v63  }
0x37: {  	_ =	swait.ge [sflag:s16], $0x4000  }
0x38: {  	[sflag:s16] =	ssyncset.done $0x0  }
0x39: {  	s25 =	sand.u32 $0x3C00, s21;
	[sflag:s16] =	ssyncadd.s32 $0xFFFFC000  }
0x3a: {  	[hbm4b:s22+s3] =	stream.linear.scatter [tilespmem:s17], [sflag:$0x3], $0x4000, $0x38;
	[tilespmem:$0x8100] =	vst v63  }
0x3b: {  	s21 =	sand.u32 $0x300, s21;
	s25 =	sadd.s32 s4, s25;
	_ =	swait.ge [sflag:s13], $0x4000  }
0x3c: {  	s25 =	sor.u32 s21, s25;
	s21 =	smov.u32 s28;
	[sflag:s13] =	ssyncset.done $0x0  }
0x3d: {  	s25 =	sshrl.u32 s25, $0x3;
	[sflag:s13] =	ssyncadd.s32 $0xFFFFC000  }
0x3e: {  	s25 =	sadd.s32 s5, s25  }
0x3f: {  	[tilespmem:s3], [sflag:$0x3] =	stream.linear.gather [hbm4b:s25+s3], $0x80, $0x38;
	[tilespmem:$0x8100] =	vst v63  }
0x40: {  	s20 =	sadd.s32 $0x1000, s20;
	s22 =	sadd.s32 $0x1000, s22;
	_ =	swait.ge [sflag:s13], $0x80  }
.Ltmp0:
0x41: {  	s25 =	sadd.s32 $0xFFFFFF00, s21;
	[sflag:s13] =	ssyncset.done $0x0;
	(pc) =	sbr.rel @p0 .LBB2_2-.Ltmp0, $4  }
0x42: {  	s26 =	sadd.s32 $0xFFFFFF80, s21;
	s25 =	sand.u32 $0x1C00, s25;
	[sflag:s13] =	ssyncadd.s32 $0xFFFFFF80  }
0x43: {  	[tilespmem:s17], [sflag:$0x1] =	stream.indirect.gather [hbm4b:s2+s14], $0x80, s3, s14, $0xb8;
	[tilespmem:$0x8100] =	vst v63  }
0x44: {  	s26 =	sand.u32 $0x380, s26;
	s25 =	sadd.s32 s4, s25;
	_ =	swait.ge [sflag:s18], $0x4000  }
0x45: {  	s26 =	sor.u32 s25, s26;
	s25 =	smov.u32 s24;
	[sflag:s18] =	ssyncset.done $0x0  }
0x46: {  	[sflag:s18] =	ssyncadd.s32 $0xFFFFC000  }
0x47: {  	[hbm4b:s23+s3] =	stream.linear.scatter [tilespmem:s15], [sflag:$0x3], $0x4000, $0x38;
	[tilespmem:$0x8100] =	vst v63  }
0x48: {  	_ =	swait.ge [sflag:s13], $0x4000  }
0x49: {  	s28 =	sshrl.u32 s26, $0x3;
	[sflag:s13] =	ssyncset.done $0x0  }
0x4a: {  	s23 =	sadd.s32 s5, s28;
	[sflag:s13] =	ssyncadd.s32 $0xFFFFC000  }
0x4b: {  	[tilespmem:s14], [sflag:$0x3] =	stream.linear.gather [hbm4b:s23+s3], $0x80, $0x38;
	[tilespmem:$0x8100] =	vst v63  }
0x4c: {  	_ =	swait.ge [sflag:s13], $0x80  }
0x4d: {  	[sflag:s13] =	ssyncset.done $0x0  }
0x4e: {  	[sflag:s13] =	ssyncadd.s32 $0xFFFFFF80  }
0x4f: {  	[tilespmem:s15], [sflag:$0x2] =	stream.indirect.gather [hbm4b:s2+s14], $0x80, s14, s14, $0xb8;
	[tilespmem:$0x8100] =	vst v63  }
0x50: {  	_ =	swait.ge [sflag:s16], $0x4000  }
0x51: {  	s29 =	sand.u32 $0x3C00, s21;
	[sflag:s16] =	ssyncset.done $0x0  }
0x52: {  	s31 =	sand.u32 $0x300, s21;
	s30 =	sadd.s32 s4, s29;
	[sflag:s16] =	ssyncadd.s32 $0xFFFFC000  }
0x53: {  	[hbm4b:s22+s3] =	stream.linear.scatter [tilespmem:s17], [sflag:$0x3], $0x4000, $0x38;
	[tilespmem:$0x8100] =	vst v63  }
0x54: {  	s21 =	sor.u32 s31, s30;
	_ =	swait.ge [sflag:s13], $0x4000  }
0x55: {  	s21 =	sshrl.u32 s21, $0x3;
	[sflag:s13] =	ssyncset.done $0x0  }
0x56: {  	s21 =	sadd.s32 s5, s21;
	[sflag:s13] =	ssyncadd.s32 $0xFFFFC000  }
0x57: {  	[tilespmem:s3], [sflag:$0x3] =	stream.linear.gather [hbm4b:s21+s3], $0x80, $0x38;
	[tilespmem:$0x8100] =	vst v63  }
0x58: {  	_ =	swait.ge [sflag:s13], $0x80  }
0x59: {  	[sflag:s13] =	ssyncset.done $0x0  }
0x5a: {  	[sflag:s13] =	ssyncadd.s32 $0xFFFFFF80  }
0x5b: {  	[tilespmem:s17], [sflag:$0x1] =	stream.indirect.gather [hbm4b:s2+s14], $0x80, s3, s14, $0xb8;
	[tilespmem:$0x8100] =	vst v63  }
0x5c: {  	_ =	swait.ge [sflag:s18], $0x4000  }
0x5d: {  	[sflag:s18] =	ssyncset.done $0x0  }
0x5e: {  	[sflag:s18] =	ssyncadd.s32 $0xFFFFC000  }
0x5f: {  	[hbm4b:s20+s3] =	stream.linear.scatter [tilespmem:s15], [sflag:$0x3], $0x4000, $0x38;
	[tilespmem:$0x8100] =	vst v63  }
0x60: {  	_ =	swait.ge [sflag:s13], $0x4000  }
0x61: {  	[sflag:s13] =	ssyncset.done $0x0  }
0x62: {  	[sflag:s13] =	ssyncadd.s32 $0xFFFFC000  }
0x63: {  	[tilespmem:s14], [sflag:$0x3] =	stream.linear.gather [hbm4b:s8+s3], $0x80, $0x38;
	[tilespmem:$0x8100] =	vst v63  }
0x64: {  	_ =	swait.ge [sflag:s13], $0x80  }
0x65: {  	[sflag:s13] =	ssyncset.done $0x0  }
0x66: {  	[sflag:s13] =	ssyncadd.s32 $0xFFFFFF80  }
0x67: {  	[tilespmem:s15], [sflag:$0x2] =	stream.indirect.gather [hbm4b:s2+s14], $0x80, s14, s14, $0xb8;
	[tilespmem:$0x8100] =	vst v63  }
0x68: {  	_ =	swait.ge [sflag:s16], $0x4000  }
0x69: {  	[sflag:s16] =	ssyncset.done $0x0  }
0x6a: {  	[sflag:s16] =	ssyncadd.s32 $0xFFFFC000  }
0x6b: {  	[hbm4b:s9+s3] =	stream.linear.scatter [tilespmem:s17], [sflag:$0x3], $0x4000, $0x38;
	[tilespmem:$0x8100] =	vst v63  }
0x6c: {  	_ =	swait.ge [sflag:s13], $0x4000  }
0x6d: {  	[sflag:s13] =	ssyncset.done $0x0  }
0x6e: {  	[sflag:s13] =	ssyncadd.s32 $0xFFFFC000  }
0x6f: {  	s19 =	sadd.s32 $0x1, s19;
	_ =	swait.ge [sflag:s18], $0x4000  }
0x70: {  	p0 =	sne.s32 s19, s7;
	[sflag:s18] =	ssyncset.done $0x0  }
.Ltmp1:
0x71: {  	[sflag:s18] =	ssyncadd.s32 $0xFFFFC000;
	(pc) =	sbr.rel @p0 .LBB2_1-.Ltmp1, $4  }
0x72: {  	[hbm4b:s10+s3] =	stream.linear.scatter [tilespmem:s15], [sflag:$0x3], $0x4000, $0x38;
	[tilespmem:$0x8100] =	vst v63  }
0x73: {  	_ =	swait.ge [sflag:s13], $0x4000  }
0x74: {  	[sflag:s13] =	ssyncset.done $0x0  }
0x75: {  	[sflag:s13] =	ssyncadd.s32 $0xFFFFC000  }
0x76: {  	_ =	sfence.sel $0x180000  }
0x77: {  	[bflag:$0x0] =	sbarrier.arrive $0xFFFF  }
0x78: {  	p0 =	sne.s32 s1, $0x0;
	_ =	strace $0x90000047  }
0x79: {  	s0 =	sadd.s32 @!p0 $0x100000, s0;
	[bflag:$0x2] =	sbarrier.arrive $0xFFFF  }
0x7a: {  	[sflag:s0] =	ssyncadd.tile.s32 @!p0 $0x1;
	_ =	shalt  }
.Lfunc_end2:
_tile_overlayer_lowered:
.L_overlay_start_2:
0x7b: {  	(tag) =	ssettag $0x2  }
0x7c: {  	s0 =	rddreg [dreg:$0x0];
	s2 =	stileid.u32  }
0x7d: {  	s1 =	rddreg [dreg:$0x1];
	p0 =	sne.s32 s2, $0x0  }
0x7e: {  	s3 =	rddreg [dreg:$0x2];
	[bflag:$0x3] =	sbarrier.arrive $0xFFFF;
	s2 =	simm.s32 @!p0 $0x1C03  }
0x7f: {  	[timem:s3], [sflag:s2] =	dma.local @!p0 [hbm:s0], s1  }
0x80: {  	s0 =	simm.s32 @!p0 $0x3  }
0x81: {  	_ =	swait.ge @!p0 [sflag:s0], s1  }
0x82: {  	s1 =	ssub.s32 @!p0 $0x0, s1;
	[sflag:s0] =	ssyncset.done @!p0 $0x0  }
0x83: {  	[sflag:s0] =	ssyncadd.s32 @!p0 s1  }
0x84: {  	[bflag:$0x3] =	sbarrier.arrive $0xFFFF  }
0x85: {  	_ =	shalt  }

// kernel: kernel.19.cloned.1.call-start
scs
__scs_entry_jumppad:
0x0: {  	(pc) =	sbr.rel $0x88, $3  }
0x1: {  	(tag) =	ssettag $0x0;
	lr =	simm.s32 $0x1  }
0x2: {  	[smem:$0x3F75] =	sst lr;
	_ =	strace $0xD0000000  }
0x3: {  	_ = 	snop  }
0x4: {  	_ = 	snop  }
0x5: {  	_ = 	snop  }
0x6: {  	_ = 	snop  }
0x7: {  	_ = 	snop  }
__scs_overlays_trampoline_lowered:
0x8: {  	[smem:$0x3F84] =	sst s0  }
0x9: {  	[smem:$0x3F85] =	sst s1  }
0xa: {  	[smem:$0x3F86] =	sst s2  }
0xb: {  	[smem:$0x3F87] =	sst s3  }
0xc: {  	[smem:$0x3F88] =	sst s4  }
0xd: {  	[smem:$0x3F89] =	sst s5  }
0xe: {  	[smem:$0x3F8A] =	sst s6  }
0xf: {  	[smem:$0x3F8B] =	sst s7  }
0x10: {  	[smem:$0x3F8C] =	sst s8  }
0x11: {  	[smem:$0x3F8D] =	sst s9;
	s0 =	simm.s32 @!p0 $0x0  }
0x12: {  	s1 =	sld [smem:$0x3F73];
	s0 =	simm.s32 @p0 $0x1  }
0x13: {  	[smem:$0x3F8E] =	sst s0;
	s0 =	simm.s32 @!p1 $0x0  }
0x14: {  	s2 =	sld [smem:$0x3F72];
	s0 =	simm.s32 @p1 $0x1  }
0x15: {  	[smem:$0x3F8F] =	sst s0;
	s0 =	simm.s32 @!p2 $0x0  }
0x16: {  	s3 =	sld [smem:$0x3FDB];
	s0 =	simm.s32 @p2 $0x1  }
0x17: {  	s4 =	simm.s32 $0x1BF5;
	[smem:$0x3F91] =	sst s0  }
0x18: {  	s0 =	sld [smem:$0x3F74];
	_ =	swait.ge [sflag:s4], $0x0  }
0x19: {  	s7 =	sld [smem:$0x3F75]  }
0x1a: {  	s8 =	sadd.s32 $0xFFFFE003, lr  }
0x1b: {  	s9 =	sadd.s32 $0xFFFFFEF7, lr;
	s5 =	simm.s32 $0xFFFFFFFF;
	p2 =	slt.u32 s8, $0xFFFFF086  }
0x1c: {  	p1 =	slt.u32 s9, $0xF7A;
	s5 =	simm.s32 @!p2 $0x0  }
0x1d: {  	s5 =	simm.s32 @p1 $0x1;
	p0 =	seq.s32 s7, s2  }
0x1e: {  	s7 =	smul.u32 @!p0 $0xF7A, s2;
	p2 =	seq.s32 @!p0 s5, $0x0  }
0x1f: {  	s9 =	smul.u32 $0xF7A, s1;
	s8 =	simm.s32 @!p0 $0x1BF5;
	p2 =	por !p2, p0  }
0x20: {  	[sflag:s8] =	ssyncset.s32 @!p0 $0xFFFFF086;
	s6 =	sadd.s32 @!p0 s3, s7;
	s7 =	simm.s32 @!p0 $0x108  }
0x21: {  	s3 =	sadd.s32 s3, s9;
	s6 =	sadd.s32 @!p0 $0x88, s6;
	s7 =	simm.s32 @p2 $0x1082  }
0x22: {  	[simem:s7], [sflag:s8] =	dma.local @!p0 [hbm:s6], $0xF7A  }
0x23: {  	s9 =	sor.u32 $0xD0000000, s2;
	s6 =	simm.s32 $0x108;
	_ =	swait.ge @!p0 [sflag:s8], $0x0  }
0x24: {  	s3 =	sadd.s32 $0x88, s3;
	s6 =	simm.s32 @!p1 $0x1082;
	[sflag:s4] =	ssyncset.s32 $0xFFFFF086  }
0x25: {  	[simem:s6], [sflag:s4] =	dma.local [hbm:s3], $0xF7A  }
0x26: {  	[smem:$0x3F75] =	sst s1;
	(tag) =	ssettag s2;
	_ =	strace s9  }
0x27: {  	s1 =	sld [smem:$0x3F85]  }
0x28: {  	s2 =	sld [smem:$0x3F86]  }
0x29: {  	s4 =	sld [smem:$0x3F88]  }
0x2a: {  	p0 =	seq.s32 s5, $0x0;
	s5 =	sld [smem:$0x3F89]  }
0x2b: {  	s6 =	sld [smem:$0x3F8A]  }
0x2c: {  	s7 =	sld [smem:$0x3F8B]  }
0x2d: {  	s3 =	simm.s32 $0x108;
	s8 =	sld [smem:$0x3F8C]  }
0x2e: {  	s3 =	simm.s32 @!p0 $0x1082;
	s9 =	sld [smem:$0x3F8D]  }
0x2f: {  	lr =	sadd.s32 s0, s3;
	s0 =	sld [smem:$0x3F84]  }
0x30: {  	s3 =	sld [smem:$0x3F87]  }
0x31: {  	[smem:$0x3F90] =	sst s10  }
0x32: {  	s10 =	sld [smem:$0x3F8E];
	_ =	sdelay $0x3  }
0x33: {  	p0 =	seq.s32 s10, $0x1;
	s10 =	sld [smem:$0x3F90];
	_ =	sdelay $0x3  }
0x34: {  	[smem:$0x3F90] =	sst s10  }
0x35: {  	s10 =	sld [smem:$0x3F8F];
	_ =	sdelay $0x3  }
0x36: {  	p1 =	seq.s32 s10, $0x1;
	s10 =	sld [smem:$0x3F90];
	_ =	sdelay $0x3  }
0x37: {  	[smem:$0x3F90] =	sst s10  }
0x38: {  	s10 =	sld [smem:$0x3F91]  }
0x39: {  	_ = 	snop;
	(pc) =	sbr.ind lr, $3  }
0x3a: {  	_ = 	snop  }
0x3b: {  	_ = 	snop  }
0x3c: {  	p2 =	seq.s32 s10, $0x1;
	s10 =	sld [smem:$0x3F90]  }
0x3d: {  	_ =	shalt  }
0x3e: {  	_ =	shalt  }
0x3f: {  	_ =	shalt  }
0x40: {  	_ =	shalt  }
0x41: {  	_ =	shalt  }
0x42: {  	_ =	shalt  }
0x43: {  	_ =	shalt  }
0x44: {  	_ =	shalt  }
0x45: {  	_ =	shalt  }
0x46: {  	_ =	shalt  }
0x47: {  	_ =	shalt  }
0x48: {  	_ =	shalt  }
0x49: {  	_ =	shalt  }
0x4a: {  	_ =	shalt  }
0x4b: {  	_ =	shalt  }
0x4c: {  	_ =	shalt  }
0x4d: {  	_ =	shalt  }
0x4e: {  	_ =	shalt  }
0x4f: {  	_ =	shalt  }
0x50: {  	_ =	shalt  }
0x51: {  	_ =	shalt  }
0x52: {  	_ =	shalt  }
0x53: {  	_ =	shalt  }
0x54: {  	_ =	shalt  }
0x55: {  	_ =	shalt  }
0x56: {  	_ =	shalt  }
0x57: {  	_ =	shalt  }
0x58: {  	_ =	shalt  }
0x59: {  	_ =	shalt  }
0x5a: {  	_ =	shalt  }
0x5b: {  	_ =	shalt  }
0x5c: {  	_ =	shalt  }
0x5d: {  	_ =	shalt  }
0x5e: {  	_ =	shalt  }
0x5f: {  	_ =	shalt  }
0x60: {  	_ =	shalt  }
0x61: {  	_ =	shalt  }
0x62: {  	_ =	shalt  }
0x63: {  	_ =	shalt  }
0x64: {  	_ =	shalt  }
0x65: {  	_ =	shalt  }
0x66: {  	_ =	shalt  }
0x67: {  	_ =	shalt  }
0x68: {  	_ =	shalt  }
0x69: {  	_ =	shalt  }
0x6a: {  	_ =	shalt  }
0x6b: {  	_ =	shalt  }
0x6c: {  	_ =	shalt  }
0x6d: {  	_ =	shalt  }
0x6e: {  	_ =	shalt  }
0x6f: {  	_ =	shalt  }
0x70: {  	_ =	shalt  }
0x71: {  	_ =	shalt  }
0x72: {  	_ =	shalt  }
0x73: {  	_ =	shalt  }
0x74: {  	_ =	shalt  }
0x75: {  	_ =	shalt  }
0x76: {  	_ =	shalt  }
0x77: {  	_ =	shalt  }
0x78: {  	_ =	shalt  }
0x79: {  	_ =	shalt  }
0x7a: {  	_ =	shalt  }
0x7b: {  	_ =	shalt  }
0x7c: {  	_ =	shalt  }
0x7d: {  	_ =	shalt  }
0x7e: {  	_ =	shalt  }
0x7f: {  	_ =	shalt  }
0x80: {  	_ =	shalt  }
0x81: {  	_ =	shalt  }
0x82: {  	_ =	shalt  }
0x83: {  	_ =	shalt  }
0x84: {  	_ =	shalt  }
0x85: {  	_ =	shalt  }
0x86: {  	_ =	shalt  }
0x87: {  	_ =	shalt  }
.Lfunc_end0:
.L_simem_size_0:
called_computation.1_lowered:
.L_overlay_start_0:
0x88: {  	s2 =	sld [smem:$0x3FD9]  }
0x89: {  	s3 =	sld [smem:$0x3FFE];
	_ =	sdelay $0x1  }
0x8a: {  	s1 =	srdreg.scid  }
0x8b: {  	s0 =	sand.u32 $0x1, s1  }
0x8c: {  	s14 =	sshll.u32 s0, $0xA;
	s2 =	sadd.s32 s3, s2  }
0x8d: {  	s2 =	sadd.s32 s2, s14  }
0x8e: {  	[smem:$0x3F9C] =	sst s2  }
0x8f: {  	_ = 	snop  }
0x90: {  	s2 =	sld [smem:$0x3FD0];
	_ =	sdelay $0x2  }
0x91: {  	s15 =	simm.s32 $0xA;
	s4 =	simm.s32 $0x10  }
0x92: {  	[smem:s4], [sflag:s15] =	dma.local [hbm:s2], $0x1  }
0x93: {  	_ =	swait.eq [sflag:s15], $0x1  }
0x94: {  	[sflag:s15] =	ssyncset.done $0x0  }
0x95: {  	[sflag:s15] =	ssyncadd.s32 $0xFFFFFFFF  }
0x96: {  	s16 =	sld [smem:$0x10];
	(tm) =	ssettm $0x1  }
0x97: {  	s17 =	sld [smem:$0x3FFB];
	_ =	sdelay $0x3  }
0x98: {  	_ =	strace s17  }
0x99: {  	s3 =	sld [smem:$0x3FFC];
	_ =	sdelay $0x3  }
0x9a: {  	_ =	strace s3  }
0x9b: {  	s3 =	sld [smem:$0x3FFD];
	_ =	sdelay $0x3  }
0x9c: {  	_ =	strace s3  }
0x9d: {  	_ =	strace $0x8FFFFFFF  }
0x9e: {  	s18 =	sld [smem:$0x3FDB];
	_ =	sdelay $0x1  }
0x9f: {  	s19 =	simm.s32 $_scs_section_size  }
0xa0: {  	s5 =	simm.s32 $_size__tile_overlayer_lowered;
	s6 =	simm.s32 $_tile_overlayer_lowered  }
0xa1: {  	s22 =	simm.s32 $0x1BFF;
	s21 =	sshll.u32 s6, $0x1;
	s3 =	sadd.s32 s19, s18  }
0xa2: {  	s7 =	simm.s32 $0x0;
	s20 =	sshll.u32 s5, $0x1;
	s5 =	sadd.s32 s21, s3  }
0xa3: {  	[timem:s7], [sflag:s22] =	dma.local [hbm:s5], s20  }
0xa4: {  	_ =	swait.ge [sflag:s22], s20  }
0xa5: {  	s4 =	ssub.s32 $0x0, s20;
	[sflag:s22] =	ssyncset.done $0x0  }
0xa6: {  	[sflag:s22] =	ssyncadd.s32 s4;
	_ =	sdelay $0x1  }
0xa7: {  	s23 =	simm.s32 $0x1B8B  }
0xa8: {  	_ =	swait.ge [sflag:s23], $0x1  }
0xa9: {  	[sflag:s23] =	ssyncset.done $0x0  }
0xaa: {  	s25 =	simm.s32 $0x1B8E;
	s24 =	sld [smem:$0x3FFE];
	[sflag:s23] =	ssyncadd.s32 $0xFFFFFFFF  }
0xab: {  	s26 =	simm.s32 $execute0_lowered;
	[smem:$0x3FD2] =	sst s25  }
0xac: {  	s5 =	sshll.u32 s26, $0x1;
	_ =	strace $0x80000049;
	[dreg:$0x1] =	wrdreg $0xFFFFFFFF  }
0xad: {  	s28 =	simm.s32 $_size_execute0_lowered;
	s3 =	sadd.s32 s3, s5;
	[dreg:$0x0] =	wrdreg $0x0  }
0xae: {  	s5 =	sshll.u32 s28, $0x1;
	[dreg:$0x2] =	wrdreg s3  }
0xaf: {  	[dreg:$0x3] =	wrdreg s5  }
0xb0: {  	[dreg:$0x4] =	wrdreg $0xC0  }
0xb1: {  	_ =	task [dreg:s7], $0x5FFFF  }
0xb2: {  	[dreg:$0x1] =	wrdreg $0xFFFFFFFF  }
0xb3: {  	[dreg:$0x0] =	wrdreg $0x60  }
0xb4: {  	[dreg:$0x2] =	wrdreg s24  }
0xb5: {  	[dreg:$0x3] =	wrdreg s16  }
0xb6: {  	[dreg:$0x4] =	wrdreg $0x9  }
0xb7: {  	_ =	task.clear_ibuf [dreg:s7], $0x5FFFF;
	_ =	strace $0x90000049  }
0xb8: {  	s29 =	simm.s32 $0x9;
	_ =	strace $0x8000004B  }
0xb9: {  	_ =	swait.ge [sflag:s29], $0x1  }
0xba: {  	[sflag:s29] =	ssyncadd.s32 $0xFFFFFFFF  }
0xbb: {  	_ =	strace $0x9000004B  }
0xbc: {  	_ =	sfence  }
0xbd: {  	s30 =	sld [smem:$0x0];
	_ =	sdelay $0x2  }
0xbe: {  	s31 =	sshll.u32 s1, $0xD;
	s1 =	sshrl.u32 s1, $0x2  }
0xbf: {  	s3 =	sand.u32 $0x4000, s31;
	s1 =	sadd.s32 s1, s30  }
0xc0: {  	s0 =	sor.u32 s3, s0;
	s1 =	sshll.u32 s1, $0x11  }
0xc1: {  	s0 =	sor.u32 s1, s0  }
0xc2: {  	s0 =	sadd.s32 $0x8F2B, s0  }
0xc3: {  	[sflag:s0] =	ssyncadd.remote.s32 $0x1  }
0xc4: {  	_ =	sfence.sel $0xFFFF  }
0xc5: {  	[dreg:$0x0] =	wrdreg $0xFFFFFFFF;
	(pc) =	sbr.abs _section_cstart, $3  }
0xc6: {  	[dreg:$0x1] =	wrdreg $0xFFFFFFFF  }
0xc7: {  	_ =	task.clear_ibuf [dreg:s7], $0x2FFFF;
	_ =	strace $0x9FFFFFFF  }
0xc8: {  	(tm) =	ssettm $0x7FFFFFFF  }
0xc9: {  	_ =	shalt  }
tec
execute0_lowered:
.L_overlay_start_1:
0x0: {  	(tag) =	ssettag $0x1  }
0x1: {  	s7 =	rddreg [dreg:$0x0]  }
0x2: {  	s2 =	rddreg [dreg:$0x1]  }
0x3: {  	s0 =	rddreg [dreg:$0x2]  }
0x4: {  	s4 =	srdreg.scid;
	s1 =	stileid.u32;
	s3 =	simm.s32 $0x0  }
0x5: {  	s16 =	simm.s32 $0x1;
	s17 =	simm.s32 $0x100;
	s18 =	simm.s32 $0x2  }
0x6: {  	s19 =	simm.s32 $0x0;
	s10 =	sand.u32 $0x1, s4;
	s12 =	smul.u32 $0x50, s1  }
0x7: {  	s28 =	sshll.u32 s1, $0x1;
	[smem:$0x7FF] =	sst s3;
	s31 =	smul.u32 $0x28000, s1  }
0x8: {  	s5 =	sadd.s32 $0x32800, s7;
	s6 =	sor.u32 s10, s28;
	s30 =	smul.u32 $0x28, s10  }
0x9: {  	s13 =	sadd.s32 $0x5EA00, s7;
	s8 =	ssub.s32 $0x2, s10;
	s4 =	smul.u32 $0x1400, s6  }
0xa: {  	_ =	strace $0x8000004A;
	s9 =	smul.u32 $0x14000, s6;
	s29 =	sshrl.u32 s8, $0x1  }
0xb: {  	s15 =	smul.u32 $0x14000, s10;
	s8 =	ssub.s32 s8, s29;
	s11 =	sshrl.u32 s4, $0x3  }
0xc: {  	s7 =	smax.u32 s8, $0x1;
	s14 =	sadd.s32 s13, s9;
	s6 =	sadd.s32 s5, s11  }
0xd: {  	s11 =	sadd.s32 s30, s12;
	s9 =	sadd.s32 $0x13000, s14;
	s10 =	sadd.s32 $0x13800, s14  }
0xe: {  	s12 =	sadd.s32 s31, s13;
	s14 =	simm.s32 $0x80;
	s11 =	sshll.u32 s11, $0xB  }
0xf: {  	s8 =	sadd.s32 $0x270, s6;
	s12 =	sadd.s32 s15, s12;
	s11 =	sadd.s32 s11, s13  }
0x10: {  	s15 =	simm.s32 $0x4100;
	s13 =	simm.s32 $0x3;
	s11 =	sadd.s32 $0x800, s11  }
.LBB2_1:
0x11: {  	[tilespmem:s3], [sflag:$0x3] =	stream.linear.gather [hbm4b:s6+s3], $0x80, $0x38;
	[tilespmem:$0x8100] =	vst v63  }
0x12: {  	s20 =	simm.s32 $0x0  }
0x13: {  	s21 =	simm.s32 $0x80;
	_ =	swait.ge [sflag:s13], $0x80;
	s20 =	sand.u32 $0x1C00, s20  }
0x14: {  	s21 =	sand.u32 $0x380, s21;
	[sflag:s13] =	ssyncset.done $0x0;
	s20 =	sadd.s32 s4, s20  }
0x15: {  	[sflag:s13] =	ssyncadd.s32 $0xFFFFFF80;
	s20 =	sor.u32 s20, s21  }
0x16: {  	[tilespmem:s17], [sflag:$0x1] =	stream.indirect.gather [hbm4b:s2+s14], $0x80, s3, s14, $0xb8;
	[tilespmem:$0x8100] =	vst v63  }
0x17: {  	s20 =	sshrl.u32 s20, $0x3  }
0x18: {  	s20 =	sadd.s32 s5, s20  }
0x19: {  	[tilespmem:s14], [sflag:$0x3] =	stream.linear.gather [hbm4b:s20+s3], $0x80, $0x38;
	[tilespmem:$0x8100] =	vst v63  }
0x1a: {  	_ =	swait.ge [sflag:s13], $0x80  }
0x1b: {  	[sflag:s13] =	ssyncset.done $0x0  }
0x1c: {  	[sflag:s13] =	ssyncadd.s32 $0xFFFFFF80  }
0x1d: {  	[tilespmem:s15], [sflag:$0x2] =	stream.indirect.gather [hbm4b:s2+s14], $0x80, s14, s14, $0xb8;
	[tilespmem:$0x8100] =	vst v63  }
0x1e: {  	_ =	swait.ge [sflag:s16], $0x4000  }
0x1f: {  	s29 =	sand.u32 $0x3C00, s17;
	[sflag:s16] =	ssyncset.done $0x0  }
0x20: {  	s30 =	sand.u32 $0x300, s17;
	s20 =	sadd.s32 s4, s29;
	[sflag:s16] =	ssyncadd.s32 $0xFFFFC000  }
0x21: {  	[hbm4b:s12+s3] =	stream.linear.scatter [tilespmem:s17], [sflag:$0x3], $0x4000, $0x38;
	[tilespmem:$0x8100] =	vst v63  }
0x22: {  	s20 =	sor.u32 s30, s20;
	_ =	swait.ge [sflag:s13], $0x4000  }
0x23: {  	s20 =	sshrl.u32 s20, $0x3;
	[sflag:s13] =	ssyncset.done $0x0  }
0x24: {  	s25 =	simm.s32 $0x300;
	s20 =	sadd.s32 s5, s20;
	[sflag:s13] =	ssyncadd.s32 $0xFFFFC000  }
0x25: {  	[tilespmem:s3], [sflag:$0x3] =	stream.linear.gather [hbm4b:s20+s3], $0x80, $0x38;
	[tilespmem:$0x8100] =	vst v63  }
0x26: {  	s31 =	simm.s32 $0x100;
	s22 =	sadd.s32 $0x1000, s12;
	_ =	swait.ge [sflag:s13], $0x80  }
0x27: {  	s23 =	simm.s32 $0x180;
	s20 =	sand.u32 $0x1C00, s31;
	[sflag:s13] =	ssyncset.done $0x0  }
0x28: {  	s23 =	sand.u32 $0x380, s23;
	s20 =	sadd.s32 s4, s20;
	[sflag:s13] =	ssyncadd.s32 $0xFFFFFF80  }
0x29: {  	[tilespmem:s17], [sflag:$0x1] =	stream.indirect.gather [hbm4b:s2+s14], $0x80, s3, s14, $0xb8;
	[tilespmem:$0x8100] =	vst v63  }
0x2a: {  	s21 =	simm.s32 $0x200;
	s26 =	sor.u32 s20, s23;
	_ =	swait.ge [sflag:s18], $0x4000  }
0x2b: {  	s20 =	sadd.s32 $0x1000, s11;
	s23 =	smov.u32 s11;
	[sflag:s18] =	ssyncset.done $0x0  }
.LBB2_2:
0x2c: {  	s26 =	sshrl.u32 s26, $0x3  }
0x2d: {  	[sflag:s18] =	ssyncadd.s32 $0xFFFFC000;
	s28 =	smov.u32 s25;
	s24 =	sadd.s32 $0x100, s25  }
0x2e: {  	[hbm4b:s23+s3] =	stream.linear.scatter [tilespmem:s15], [sflag:$0x3], $0x4000, $0x38;
	[tilespmem:$0x8100] =	vst v63  }
0x2f: {  	p0 =	sne.s32 s25, $0x1300;
	s23 =	smov.u32 s20;
	_ =	swait.ge [sflag:s13], $0x4000  }
0x30: {  	[sflag:s13] =	ssyncset.done $0x0  }
0x31: {  	s25 =	sadd.s32 s5, s26;
	[sflag:s13] =	ssyncadd.s32 $0xFFFFC000  }
0x32: {  	[tilespmem:s14], [sflag:$0x3] =	stream.linear.gather [hbm4b:s25+s3], $0x80, $0x38;
	[tilespmem:$0x8100] =	vst v63  }
0x33: {  	_ =	swait.ge [sflag:s13], $0x80  }
0x34: {  	[sflag:s13] =	ssyncset.done $0x0  }
0x35: {  	[sflag:s13] =	ssyncadd.s32 $0xFFFFFF80  }
0x36: {  	[tilespmem:s15], [sflag:$0x2] =	stream.indirect.gather [hbm4b:s2+s14], $0x80, s14, s14, $0xb8;
	[tilespmem:$0x8100] =	vst v63  }
0x37: {  	_ =	swait.ge [sflag:s16], $0x4000  }
0x38: {  	[sflag:s16] =	ssyncset.done $0x0  }
0x39: {  	s25 =	sand.u32 $0x3C00, s21;
	[sflag:s16] =	ssyncadd.s32 $0xFFFFC000  }
0x3a: {  	[hbm4b:s22+s3] =	stream.linear.scatter [tilespmem:s17], [sflag:$0x3], $0x4000, $0x38;
	[tilespmem:$0x8100] =	vst v63  }
0x3b: {  	s21 =	sand.u32 $0x300, s21;
	s25 =	sadd.s32 s4, s25;
	_ =	swait.ge [sflag:s13], $0x4000  }
0x3c: {  	s25 =	sor.u32 s21, s25;
	s21 =	smov.u32 s28;
	[sflag:s13] =	ssyncset.done $0x0  }
0x3d: {  	s25 =	sshrl.u32 s25, $0x3;
	[sflag:s13] =	ssyncadd.s32 $0xFFFFC000  }
0x3e: {  	s25 =	sadd.s32 s5, s25  }
0x3f: {  	[tilespmem:s3], [sflag:$0x3] =	stream.linear.gather [hbm4b:s25+s3], $0x80, $0x38;
	[tilespmem:$0x8100] =	vst v63  }
0x40: {  	s20 =	sadd.s32 $0x1000, s20;
	s22 =	sadd.s32 $0x1000, s22;
	_ =	swait.ge [sflag:s13], $0x80  }
.Ltmp0:
0x41: {  	s25 =	sadd.s32 $0xFFFFFF00, s21;
	[sflag:s13] =	ssyncset.done $0x0;
	(pc) =	sbr.rel @p0 .LBB2_2-.Ltmp0, $4  }
0x42: {  	s26 =	sadd.s32 $0xFFFFFF80, s21;
	s25 =	sand.u32 $0x1C00, s25;
	[sflag:s13] =	ssyncadd.s32 $0xFFFFFF80  }
0x43: {  	[tilespmem:s17], [sflag:$0x1] =	stream.indirect.gather [hbm4b:s2+s14], $0x80, s3, s14, $0xb8;
	[tilespmem:$0x8100] =	vst v63  }
0x44: {  	s26 =	sand.u32 $0x380, s26;
	s25 =	sadd.s32 s4, s25;
	_ =	swait.ge [sflag:s18], $0x4000  }
0x45: {  	s26 =	sor.u32 s25, s26;
	s25 =	smov.u32 s24;
	[sflag:s18] =	ssyncset.done $0x0  }
0x46: {  	[sflag:s18] =	ssyncadd.s32 $0xFFFFC000  }
0x47: {  	[hbm4b:s23+s3] =	stream.linear.scatter [tilespmem:s15], [sflag:$0x3], $0x4000, $0x38;
	[tilespmem:$0x8100] =	vst v63  }
0x48: {  	_ =	swait.ge [sflag:s13], $0x4000  }
0x49: {  	s28 =	sshrl.u32 s26, $0x3;
	[sflag:s13] =	ssyncset.done $0x0  }
0x4a: {  	s23 =	sadd.s32 s5, s28;
	[sflag:s13] =	ssyncadd.s32 $0xFFFFC000  }
0x4b: {  	[tilespmem:s14], [sflag:$0x3] =	stream.linear.gather [hbm4b:s23+s3], $0x80, $0x38;
	[tilespmem:$0x8100] =	vst v63  }
0x4c: {  	_ =	swait.ge [sflag:s13], $0x80  }
0x4d: {  	[sflag:s13] =	ssyncset.done $0x0  }
0x4e: {  	[sflag:s13] =	ssyncadd.s32 $0xFFFFFF80  }
0x4f: {  	[tilespmem:s15], [sflag:$0x2] =	stream.indirect.gather [hbm4b:s2+s14], $0x80, s14, s14, $0xb8;
	[tilespmem:$0x8100] =	vst v63  }
0x50: {  	_ =	swait.ge [sflag:s16], $0x4000  }
0x51: {  	s29 =	sand.u32 $0x3C00, s21;
	[sflag:s16] =	ssyncset.done $0x0  }
0x52: {  	s31 =	sand.u32 $0x300, s21;
	s30 =	sadd.s32 s4, s29;
	[sflag:s16] =	ssyncadd.s32 $0xFFFFC000  }
0x53: {  	[hbm4b:s22+s3] =	stream.linear.scatter [tilespmem:s17], [sflag:$0x3], $0x4000, $0x38;
	[tilespmem:$0x8100] =	vst v63  }
0x54: {  	s21 =	sor.u32 s31, s30;
	_ =	swait.ge [sflag:s13], $0x4000  }
0x55: {  	s21 =	sshrl.u32 s21, $0x3;
	[sflag:s13] =	ssyncset.done $0x0  }
0x56: {  	s21 =	sadd.s32 s5, s21;
	[sflag:s13] =	ssyncadd.s32 $0xFFFFC000  }
0x57: {  	[tilespmem:s3], [sflag:$0x3] =	stream.linear.gather [hbm4b:s21+s3], $0x80, $0x38;
	[tilespmem:$0x8100] =	vst v63  }
0x58: {  	_ =	swait.ge [sflag:s13], $0x80  }
0x59: {  	[sflag:s13] =	ssyncset.done $0x0  }
0x5a: {  	[sflag:s13] =	ssyncadd.s32 $0xFFFFFF80  }
0x5b: {  	[tilespmem:s17], [sflag:$0x1] =	stream.indirect.gather [hbm4b:s2+s14], $0x80, s3, s14, $0xb8;
	[tilespmem:$0x8100] =	vst v63  }
0x5c: {  	_ =	swait.ge [sflag:s18], $0x4000  }
0x5d: {  	[sflag:s18] =	ssyncset.done $0x0  }
0x5e: {  	[sflag:s18] =	ssyncadd.s32 $0xFFFFC000  }
0x5f: {  	[hbm4b:s20+s3] =	stream.linear.scatter [tilespmem:s15], [sflag:$0x3], $0x4000, $0x38;
	[tilespmem:$0x8100] =	vst v63  }
0x60: {  	_ =	swait.ge [sflag:s13], $0x4000  }
0x61: {  	[sflag:s13] =	ssyncset.done $0x0  }
0x62: {  	[sflag:s13] =	ssyncadd.s32 $0xFFFFC000  }
0x63: {  	[tilespmem:s14], [sflag:$0x3] =	stream.linear.gather [hbm4b:s8+s3], $0x80, $0x38;
	[tilespmem:$0x8100] =	vst v63  }
0x64: {  	_ =	swait.ge [sflag:s13], $0x80  }
0x65: {  	[sflag:s13] =	ssyncset.done $0x0  }
0x66: {  	[sflag:s13] =	ssyncadd.s32 $0xFFFFFF80  }
0x67: {  	[tilespmem:s15], [sflag:$0x2] =	stream.indirect.gather [hbm4b:s2+s14], $0x80, s14, s14, $0xb8;
	[tilespmem:$0x8100] =	vst v63  }
0x68: {  	_ =	swait.ge [sflag:s16], $0x4000  }
0x69: {  	[sflag:s16] =	ssyncset.done $0x0  }
0x6a: {  	[sflag:s16] =	ssyncadd.s32 $0xFFFFC000  }
0x6b: {  	[hbm4b:s9+s3] =	stream.linear.scatter [tilespmem:s17], [sflag:$0x3], $0x4000, $0x38;
	[tilespmem:$0x8100] =	vst v63  }
0x6c: {  	_ =	swait.ge [sflag:s13], $0x4000  }
0x6d: {  	[sflag:s13] =	ssyncset.done $0x0  }
0x6e: {  	[sflag:s13] =	ssyncadd.s32 $0xFFFFC000  }
0x6f: {  	s19 =	sadd.s32 $0x1, s19;
	_ =	swait.ge [sflag:s18], $0x4000  }
0x70: {  	p0 =	sne.s32 s19, s7;
	[sflag:s18] =	ssyncset.done $0x0  }
.Ltmp1:
0x71: {  	[sflag:s18] =	ssyncadd.s32 $0xFFFFC000;
	(pc) =	sbr.rel @p0 .LBB2_1-.Ltmp1, $4  }
0x72: {  	[hbm4b:s10+s3] =	stream.linear.scatter [tilespmem:s15], [sflag:$0x3], $0x4000, $0x38;
	[tilespmem:$0x8100] =	vst v63  }
0x73: {  	_ =	swait.ge [sflag:s13], $0x4000  }
0x74: {  	[sflag:s13] =	ssyncset.done $0x0  }
0x75: {  	[sflag:s13] =	ssyncadd.s32 $0xFFFFC000  }
0x76: {  	_ =	sfence.sel $0x180000  }
0x77: {  	[bflag:$0x0] =	sbarrier.arrive $0xFFFF  }
0x78: {  	p0 =	sne.s32 s1, $0x0;
	_ =	strace $0x9000004A  }
0x79: {  	s0 =	sadd.s32 @!p0 $0x100000, s0;
	[bflag:$0x2] =	sbarrier.arrive $0xFFFF  }
0x7a: {  	[sflag:s0] =	ssyncadd.tile.s32 @!p0 $0x1;
	_ =	shalt  }
.Lfunc_end2:
_tile_overlayer_lowered:
.L_overlay_start_2:
0x7b: {  	(tag) =	ssettag $0x2  }
0x7c: {  	s0 =	rddreg [dreg:$0x0];
	s2 =	stileid.u32  }
0x7d: {  	s1 =	rddreg [dreg:$0x1];
	p0 =	sne.s32 s2, $0x0  }
0x7e: {  	s3 =	rddreg [dreg:$0x2];
	[bflag:$0x3] =	sbarrier.arrive $0xFFFF;
	s2 =	simm.s32 @!p0 $0x1C03  }
0x7f: {  	[timem:s3], [sflag:s2] =	dma.local @!p0 [hbm:s0], s1  }
0x80: {  	s0 =	simm.s32 @!p0 $0x3  }
0x81: {  	_ =	swait.ge @!p0 [sflag:s0], s1  }
0x82: {  	s1 =	ssub.s32 @!p0 $0x0, s1;
	[sflag:s0] =	ssyncset.done @!p0 $0x0  }
0x83: {  	[sflag:s0] =	ssyncadd.s32 @!p0 s1  }
0x84: {  	[bflag:$0x3] =	sbarrier.arrive $0xFFFF  }
0x85: {  	_ =	shalt  }

</sc_bundles>
